<compile_context>
chip_gen: v7x
topology: tpu7x:2x2x1
jax: 0.10.2.dev20260603
libtpu: 0.0.44.dev20260713+nightly
codegen_flags: <defaults>
</compile_context>

<pallas_src>
import functools

import jax
import jax.numpy as jnp
from jax import lax
from jax.experimental import pallas as pl
from jax.experimental.pallas import tpu as pltpu
from jax.experimental.pallas import tpu_sc as plsc

N_TOK = 16384
D_IN = 2048
G_GRP = 8
E_PER_G = 8
E_TOT = G_GRP * E_PER_G
F_PAD = 72
BLK = 1024

NC = 2
NS = 16
NW = NC * NS
TOK_W = N_TOK // NW
LANES = 16
CHUNKS = TOK_W // LANES


def _gemm_exp_block(x_ref, w_ref, e_ref):
    z = jnp.dot(x_ref[...], w_ref[...],
                preferred_element_type=jnp.float32,
                precision=jax.lax.Precision.DEFAULT)
    e_ref[...] = jnp.exp(z)


def _tc_exp_logits(x, wct):
    return pl.pallas_call(
        _gemm_exp_block,
        grid=(N_TOK // BLK,),
        in_specs=[
            pl.BlockSpec((BLK, D_IN), lambda i: (i, 0)),
            pl.BlockSpec((D_IN, F_PAD), lambda i: (0, 0)),
        ],
        out_specs=pl.BlockSpec((BLK, F_PAD), lambda i: (i, 0)),
        out_shape=jax.ShapeDtypeStruct((N_TOK, F_PAD), jnp.float32),
    )(x, wct)


_SC_MESH = plsc.VectorSubcoreMesh(core_axis_name="c", subcore_axis_name="s")


@functools.partial(
    pl.kernel,
    mesh=_SC_MESH,
    compiler_params=pltpu.CompilerParams(needs_layout_passes=False),
    out_type=jax.ShapeDtypeStruct((N_TOK * E_TOT,), jnp.float32),
    scratch_types=[
        pltpu.VMEM((TOK_W * F_PAD,), jnp.float32),
        pltpu.VMEM((TOK_W * E_TOT,), jnp.float32),
    ],
)
def _sc_router(e_hbm, nw_hbm, e_v, nw_v):
    wid = lax.axis_index("s") * NC + lax.axis_index("c")
    tok0 = wid * TOK_W
    pltpu.sync_copy(e_hbm.at[pl.ds(tok0 * F_PAD, TOK_W * F_PAD)], e_v)
    lane = lax.iota(jnp.int32, LANES)

    @plsc.parallel_loop(0, CHUNKS, 1, unroll=4)
    def chunk(t):
        rows = t * LANES + lane
        ebase = rows * F_PAD
        obase = rows * E_TOT

        def feat(j):
            return plsc.load_gather(e_v, [ebase + j])

        ge = [feat(E_TOT + g) for g in range(G_GRP)]
        gsum = ge[0]
        for g in range(1, G_GRP):
            gsum = gsum + ge[g]
        grec = 1.0 / gsum

        wvals = []
        wsum = jnp.zeros((LANES,), jnp.float32)
        for g in range(G_GRP):
            gp = ge[g] * grec
            mgp = jnp.where(gp >= 0.125, gp, 0.0)
            es = [feat(g * E_PER_G + k) for k in range(E_PER_G)]
            esum = es[0]
            for k in range(1, E_PER_G):
                esum = esum + es[k]
            erec = 1.0 / esum
            for k in range(E_PER_G):
                ep = es[k] * erec
                w = jnp.where(ep >= 0.125, mgp * ep, 0.0)
                wsum = wsum + w
                wvals.append(w)

        wrec = 1.0 / jnp.maximum(wsum, 1e-9)
        for j in range(E_TOT):
            plsc.store_scatter(nw_v, [obase + j], wvals[j] * wrec)

    pltpu.sync_copy(nw_v, nw_hbm.at[pl.ds(tok0 * E_TOT, TOK_W * E_TOT)])


@jax.jit
def kernel(x, Wg, We):
    wct = jnp.concatenate([We, Wg], axis=0).T
    e = _tc_exp_logits(x, wct)
    nw = _sc_router(e.reshape(N_TOK * F_PAD)).reshape(N_TOK, E_TOT)
    return nw > 0.0, nw

# --- scband reference (transcript-rebuilt; emitter-appended) ---
"""Pipeline reference for scband-hierarchical-router-46084999086157 (READ-ONLY COPY).

The authoritative reference and input builder live on the scoring server;
editing this copy changes nothing except your own understanding.
"""

import jax, jax.numpy as jnp
import numpy as np

N = 16384
D = 2048
G = 8
E_G = 8
TEMP = 1.0

def setup_inputs(seed: int = 0) -> dict:
    key = jax.random.key(seed)
    k1, k2, k3 = jax.random.split(key, 3)
    x = jax.random.normal(k1, (N, D), dtype=jnp.float32)
    # nn.Linear weights: [out_features, in_features], kaiming-uniform-ish scale
    Wg = jax.random.normal(k2, (G, D), dtype=jnp.float32) * (1.0 / np.sqrt(D))
    We = jax.random.normal(k3, (G * E_G, D), dtype=jnp.float32) * (1.0 / np.sqrt(D))
    return {"x": x, "Wg": Wg, "We": We}

def reference(x, Wg, We):
    n = x.shape[0]
    # Level 1: group gate
    group_logits = x @ Wg.T                                  # [N, G]
    group_probs = jax.nn.softmax(group_logits / TEMP, axis=-1)
    group_mask = group_probs >= (1.0 / G)                    # [N, G] bool
    # Level 2: expert gate
    all_expert_logits = (x @ We.T).reshape(n, G, E_G)        # [N, G, E_g]
    expert_probs = jax.nn.softmax(all_expert_logits / TEMP, axis=-1)
    expert_mask = expert_probs >= (1.0 / E_G)                # [N, G, E_g] bool
    valid_mask_3d = group_mask[:, :, None] & expert_mask     # [N, G, E_g]
    final_weights_3d = group_probs[:, :, None] * expert_probs
    selected_weights_3d = final_weights_3d * valid_mask_3d.astype(jnp.float32)
    valid_mask = valid_mask_3d.reshape(n, -1)                # [N, G*E_g]
    selected_weights = selected_weights_3d.reshape(n, -1)
    weight_sum = jnp.sum(selected_weights, axis=-1, keepdims=True)
    weight_sum = jnp.clip(weight_sum, 1e-09, None)
    normalized_weights = selected_weights / weight_sum
    return (valid_mask, normalized_weights)

if __name__ == "__main__":
    import jax
    _d = setup_inputs()
    print(jax.jit(kernel)(*tuple(_d.values())))

</pallas_src>

<mosaic_0001>
#map = affine_map<(d0, d1) -> (0)>
module attributes {stable_mosaic.version = 14 : i64} {
  func.func @_sc_router(%arg0: i32, %arg1: i32, %arg2: memref<1179648xf32, #tpu.memory_space<hbm>>, %arg3: memref<1048576xf32, #tpu.memory_space<hbm>>, %arg4: memref<36864xf32, #tpu.memory_space<vmem>>, %arg5: memref<32768xf32, #tpu.memory_space<vmem>>) attributes {dimension_semantics = [#tpu.dimension_semantics<core_parallel>, #tpu.dimension_semantics<subcore_parallel>], iteration_bounds = array<i64: 2, 16>, scalar_prefetch = 0 : i64, scratch_operands = 2 : i64, tpu.core_type = #tpu.core_type<sc_vector_subcore>, window_params = [{transform_indices = #map}, {transform_indices = #map}]} {
    %mul3A = arith.constant 2 : i32
    %mul3A_0 = arith.muli %arg1, %mul3A : i32
    %add3A = arith.addi %mul3A_0, %arg0 : i32
    %mul3A_1 = arith.constant 512 : i32
    %mul3A_2 = arith.muli %add3A, %mul3A_1 : i32
    %mul3A_3 = arith.constant 72 : i32
    %mul3A_4 = arith.muli %mul3A_2, %mul3A_3 : i32
    "tpu.region"() ({
      %run_scoped3A = tpu.sem_alloc : memref<!tpu.dma_semaphore, #tpu.memory_space<semaphore_mem>>
      %dma_start3A = tpu.memref_slice %arg2[%mul3A_4] : memref<1179648xf32, #tpu.memory_space<hbm>> -> memref<36864xf32, #tpu.memory_space<hbm>>
      %dma_start3A_9 = tpu.memref_slice %arg2[%mul3A_4] : memref<1179648xf32, #tpu.memory_space<hbm>> -> memref<36864xf32, #tpu.memory_space<hbm>>
      tpu.enqueue_dma source(%dma_start3A_9 : memref<36864xf32, #tpu.memory_space<hbm>>) target(%arg4 : memref<36864xf32, #tpu.memory_space<vmem>>) target_semaphore(%run_scoped3A : memref<!tpu.dma_semaphore, #tpu.memory_space<semaphore_mem>>)
      %dma_wait3A = tpu.memref_slice %arg2[%mul3A_4] : memref<1179648xf32, #tpu.memory_space<hbm>> -> memref<36864xf32, #tpu.memory_space<hbm>>
      %dma_wait3A_10 = tpu.memref_slice %arg2[%mul3A_4] : memref<1179648xf32, #tpu.memory_space<hbm>> -> memref<36864xf32, #tpu.memory_space<hbm>>
      tpu.wait_dma2 semaphore(%run_scoped3A : memref<!tpu.dma_semaphore, #tpu.memory_space<semaphore_mem>>) src(%dma_wait3A_10 : memref<36864xf32, #tpu.memory_space<hbm>>) dst(%arg4 : memref<36864xf32, #tpu.memory_space<vmem>>)
      tpu.yield
    }) : () -> ()
    %iota3A = tpu.iota {dimensions = array<i32: 0>} : vector<16xi32>
    %parallel_loop3A = arith.constant 0 : i32
    %parallel_loop3A_5 = arith.constant 32 : i32
    %parallel_loop3A_6 = arith.constant 1 : i32
    scf.for %parallel_loop3A_9 = %parallel_loop3A to %parallel_loop3A_5 step %parallel_loop3A_6  : i32 {
      %parallel_loop3A_10 = arith.constant 16 : i32
      %parallel_loop3A_11 = arith.muli %parallel_loop3A_9, %parallel_loop3A_10 : i32
      %parallel_loop3A_12 = vector.broadcast %parallel_loop3A_11 : i32 to vector<16xi32>
      %parallel_loop3A_13 = arith.addi %parallel_loop3A_12, %iota3A : vector<16xi32>
      %parallel_loop3A_14 = arith.constant 72 : i32
      %parallel_loop3A_15 = vector.broadcast %parallel_loop3A_14 : i32 to vector<16xi32>
      %parallel_loop3A_16 = arith.muli %parallel_loop3A_13, %parallel_loop3A_15 : vector<16xi32>
      %parallel_loop3A_17 = arith.constant 64 : i32
      %parallel_loop3A_18 = vector.broadcast %parallel_loop3A_17 : i32 to vector<16xi32>
      %parallel_loop3A_19 = arith.muli %parallel_loop3A_13, %parallel_loop3A_18 : vector<16xi32>
      %parallel_loop3A_20 = arith.constant 64 : i32
      %parallel_loop3A_21 = vector.broadcast %parallel_loop3A_20 : i32 to vector<16xi32>
      %parallel_loop3A_22 = arith.addi %parallel_loop3A_16, %parallel_loop3A_21 : vector<16xi32>
      %parallel_loop3A_23 = tpu.vector_load_idx %arg4[%parallel_loop3A_22] : memref<36864xf32, #tpu.memory_space<vmem>>[vector<16xi32>], vector<16xf32>,
      %parallel_loop3A_24 = arith.constant 65 : i32
      %parallel_loop3A_25 = vector.broadcast %parallel_loop3A_24 : i32 to vector<16xi32>
      %parallel_loop3A_26 = arith.addi %parallel_loop3A_16, %parallel_loop3A_25 : vector<16xi32>
      %parallel_loop3A_27 = tpu.vector_load_idx %arg4[%parallel_loop3A_26] : memref<36864xf32, #tpu.memory_space<vmem>>[vector<16xi32>], vector<16xf32>,
      %parallel_loop3A_28 = arith.constant 66 : i32
      %parallel_loop3A_29 = vector.broadcast %parallel_loop3A_28 : i32 to vector<16xi32>
      %parallel_loop3A_30 = arith.addi %parallel_loop3A_16, %parallel_loop3A_29 : vector<16xi32>
      %parallel_loop3A_31 = tpu.vector_load_idx %arg4[%parallel_loop3A_30] : memref<36864xf32, #tpu.memory_space<vmem>>[vector<16xi32>], vector<16xf32>,
      %parallel_loop3A_32 = arith.constant 67 : i32
      %parallel_loop3A_33 = vector.broadcast %parallel_loop3A_32 : i32 to vector<16xi32>
      %parallel_loop3A_34 = arith.addi %parallel_loop3A_16, %parallel_loop3A_33 : vector<16xi32>
      %parallel_loop3A_35 = tpu.vector_load_idx %arg4[%parallel_loop3A_34] : memref<36864xf32, #tpu.memory_space<vmem>>[vector<16xi32>], vector<16xf32>,
      %parallel_loop3A_36 = arith.constant 68 : i32
      %parallel_loop3A_37 = vector.broadcast %parallel_loop3A_36 : i32 to vector<16xi32>
      %parallel_loop3A_38 = arith.addi %parallel_loop3A_16, %parallel_loop3A_37 : vector<16xi32>
      %parallel_loop3A_39 = tpu.vector_load_idx %arg4[%parallel_loop3A_38] : memref<36864xf32, #tpu.memory_space<vmem>>[vector<16xi32>], vector<16xf32>,
      %parallel_loop3A_40 = arith.constant 69 : i32
      %parallel_loop3A_41 = vector.broadcast %parallel_loop3A_40 : i32 to vector<16xi32>
      %parallel_loop3A_42 = arith.addi %parallel_loop3A_16, %parallel_loop3A_41 : vector<16xi32>
      %parallel_loop3A_43 = tpu.vector_load_idx %arg4[%parallel_loop3A_42] : memref<36864xf32, #tpu.memory_space<vmem>>[vector<16xi32>], vector<16xf32>,
      %parallel_loop3A_44 = arith.constant 70 : i32
      %parallel_loop3A_45 = vector.broadcast %parallel_loop3A_44 : i32 to vector<16xi32>
      %parallel_loop3A_46 = arith.addi %parallel_loop3A_16, %parallel_loop3A_45 : vector<16xi32>
      %parallel_loop3A_47 = tpu.vector_load_idx %arg4[%parallel_loop3A_46] : memref<36864xf32, #tpu.memory_space<vmem>>[vector<16xi32>], vector<16xf32>,
      %parallel_loop3A_48 = arith.constant 71 : i32
      %parallel_loop3A_49 = vector.broadcast %parallel_loop3A_48 : i32 to vector<16xi32>
      %parallel_loop3A_50 = arith.addi %parallel_loop3A_16, %parallel_loop3A_49 : vector<16xi32>
      %parallel_loop3A_51 = tpu.vector_load_idx %arg4[%parallel_loop3A_50] : memref<36864xf32, #tpu.memory_space<vmem>>[vector<16xi32>], vector<16xf32>,
      %parallel_loop3A_52 = arith.addf %parallel_loop3A_23, %parallel_loop3A_27 : vector<16xf32>
      %parallel_loop3A_53 = arith.addf %parallel_loop3A_52, %parallel_loop3A_31 : vector<16xf32>
      %parallel_loop3A_54 = arith.addf %parallel_loop3A_53, %parallel_loop3A_35 : vector<16xf32>
      %parallel_loop3A_55 = arith.addf %parallel_loop3A_54, %parallel_loop3A_39 : vector<16xf32>
      %parallel_loop3A_56 = arith.addf %parallel_loop3A_55, %parallel_loop3A_43 : vector<16xf32>
      %parallel_loop3A_57 = arith.addf %parallel_loop3A_56, %parallel_loop3A_47 : vector<16xf32>
      %parallel_loop3A_58 = arith.addf %parallel_loop3A_57, %parallel_loop3A_51 : vector<16xf32>
      %parallel_loop3A_59 = arith.constant 1.000000e+00 : f32
      %parallel_loop3A_60 = vector.broadcast %parallel_loop3A_59 : f32 to vector<16xf32>
      %parallel_loop3A_61 = arith.divf %parallel_loop3A_60, %parallel_loop3A_58 : vector<16xf32>
      %parallel_loop3A_62 = arith.constant 0.000000e+00 : f32
      %parallel_loop3A_63 = vector.broadcast %parallel_loop3A_62 : f32 to vector<16xf32>
      %parallel_loop3A_64 = arith.mulf %parallel_loop3A_23, %parallel_loop3A_61 : vector<16xf32>
      %parallel_loop3A_65 = arith.constant 1.250000e-01 : f32
      %parallel_loop3A_66 = vector.broadcast %parallel_loop3A_65 : f32 to vector<16xf32>
      %parallel_loop3A_67 = arith.cmpf oge, %parallel_loop3A_64, %parallel_loop3A_66 : vector<16xf32>
      %parallel_loop3A_68 = arith.constant 0.000000e+00 : f32
      %parallel_loop3A_69 = vector.broadcast %parallel_loop3A_68 : f32 to vector<16xf32>
      %parallel_loop3A_70 = arith.select %parallel_loop3A_67, %parallel_loop3A_64, %parallel_loop3A_69 : vector<16xi1>, vector<16xf32>
      %parallel_loop3A_71 = arith.constant 0 : i32
      %parallel_loop3A_72 = vector.broadcast %parallel_loop3A_71 : i32 to vector<16xi32>
      %parallel_loop3A_73 = arith.addi %parallel_loop3A_16, %parallel_loop3A_72 : vector<16xi32>
      %parallel_loop3A_74 = tpu.vector_load_idx %arg4[%parallel_loop3A_73] : memref<36864xf32, #tpu.memory_space<vmem>>[vector<16xi32>], vector<16xf32>,
      %parallel_loop3A_75 = arith.constant 1 : i32
      %parallel_loop3A_76 = vector.broadcast %parallel_loop3A_75 : i32 to vector<16xi32>
      %parallel_loop3A_77 = arith.addi %parallel_loop3A_16, %parallel_loop3A_76 : vector<16xi32>
      %parallel_loop3A_78 = tpu.vector_load_idx %arg4[%parallel_loop3A_77] : memref<36864xf32, #tpu.memory_space<vmem>>[vector<16xi32>], vector<16xf32>,
      %parallel_loop3A_79 = arith.constant 2 : i32
      %parallel_loop3A_80 = vector.broadcast %parallel_loop3A_79 : i32 to vector<16xi32>
      %parallel_loop3A_81 = arith.addi %parallel_loop3A_16, %parallel_loop3A_80 : vector<16xi32>
      %parallel_loop3A_82 = tpu.vector_load_idx %arg4[%parallel_loop3A_81] : memref<36864xf32, #tpu.memory_space<vmem>>[vector<16xi32>], vector<16xf32>,
      %parallel_loop3A_83 = arith.constant 3 : i32
      %parallel_loop3A_84 = vector.broadcast %parallel_loop3A_83 : i32 to vector<16xi32>
      %parallel_loop3A_85 = arith.addi %parallel_loop3A_16, %parallel_loop3A_84 : vector<16xi32>
      %parallel_loop3A_86 = tpu.vector_load_idx %arg4[%parallel_loop3A_85] : memref<36864xf32, #tpu.memory_space<vmem>>[vector<16xi32>], vector<16xf32>,
      %parallel_loop3A_87 = arith.constant 4 : i32
      %parallel_loop3A_88 = vector.broadcast %parallel_loop3A_87 : i32 to vector<16xi32>
      %parallel_loop3A_89 = arith.addi %parallel_loop3A_16, %parallel_loop3A_88 : vector<16xi32>
      %parallel_loop3A_90 = tpu.vector_load_idx %arg4[%parallel_loop3A_89] : memref<36864xf32, #tpu.memory_space<vmem>>[vector<16xi32>], vector<16xf32>,
      %parallel_loop3A_91 = arith.constant 5 : i32
      %parallel_loop3A_92 = vector.broadcast %parallel_loop3A_91 : i32 to vector<16xi32>
      %parallel_loop3A_93 = arith.addi %parallel_loop3A_16, %parallel_loop3A_92 : vector<16xi32>
      %parallel_loop3A_94 = tpu.vector_load_idx %arg4[%parallel_loop3A_93] : memref<36864xf32, #tpu.memory_space<vmem>>[vector<16xi32>], vector<16xf32>,
      %parallel_loop3A_95 = arith.constant 6 : i32
      %parallel_loop3A_96 = vector.broadcast %parallel_loop3A_95 : i32 to vector<16xi32>
      %parallel_loop3A_97 = arith.addi %parallel_loop3A_16, %parallel_loop3A_96 : vector<16xi32>
      %parallel_loop3A_98 = tpu.vector_load_idx %arg4[%parallel_loop3A_97] : memref<36864xf32, #tpu.memory_space<vmem>>[vector<16xi32>], vector<16xf32>,
      %parallel_loop3A_99 = arith.constant 7 : i32
      %parallel_loop3A_100 = vector.broadcast %parallel_loop3A_99 : i32 to vector<16xi32>
      %parallel_loop3A_101 = arith.addi %parallel_loop3A_16, %parallel_loop3A_100 : vector<16xi32>
      %parallel_loop3A_102 = tpu.vector_load_idx %arg4[%parallel_loop3A_101] : memref<36864xf32, #tpu.memory_space<vmem>>[vector<16xi32>], vector<16xf32>,
      %parallel_loop3A_103 = arith.addf %parallel_loop3A_74, %parallel_loop3A_78 : vector<16xf32>
      %parallel_loop3A_104 = arith.addf %parallel_loop3A_103, %parallel_loop3A_82 : vector<16xf32>
      %parallel_loop3A_105 = arith.addf %parallel_loop3A_104, %parallel_loop3A_86 : vector<16xf32>
      %parallel_loop3A_106 = arith.addf %parallel_loop3A_105, %parallel_loop3A_90 : vector<16xf32>
      %parallel_loop3A_107 = arith.addf %parallel_loop3A_106, %parallel_loop3A_94 : vector<16xf32>
      %parallel_loop3A_108 = arith.addf %parallel_loop3A_107, %parallel_loop3A_98 : vector<16xf32>
      %parallel_loop3A_109 = arith.addf %parallel_loop3A_108, %parallel_loop3A_102 : vector<16xf32>
      %parallel_loop3A_110 = arith.constant 1.000000e+00 : f32
      %parallel_loop3A_111 = vector.broadcast %parallel_loop3A_110 : f32 to vector<16xf32>
      %parallel_loop3A_112 = arith.divf %parallel_loop3A_111, %parallel_loop3A_109 : vector<16xf32>
      %parallel_loop3A_113 = arith.mulf %parallel_loop3A_74, %parallel_loop3A_112 : vector<16xf32>
      %parallel_loop3A_114 = arith.constant 1.250000e-01 : f32
      %parallel_loop3A_115 = vector.broadcast %parallel_loop3A_114 : f32 to vector<16xf32>
      %parallel_loop3A_116 = arith.cmpf oge, %parallel_loop3A_113, %parallel_loop3A_115 : vector<16xf32>
      %parallel_loop3A_117 = arith.mulf %parallel_loop3A_70, %parallel_loop3A_113 : vector<16xf32>
      %parallel_loop3A_118 = arith.constant 0.000000e+00 : f32
      %parallel_loop3A_119 = vector.broadcast %parallel_loop3A_118 : f32 to vector<16xf32>
      %parallel_loop3A_120 = arith.select %parallel_loop3A_116, %parallel_loop3A_117, %parallel_loop3A_119 : vector<16xi1>, vector<16xf32>
      %parallel_loop3A_121 = arith.addf %parallel_loop3A_63, %parallel_loop3A_120 : vector<16xf32>
      %parallel_loop3A_122 = arith.mulf %parallel_loop3A_78, %parallel_loop3A_112 : vector<16xf32>
      %parallel_loop3A_123 = arith.constant 1.250000e-01 : f32
      %parallel_loop3A_124 = vector.broadcast %parallel_loop3A_123 : f32 to vector<16xf32>
      %parallel_loop3A_125 = arith.cmpf oge, %parallel_loop3A_122, %parallel_loop3A_124 : vector<16xf32>
      %parallel_loop3A_126 = arith.mulf %parallel_loop3A_70, %parallel_loop3A_122 : vector<16xf32>
      %parallel_loop3A_127 = arith.constant 0.000000e+00 : f32
      %parallel_loop3A_128 = vector.broadcast %parallel_loop3A_127 : f32 to vector<16xf32>
      %parallel_loop3A_129 = arith.select %parallel_loop3A_125, %parallel_loop3A_126, %parallel_loop3A_128 : vector<16xi1>, vector<16xf32>
      %parallel_loop3A_130 = arith.addf %parallel_loop3A_121, %parallel_loop3A_129 : vector<16xf32>
      %parallel_loop3A_131 = arith.mulf %parallel_loop3A_82, %parallel_loop3A_112 : vector<16xf32>
      %parallel_loop3A_132 = arith.constant 1.250000e-01 : f32
      %parallel_loop3A_133 = vector.broadcast %parallel_loop3A_132 : f32 to vector<16xf32>
      %parallel_loop3A_134 = arith.cmpf oge, %parallel_loop3A_131, %parallel_loop3A_133 : vector<16xf32>
      %parallel_loop3A_135 = arith.mulf %parallel_loop3A_70, %parallel_loop3A_131 : vector<16xf32>
      %parallel_loop3A_136 = arith.constant 0.000000e+00 : f32
      %parallel_loop3A_137 = vector.broadcast %parallel_loop3A_136 : f32 to vector<16xf32>
      %parallel_loop3A_138 = arith.select %parallel_loop3A_134, %parallel_loop3A_135, %parallel_loop3A_137 : vector<16xi1>, vector<16xf32>
      %parallel_loop3A_139 = arith.addf %parallel_loop3A_130, %parallel_loop3A_138 : vector<16xf32>
      %parallel_loop3A_140 = arith.mulf %parallel_loop3A_86, %parallel_loop3A_112 : vector<16xf32>
      %parallel_loop3A_141 = arith.constant 1.250000e-01 : f32
      %parallel_loop3A_142 = vector.broadcast %parallel_loop3A_141 : f32 to vector<16xf32>
      %parallel_loop3A_143 = arith.cmpf oge, %parallel_loop3A_140, %parallel_loop3A_142 : vector<16xf32>
      %parallel_loop3A_144 = arith.mulf %parallel_loop3A_70, %parallel_loop3A_140 : vector<16xf32>
      %parallel_loop3A_145 = arith.constant 0.000000e+00 : f32
      %parallel_loop3A_146 = vector.broadcast %parallel_loop3A_145 : f32 to vector<16xf32>
      %parallel_loop3A_147 = arith.select %parallel_loop3A_143, %parallel_loop3A_144, %parallel_loop3A_146 : vector<16xi1>, vector<16xf32>
      %parallel_loop3A_148 = arith.addf %parallel_loop3A_139, %parallel_loop3A_147 : vector<16xf32>
      %parallel_loop3A_149 = arith.mulf %parallel_loop3A_90, %parallel_loop3A_112 : vector<16xf32>
      %parallel_loop3A_150 = arith.constant 1.250000e-01 : f32
      %parallel_loop3A_151 = vector.broadcast %parallel_loop3A_150 : f32 to vector<16xf32>
      %parallel_loop3A_152 = arith.cmpf oge, %parallel_loop3A_149, %parallel_loop3A_151 : vector<16xf32>
      %parallel_loop3A_153 = arith.mulf %parallel_loop3A_70, %parallel_loop3A_149 : vector<16xf32>
      %parallel_loop3A_154 = arith.constant 0.000000e+00 : f32
      %parallel_loop3A_155 = vector.broadcast %parallel_loop3A_154 : f32 to vector<16xf32>
      %parallel_loop3A_156 = arith.select %parallel_loop3A_152, %parallel_loop3A_153, %parallel_loop3A_155 : vector<16xi1>, vector<16xf32>
      %parallel_loop3A_157 = arith.addf %parallel_loop3A_148, %parallel_loop3A_156 : vector<16xf32>
      %parallel_loop3A_158 = arith.mulf %parallel_loop3A_94, %parallel_loop3A_112 : vector<16xf32>
      %parallel_loop3A_159 = arith.constant 1.250000e-01 : f32
      %parallel_loop3A_160 = vector.broadcast %parallel_loop3A_159 : f32 to vector<16xf32>
      %parallel_loop3A_161 = arith.cmpf oge, %parallel_loop3A_158, %parallel_loop3A_160 : vector<16xf32>
      %parallel_loop3A_162 = arith.mulf %parallel_loop3A_70, %parallel_loop3A_158 : vector<16xf32>
      %parallel_loop3A_163 = arith.constant 0.000000e+00 : f32
      %parallel_loop3A_164 = vector.broadcast %parallel_loop3A_163 : f32 to vector<16xf32>
      %parallel_loop3A_165 = arith.select %parallel_loop3A_161, %parallel_loop3A_162, %parallel_loop3A_164 : vector<16xi1>, vector<16xf32>
      %parallel_loop3A_166 = arith.addf %parallel_loop3A_157, %parallel_loop3A_165 : vector<16xf32>
      %parallel_loop3A_167 = arith.mulf %parallel_loop3A_98, %parallel_loop3A_112 : vector<16xf32>
      %parallel_loop3A_168 = arith.constant 1.250000e-01 : f32
      %parallel_loop3A_169 = vector.broadcast %parallel_loop3A_168 : f32 to vector<16xf32>
      %parallel_loop3A_170 = arith.cmpf oge, %parallel_loop3A_167, %parallel_loop3A_169 : vector<16xf32>
      %parallel_loop3A_171 = arith.mulf %parallel_loop3A_70, %parallel_loop3A_167 : vector<16xf32>
      %parallel_loop3A_172 = arith.constant 0.000000e+00 : f32
      %parallel_loop3A_173 = vector.broadcast %parallel_loop3A_172 : f32 to vector<16xf32>
      %parallel_loop3A_174 = arith.select %parallel_loop3A_170, %parallel_loop3A_171, %parallel_loop3A_173 : vector<16xi1>, vector<16xf32>
      %parallel_loop3A_175 = arith.addf %parallel_loop3A_166, %parallel_loop3A_174 : vector<16xf32>
      %parallel_loop3A_176 = arith.mulf %parallel_loop3A_102, %parallel_loop3A_112 : vector<16xf32>
      %parallel_loop3A_177 = arith.constant 1.250000e-01 : f32
      %parallel_loop3A_178 = vector.broadcast %parallel_loop3A_177 : f32 to vector<16xf32>
      %parallel_loop3A_179 = arith.cmpf oge, %parallel_loop3A_176, %parallel_loop3A_178 : vector<16xf32>
      %parallel_loop3A_180 = arith.mulf %parallel_loop3A_70, %parallel_loop3A_176 : vector<16xf32>
      %parallel_loop3A_181 = arith.constant 0.000000e+00 : f32
      %parallel_loop3A_182 = vector.broadcast %parallel_loop3A_181 : f32 to vector<16xf32>
      %parallel_loop3A_183 = arith.select %parallel_loop3A_179, %parallel_loop3A_180, %parallel_loop3A_182 : vector<16xi1>, vector<16xf32>
      %parallel_loop3A_184 = arith.addf %parallel_loop3A_175, %parallel_loop3A_183 : vector<16xf32>
      %parallel_loop3A_185 = arith.mulf %parallel_loop3A_27, %parallel_loop3A_61 : vector<16xf32>
      %parallel_loop3A_186 = arith.constant 1.250000e-01 : f32
      %parallel_loop3A_187 = vector.broadcast %parallel_loop3A_186 : f32 to vector<16xf32>
      %parallel_loop3A_188 = arith.cmpf oge, %parallel_loop3A_185, %parallel_loop3A_187 : vector<16xf32>
      %parallel_loop3A_189 = arith.constant 0.000000e+00 : f32
      %parallel_loop3A_190 = vector.broadcast %parallel_loop3A_189 : f32 to vector<16xf32>
      %parallel_loop3A_191 = arith.select %parallel_loop3A_188, %parallel_loop3A_185, %parallel_loop3A_190 : vector<16xi1>, vector<16xf32>
      %parallel_loop3A_192 = arith.constant 8 : i32
      %parallel_loop3A_193 = vector.broadcast %parallel_loop3A_192 : i32 to vector<16xi32>
      %parallel_loop3A_194 = arith.addi %parallel_loop3A_16, %parallel_loop3A_193 : vector<16xi32>
      %parallel_loop3A_195 = tpu.vector_load_idx %arg4[%parallel_loop3A_194] : memref<36864xf32, #tpu.memory_space<vmem>>[vector<16xi32>], vector<16xf32>,
      %parallel_loop3A_196 = arith.constant 9 : i32
      %parallel_loop3A_197 = vector.broadcast %parallel_loop3A_196 : i32 to vector<16xi32>
      %parallel_loop3A_198 = arith.addi %parallel_loop3A_16, %parallel_loop3A_197 : vector<16xi32>
      %parallel_loop3A_199 = tpu.vector_load_idx %arg4[%parallel_loop3A_198] : memref<36864xf32, #tpu.memory_space<vmem>>[vector<16xi32>], vector<16xf32>,
      %parallel_loop3A_200 = arith.constant 10 : i32
      %parallel_loop3A_201 = vector.broadcast %parallel_loop3A_200 : i32 to vector<16xi32>
      %parallel_loop3A_202 = arith.addi %parallel_loop3A_16, %parallel_loop3A_201 : vector<16xi32>
      %parallel_loop3A_203 = tpu.vector_load_idx %arg4[%parallel_loop3A_202] : memref<36864xf32, #tpu.memory_space<vmem>>[vector<16xi32>], vector<16xf32>,
      %parallel_loop3A_204 = arith.constant 11 : i32
      %parallel_loop3A_205 = vector.broadcast %parallel_loop3A_204 : i32 to vector<16xi32>
      %parallel_loop3A_206 = arith.addi %parallel_loop3A_16, %parallel_loop3A_205 : vector<16xi32>
      %parallel_loop3A_207 = tpu.vector_load_idx %arg4[%parallel_loop3A_206] : memref<36864xf32, #tpu.memory_space<vmem>>[vector<16xi32>], vector<16xf32>,
      %parallel_loop3A_208 = arith.constant 12 : i32
      %parallel_loop3A_209 = vector.broadcast %parallel_loop3A_208 : i32 to vector<16xi32>
      %parallel_loop3A_210 = arith.addi %parallel_loop3A_16, %parallel_loop3A_209 : vector<16xi32>
      %parallel_loop3A_211 = tpu.vector_load_idx %arg4[%parallel_loop3A_210] : memref<36864xf32, #tpu.memory_space<vmem>>[vector<16xi32>], vector<16xf32>,
      %parallel_loop3A_212 = arith.constant 13 : i32
      %parallel_loop3A_213 = vector.broadcast %parallel_loop3A_212 : i32 to vector<16xi32>
      %parallel_loop3A_214 = arith.addi %parallel_loop3A_16, %parallel_loop3A_213 : vector<16xi32>
      %parallel_loop3A_215 = tpu.vector_load_idx %arg4[%parallel_loop3A_214] : memref<36864xf32, #tpu.memory_space<vmem>>[vector<16xi32>], vector<16xf32>,
      %parallel_loop3A_216 = arith.constant 14 : i32
      %parallel_loop3A_217 = vector.broadcast %parallel_loop3A_216 : i32 to vector<16xi32>
      %parallel_loop3A_218 = arith.addi %parallel_loop3A_16, %parallel_loop3A_217 : vector<16xi32>
      %parallel_loop3A_219 = tpu.vector_load_idx %arg4[%parallel_loop3A_218] : memref<36864xf32, #tpu.memory_space<vmem>>[vector<16xi32>], vector<16xf32>,
      %parallel_loop3A_220 = arith.constant 15 : i32
      %parallel_loop3A_221 = vector.broadcast %parallel_loop3A_220 : i32 to vector<16xi32>
      %parallel_loop3A_222 = arith.addi %parallel_loop3A_16, %parallel_loop3A_221 : vector<16xi32>
      %parallel_loop3A_223 = tpu.vector_load_idx %arg4[%parallel_loop3A_222] : memref<36864xf32, #tpu.memory_space<vmem>>[vector<16xi32>], vector<16xf32>,
      %parallel_loop3A_224 = arith.addf %parallel_loop3A_195, %parallel_loop3A_199 : vector<16xf32>
      %parallel_loop3A_225 = arith.addf %parallel_loop3A_224, %parallel_loop3A_203 : vector<16xf32>
      %parallel_loop3A_226 = arith.addf %parallel_loop3A_225, %parallel_loop3A_207 : vector<16xf32>
      %parallel_loop3A_227 = arith.addf %parallel_loop3A_226, %parallel_loop3A_211 : vector<16xf32>
      %parallel_loop3A_228 = arith.addf %parallel_loop3A_227, %parallel_loop3A_215 : vector<16xf32>
      %parallel_loop3A_229 = arith.addf %parallel_loop3A_228, %parallel_loop3A_219 : vector<16xf32>
      %parallel_loop3A_230 = arith.addf %parallel_loop3A_229, %parallel_loop3A_223 : vector<16xf32>
      %parallel_loop3A_231 = arith.constant 1.000000e+00 : f32
      %parallel_loop3A_232 = vector.broadcast %parallel_loop3A_231 : f32 to vector<16xf32>
      %parallel_loop3A_233 = arith.divf %parallel_loop3A_232, %parallel_loop3A_230 : vector<16xf32>
      %parallel_loop3A_234 = arith.mulf %parallel_loop3A_195, %parallel_loop3A_233 : vector<16xf32>
      %parallel_loop3A_235 = arith.constant 1.250000e-01 : f32
      %parallel_loop3A_236 = vector.broadcast %parallel_loop3A_235 : f32 to vector<16xf32>
      %parallel_loop3A_237 = arith.cmpf oge, %parallel_loop3A_234, %parallel_loop3A_236 : vector<16xf32>
      %parallel_loop3A_238 = arith.mulf %parallel_loop3A_191, %parallel_loop3A_234 : vector<16xf32>
      %parallel_loop3A_239 = arith.constant 0.000000e+00 : f32
      %parallel_loop3A_240 = vector.broadcast %parallel_loop3A_239 : f32 to vector<16xf32>
      %parallel_loop3A_241 = arith.select %parallel_loop3A_237, %parallel_loop3A_238, %parallel_loop3A_240 : vector<16xi1>, vector<16xf32>
      %parallel_loop3A_242 = arith.addf %parallel_loop3A_184, %parallel_loop3A_241 : vector<16xf32>
      %parallel_loop3A_243 = arith.mulf %parallel_loop3A_199, %parallel_loop3A_233 : vector<16xf32>
      %parallel_loop3A_244 = arith.constant 1.250000e-01 : f32
      %parallel_loop3A_245 = vector.broadcast %parallel_loop3A_244 : f32 to vector<16xf32>
      %parallel_loop3A_246 = arith.cmpf oge, %parallel_loop3A_243, %parallel_loop3A_245 : vector<16xf32>
      %parallel_loop3A_247 = arith.mulf %parallel_loop3A_191, %parallel_loop3A_243 : vector<16xf32>
      %parallel_loop3A_248 = arith.constant 0.000000e+00 : f32
      %parallel_loop3A_249 = vector.broadcast %parallel_loop3A_248 : f32 to vector<16xf32>
      %parallel_loop3A_250 = arith.select %parallel_loop3A_246, %parallel_loop3A_247, %parallel_loop3A_249 : vector<16xi1>, vector<16xf32>
      %parallel_loop3A_251 = arith.addf %parallel_loop3A_242, %parallel_loop3A_250 : vector<16xf32>
      %parallel_loop3A_252 = arith.mulf %parallel_loop3A_203, %parallel_loop3A_233 : vector<16xf32>
      %parallel_loop3A_253 = arith.constant 1.250000e-01 : f32
      %parallel_loop3A_254 = vector.broadcast %parallel_loop3A_253 : f32 to vector<16xf32>
      %parallel_loop3A_255 = arith.cmpf oge, %parallel_loop3A_252, %parallel_loop3A_254 : vector<16xf32>
      %parallel_loop3A_256 = arith.mulf %parallel_loop3A_191, %parallel_loop3A_252 : vector<16xf32>
      %parallel_loop3A_257 = arith.constant 0.000000e+00 : f32
      %parallel_loop3A_258 = vector.broadcast %parallel_loop3A_257 : f32 to vector<16xf32>
      %parallel_loop3A_259 = arith.select %parallel_loop3A_255, %parallel_loop3A_256, %parallel_loop3A_258 : vector<16xi1>, vector<16xf32>
      %parallel_loop3A_260 = arith.addf %parallel_loop3A_251, %parallel_loop3A_259 : vector<16xf32>
      %parallel_loop3A_261 = arith.mulf %parallel_loop3A_207, %parallel_loop3A_233 : vector<16xf32>
      %parallel_loop3A_262 = arith.constant 1.250000e-01 : f32
      %parallel_loop3A_263 = vector.broadcast %parallel_loop3A_262 : f32 to vector<16xf32>
      %parallel_loop3A_264 = arith.cmpf oge, %parallel_loop3A_261, %parallel_loop3A_263 : vector<16xf32>
      %parallel_loop3A_265 = arith.mulf %parallel_loop3A_191, %parallel_loop3A_261 : vector<16xf32>
      %parallel_loop3A_266 = arith.constant 0.000000e+00 : f32
      %parallel_loop3A_267 = vector.broadcast %parallel_loop3A_266 : f32 to vector<16xf32>
      %parallel_loop3A_268 = arith.select %parallel_loop3A_264, %parallel_loop3A_265, %parallel_loop3A_267 : vector<16xi1>, vector<16xf32>
      %parallel_loop3A_269 = arith.addf %parallel_loop3A_260, %parallel_loop3A_268 : vector<16xf32>
      %parallel_loop3A_270 = arith.mulf %parallel_loop3A_211, %parallel_loop3A_233 : vector<16xf32>
      %parallel_loop3A_271 = arith.constant 1.250000e-01 : f32
      %parallel_loop3A_272 = vector.broadcast %parallel_loop3A_271 : f32 to vector<16xf32>
      %parallel_loop3A_273 = arith.cmpf oge, %parallel_loop3A_270, %parallel_loop3A_272 : vector<16xf32>
      %parallel_loop3A_274 = arith.mulf %parallel_loop3A_191, %parallel_loop3A_270 : vector<16xf32>
      %parallel_loop3A_275 = arith.constant 0.000000e+00 : f32
      %parallel_loop3A_276 = vector.broadcast %parallel_loop3A_275 : f32 to vector<16xf32>
      %parallel_loop3A_277 = arith.select %parallel_loop3A_273, %parallel_loop3A_274, %parallel_loop3A_276 : vector<16xi1>, vector<16xf32>
      %parallel_loop3A_278 = arith.addf %parallel_loop3A_269, %parallel_loop3A_277 : vector<16xf32>
      %parallel_loop3A_279 = arith.mulf %parallel_loop3A_215, %parallel_loop3A_233 : vector<16xf32>
      %parallel_loop3A_280 = arith.constant 1.250000e-01 : f32
      %parallel_loop3A_281 = vector.broadcast %parallel_loop3A_280 : f32 to vector<16xf32>
      %parallel_loop3A_282 = arith.cmpf oge, %parallel_loop3A_279, %parallel_loop3A_281 : vector<16xf32>
      %parallel_loop3A_283 = arith.mulf %parallel_loop3A_191, %parallel_loop3A_279 : vector<16xf32>
      %parallel_loop3A_284 = arith.constant 0.000000e+00 : f32
      %parallel_loop3A_285 = vector.broadcast %parallel_loop3A_284 : f32 to vector<16xf32>
      %parallel_loop3A_286 = arith.select %parallel_loop3A_282, %parallel_loop3A_283, %parallel_loop3A_285 : vector<16xi1>, vector<16xf32>
      %parallel_loop3A_287 = arith.addf %parallel_loop3A_278, %parallel_loop3A_286 : vector<16xf32>
      %parallel_loop3A_288 = arith.mulf %parallel_loop3A_219, %parallel_loop3A_233 : vector<16xf32>
      %parallel_loop3A_289 = arith.constant 1.250000e-01 : f32
      %parallel_loop3A_290 = vector.broadcast %parallel_loop3A_289 : f32 to vector<16xf32>
      %parallel_loop3A_291 = arith.cmpf oge, %parallel_loop3A_288, %parallel_loop3A_290 : vector<16xf32>
      %parallel_loop3A_292 = arith.mulf %parallel_loop3A_191, %parallel_loop3A_288 : vector<16xf32>
      %parallel_loop3A_293 = arith.constant 0.000000e+00 : f32
      %parallel_loop3A_294 = vector.broadcast %parallel_loop3A_293 : f32 to vector<16xf32>
      %parallel_loop3A_295 = arith.select %parallel_loop3A_291, %parallel_loop3A_292, %parallel_loop3A_294 : vector<16xi1>, vector<16xf32>
      %parallel_loop3A_296 = arith.addf %parallel_loop3A_287, %parallel_loop3A_295 : vector<16xf32>
      %parallel_loop3A_297 = arith.mulf %parallel_loop3A_223, %parallel_loop3A_233 : vector<16xf32>
      %parallel_loop3A_298 = arith.constant 1.250000e-01 : f32
      %parallel_loop3A_299 = vector.broadcast %parallel_loop3A_298 : f32 to vector<16xf32>
      %parallel_loop3A_300 = arith.cmpf oge, %parallel_loop3A_297, %parallel_loop3A_299 : vector<16xf32>
      %parallel_loop3A_301 = arith.mulf %parallel_loop3A_191, %parallel_loop3A_297 : vector<16xf32>
      %parallel_loop3A_302 = arith.constant 0.000000e+00 : f32
      %parallel_loop3A_303 = vector.broadcast %parallel_loop3A_302 : f32 to vector<16xf32>
      %parallel_loop3A_304 = arith.select %parallel_loop3A_300, %parallel_loop3A_301, %parallel_loop3A_303 : vector<16xi1>, vector<16xf32>
      %parallel_loop3A_305 = arith.addf %parallel_loop3A_296, %parallel_loop3A_304 : vector<16xf32>
      %parallel_loop3A_306 = arith.mulf %parallel_loop3A_31, %parallel_loop3A_61 : vector<16xf32>
      %parallel_loop3A_307 = arith.constant 1.250000e-01 : f32
      %parallel_loop3A_308 = vector.broadcast %parallel_loop3A_307 : f32 to vector<16xf32>
      %parallel_loop3A_309 = arith.cmpf oge, %parallel_loop3A_306, %parallel_loop3A_308 : vector<16xf32>
      %parallel_loop3A_310 = arith.constant 0.000000e+00 : f32
      %parallel_loop3A_311 = vector.broadcast %parallel_loop3A_310 : f32 to vector<16xf32>
      %parallel_loop3A_312 = arith.select %parallel_loop3A_309, %parallel_loop3A_306, %parallel_loop3A_311 : vector<16xi1>, vector<16xf32>
      %parallel_loop3A_313 = arith.constant 16 : i32
      %parallel_loop3A_314 = vector.broadcast %parallel_loop3A_313 : i32 to vector<16xi32>
      %parallel_loop3A_315 = arith.addi %parallel_loop3A_16, %parallel_loop3A_314 : vector<16xi32>
      %parallel_loop3A_316 = tpu.vector_load_idx %arg4[%parallel_loop3A_315] : memref<36864xf32, #tpu.memory_space<vmem>>[vector<16xi32>], vector<16xf32>,
      %parallel_loop3A_317 = arith.constant 17 : i32
      %parallel_loop3A_318 = vector.broadcast %parallel_loop3A_317 : i32 to vector<16xi32>
      %parallel_loop3A_319 = arith.addi %parallel_loop3A_16, %parallel_loop3A_318 : vector<16xi32>
      %parallel_loop3A_320 = tpu.vector_load_idx %arg4[%parallel_loop3A_319] : memref<36864xf32, #tpu.memory_space<vmem>>[vector<16xi32>], vector<16xf32>,
      %parallel_loop3A_321 = arith.constant 18 : i32
      %parallel_loop3A_322 = vector.broadcast %parallel_loop3A_321 : i32 to vector<16xi32>
      %parallel_loop3A_323 = arith.addi %parallel_loop3A_16, %parallel_loop3A_322 : vector<16xi32>
      %parallel_loop3A_324 = tpu.vector_load_idx %arg4[%parallel_loop3A_323] : memref<36864xf32, #tpu.memory_space<vmem>>[vector<16xi32>], vector<16xf32>,
      %parallel_loop3A_325 = arith.constant 19 : i32
      %parallel_loop3A_326 = vector.broadcast %parallel_loop3A_325 : i32 to vector<16xi32>
      %parallel_loop3A_327 = arith.addi %parallel_loop3A_16, %parallel_loop3A_326 : vector<16xi32>
      %parallel_loop3A_328 = tpu.vector_load_idx %arg4[%parallel_loop3A_327] : memref<36864xf32, #tpu.memory_space<vmem>>[vector<16xi32>], vector<16xf32>,
      %parallel_loop3A_329 = arith.constant 20 : i32
      %parallel_loop3A_330 = vector.broadcast %parallel_loop3A_329 : i32 to vector<16xi32>
      %parallel_loop3A_331 = arith.addi %parallel_loop3A_16, %parallel_loop3A_330 : vector<16xi32>
      %parallel_loop3A_332 = tpu.vector_load_idx %arg4[%parallel_loop3A_331] : memref<36864xf32, #tpu.memory_space<vmem>>[vector<16xi32>], vector<16xf32>,
      %parallel_loop3A_333 = arith.constant 21 : i32
      %parallel_loop3A_334 = vector.broadcast %parallel_loop3A_333 : i32 to vector<16xi32>
      %parallel_loop3A_335 = arith.addi %parallel_loop3A_16, %parallel_loop3A_334 : vector<16xi32>
      %parallel_loop3A_336 = tpu.vector_load_idx %arg4[%parallel_loop3A_335] : memref<36864xf32, #tpu.memory_space<vmem>>[vector<16xi32>], vector<16xf32>,
      %parallel_loop3A_337 = arith.constant 22 : i32
      %parallel_loop3A_338 = vector.broadcast %parallel_loop3A_337 : i32 to vector<16xi32>
      %parallel_loop3A_339 = arith.addi %parallel_loop3A_16, %parallel_loop3A_338 : vector<16xi32>
      %parallel_loop3A_340 = tpu.vector_load_idx %arg4[%parallel_loop3A_339] : memref<36864xf32, #tpu.memory_space<vmem>>[vector<16xi32>], vector<16xf32>,
      %parallel_loop3A_341 = arith.constant 23 : i32
      %parallel_loop3A_342 = vector.broadcast %parallel_loop3A_341 : i32 to vector<16xi32>
      %parallel_loop3A_343 = arith.addi %parallel_loop3A_16, %parallel_loop3A_342 : vector<16xi32>
      %parallel_loop3A_344 = tpu.vector_load_idx %arg4[%parallel_loop3A_343] : memref<36864xf32, #tpu.memory_space<vmem>>[vector<16xi32>], vector<16xf32>,
      %parallel_loop3A_345 = arith.addf %parallel_loop3A_316, %parallel_loop3A_320 : vector<16xf32>
      %parallel_loop3A_346 = arith.addf %parallel_loop3A_345, %parallel_loop3A_324 : vector<16xf32>
      %parallel_loop3A_347 = arith.addf %parallel_loop3A_346, %parallel_loop3A_328 : vector<16xf32>
      %parallel_loop3A_348 = arith.addf %parallel_loop3A_347, %parallel_loop3A_332 : vector<16xf32>
      %parallel_loop3A_349 = arith.addf %parallel_loop3A_348, %parallel_loop3A_336 : vector<16xf32>
      %parallel_loop3A_350 = arith.addf %parallel_loop3A_349, %parallel_loop3A_340 : vector<16xf32>
      %parallel_loop3A_351 = arith.addf %parallel_loop3A_350, %parallel_loop3A_344 : vector<16xf32>
      %parallel_loop3A_352 = arith.constant 1.000000e+00 : f32
      %parallel_loop3A_353 = vector.broadcast %parallel_loop3A_352 : f32 to vector<16xf32>
      %parallel_loop3A_354 = arith.divf %parallel_loop3A_353, %parallel_loop3A_351 : vector<16xf32>
      %parallel_loop3A_355 = arith.mulf %parallel_loop3A_316, %parallel_loop3A_354 : vector<16xf32>
      %parallel_loop3A_356 = arith.constant 1.250000e-01 : f32
      %parallel_loop3A_357 = vector.broadcast %parallel_loop3A_356 : f32 to vector<16xf32>
      %parallel_loop3A_358 = arith.cmpf oge, %parallel_loop3A_355, %parallel_loop3A_357 : vector<16xf32>
      %parallel_loop3A_359 = arith.mulf %parallel_loop3A_312, %parallel_loop3A_355 : vector<16xf32>
      %parallel_loop3A_360 = arith.constant 0.000000e+00 : f32
      %parallel_loop3A_361 = vector.broadcast %parallel_loop3A_360 : f32 to vector<16xf32>
      %parallel_loop3A_362 = arith.select %parallel_loop3A_358, %parallel_loop3A_359, %parallel_loop3A_361 : vector<16xi1>, vector<16xf32>
      %parallel_loop3A_363 = arith.addf %parallel_loop3A_305, %parallel_loop3A_362 : vector<16xf32>
      %parallel_loop3A_364 = arith.mulf %parallel_loop3A_320, %parallel_loop3A_354 : vector<16xf32>
      %parallel_loop3A_365 = arith.constant 1.250000e-01 : f32
      %parallel_loop3A_366 = vector.broadcast %parallel_loop3A_365 : f32 to vector<16xf32>
      %parallel_loop3A_367 = arith.cmpf oge, %parallel_loop3A_364, %parallel_loop3A_366 : vector<16xf32>
      %parallel_loop3A_368 = arith.mulf %parallel_loop3A_312, %parallel_loop3A_364 : vector<16xf32>
      %parallel_loop3A_369 = arith.constant 0.000000e+00 : f32
      %parallel_loop3A_370 = vector.broadcast %parallel_loop3A_369 : f32 to vector<16xf32>
      %parallel_loop3A_371 = arith.select %parallel_loop3A_367, %parallel_loop3A_368, %parallel_loop3A_370 : vector<16xi1>, vector<16xf32>
      %parallel_loop3A_372 = arith.addf %parallel_loop3A_363, %parallel_loop3A_371 : vector<16xf32>
      %parallel_loop3A_373 = arith.mulf %parallel_loop3A_324, %parallel_loop3A_354 : vector<16xf32>
      %parallel_loop3A_374 = arith.constant 1.250000e-01 : f32
      %parallel_loop3A_375 = vector.broadcast %parallel_loop3A_374 : f32 to vector<16xf32>
      %parallel_loop3A_376 = arith.cmpf oge, %parallel_loop3A_373, %parallel_loop3A_375 : vector<16xf32>
      %parallel_loop3A_377 = arith.mulf %parallel_loop3A_312, %parallel_loop3A_373 : vector<16xf32>
      %parallel_loop3A_378 = arith.constant 0.000000e+00 : f32
      %parallel_loop3A_379 = vector.broadcast %parallel_loop3A_378 : f32 to vector<16xf32>
      %parallel_loop3A_380 = arith.select %parallel_loop3A_376, %parallel_loop3A_377, %parallel_loop3A_379 : vector<16xi1>, vector<16xf32>
      %parallel_loop3A_381 = arith.addf %parallel_loop3A_372, %parallel_loop3A_380 : vector<16xf32>
      %parallel_loop3A_382 = arith.mulf %parallel_loop3A_328, %parallel_loop3A_354 : vector<16xf32>
      %parallel_loop3A_383 = arith.constant 1.250000e-01 : f32
      %parallel_loop3A_384 = vector.broadcast %parallel_loop3A_383 : f32 to vector<16xf32>
      %parallel_loop3A_385 = arith.cmpf oge, %parallel_loop3A_382, %parallel_loop3A_384 : vector<16xf32>
      %parallel_loop3A_386 = arith.mulf %parallel_loop3A_312, %parallel_loop3A_382 : vector<16xf32>
      %parallel_loop3A_387 = arith.constant 0.000000e+00 : f32
      %parallel_loop3A_388 = vector.broadcast %parallel_loop3A_387 : f32 to vector<16xf32>
      %parallel_loop3A_389 = arith.select %parallel_loop3A_385, %parallel_loop3A_386, %parallel_loop3A_388 : vector<16xi1>, vector<16xf32>
      %parallel_loop3A_390 = arith.addf %parallel_loop3A_381, %parallel_loop3A_389 : vector<16xf32>
      %parallel_loop3A_391 = arith.mulf %parallel_loop3A_332, %parallel_loop3A_354 : vector<16xf32>
      %parallel_loop3A_392 = arith.constant 1.250000e-01 : f32
      %parallel_loop3A_393 = vector.broadcast %parallel_loop3A_392 : f32 to vector<16xf32>
      %parallel_loop3A_394 = arith.cmpf oge, %parallel_loop3A_391, %parallel_loop3A_393 : vector<16xf32>
      %parallel_loop3A_395 = arith.mulf %parallel_loop3A_312, %parallel_loop3A_391 : vector<16xf32>
      %parallel_loop3A_396 = arith.constant 0.000000e+00 : f32
      %parallel_loop3A_397 = vector.broadcast %parallel_loop3A_396 : f32 to vector<16xf32>
      %parallel_loop3A_398 = arith.select %parallel_loop3A_394, %parallel_loop3A_395, %parallel_loop3A_397 : vector<16xi1>, vector<16xf32>
      %parallel_loop3A_399 = arith.addf %parallel_loop3A_390, %parallel_loop3A_398 : vector<16xf32>
      %parallel_loop3A_400 = arith.mulf %parallel_loop3A_336, %parallel_loop3A_354 : vector<16xf32>
      %parallel_loop3A_401 = arith.constant 1.250000e-01 : f32
      %parallel_loop3A_402 = vector.broadcast %parallel_loop3A_401 : f32 to vector<16xf32>
      %parallel_loop3A_403 = arith.cmpf oge, %parallel_loop3A_400, %parallel_loop3A_402 : vector<16xf32>
      %parallel_loop3A_404 = arith.mulf %parallel_loop3A_312, %parallel_loop3A_400 : vector<16xf32>
      %parallel_loop3A_405 = arith.constant 0.000000e+00 : f32
      %parallel_loop3A_406 = vector.broadcast %parallel_loop3A_405 : f32 to vector<16xf32>
      %parallel_loop3A_407 = arith.select %parallel_loop3A_403, %parallel_loop3A_404, %parallel_loop3A_406 : vector<16xi1>, vector<16xf32>
      %parallel_loop3A_408 = arith.addf %parallel_loop3A_399, %parallel_loop3A_407 : vector<16xf32>
      %parallel_loop3A_409 = arith.mulf %parallel_loop3A_340, %parallel_loop3A_354 : vector<16xf32>
      %parallel_loop3A_410 = arith.constant 1.250000e-01 : f32
      %parallel_loop3A_411 = vector.broadcast %parallel_loop3A_410 : f32 to vector<16xf32>
      %parallel_loop3A_412 = arith.cmpf oge, %parallel_loop3A_409, %parallel_loop3A_411 : vector<16xf32>
      %parallel_loop3A_413 = arith.mulf %parallel_loop3A_312, %parallel_loop3A_409 : vector<16xf32>
      %parallel_loop3A_414 = arith.constant 0.000000e+00 : f32
      %parallel_loop3A_415 = vector.broadcast %parallel_loop3A_414 : f32 to vector<16xf32>
      %parallel_loop3A_416 = arith.select %parallel_loop3A_412, %parallel_loop3A_413, %parallel_loop3A_415 : vector<16xi1>, vector<16xf32>
      %parallel_loop3A_417 = arith.addf %parallel_loop3A_408, %parallel_loop3A_416 : vector<16xf32>
      %parallel_loop3A_418 = arith.mulf %parallel_loop3A_344, %parallel_loop3A_354 : vector<16xf32>
      %parallel_loop3A_419 = arith.constant 1.250000e-01 : f32
      %parallel_loop3A_420 = vector.broadcast %parallel_loop3A_419 : f32 to vector<16xf32>
      %parallel_loop3A_421 = arith.cmpf oge, %parallel_loop3A_418, %parallel_loop3A_420 : vector<16xf32>
      %parallel_loop3A_422 = arith.mulf %parallel_loop3A_312, %parallel_loop3A_418 : vector<16xf32>
      %parallel_loop3A_423 = arith.constant 0.000000e+00 : f32
      %parallel_loop3A_424 = vector.broadcast %parallel_loop3A_423 : f32 to vector<16xf32>
      %parallel_loop3A_425 = arith.select %parallel_loop3A_421, %parallel_loop3A_422, %parallel_loop3A_424 : vector<16xi1>, vector<16xf32>
      %parallel_loop3A_426 = arith.addf %parallel_loop3A_417, %parallel_loop3A_425 : vector<16xf32>
      %parallel_loop3A_427 = arith.mulf %parallel_loop3A_35, %parallel_loop3A_61 : vector<16xf32>
      %parallel_loop3A_428 = arith.constant 1.250000e-01 : f32
      %parallel_loop3A_429 = vector.broadcast %parallel_loop3A_428 : f32 to vector<16xf32>
      %parallel_loop3A_430 = arith.cmpf oge, %parallel_loop3A_427, %parallel_loop3A_429 : vector<16xf32>
      %parallel_loop3A_431 = arith.constant 0.000000e+00 : f32
      %parallel_loop3A_432 = vector.broadcast %parallel_loop3A_431 : f32 to vector<16xf32>
      %parallel_loop3A_433 = arith.select %parallel_loop3A_430, %parallel_loop3A_427, %parallel_loop3A_432 : vector<16xi1>, vector<16xf32>
      %parallel_loop3A_434 = arith.constant 24 : i32
      %parallel_loop3A_435 = vector.broadcast %parallel_loop3A_434 : i32 to vector<16xi32>
      %parallel_loop3A_436 = arith.addi %parallel_loop3A_16, %parallel_loop3A_435 : vector<16xi32>
      %parallel_loop3A_437 = tpu.vector_load_idx %arg4[%parallel_loop3A_436] : memref<36864xf32, #tpu.memory_space<vmem>>[vector<16xi32>], vector<16xf32>,
      %parallel_loop3A_438 = arith.constant 25 : i32
      %parallel_loop3A_439 = vector.broadcast %parallel_loop3A_438 : i32 to vector<16xi32>
      %parallel_loop3A_440 = arith.addi %parallel_loop3A_16, %parallel_loop3A_439 : vector<16xi32>
      %parallel_loop3A_441 = tpu.vector_load_idx %arg4[%parallel_loop3A_440] : memref<36864xf32, #tpu.memory_space<vmem>>[vector<16xi32>], vector<16xf32>,
      %parallel_loop3A_442 = arith.constant 26 : i32
      %parallel_loop3A_443 = vector.broadcast %parallel_loop3A_442 : i32 to vector<16xi32>
      %parallel_loop3A_444 = arith.addi %parallel_loop3A_16, %parallel_loop3A_443 : vector<16xi32>
      %parallel_loop3A_445 = tpu.vector_load_idx %arg4[%parallel_loop3A_444] : memref<36864xf32, #tpu.memory_space<vmem>>[vector<16xi32>], vector<16xf32>,
      %parallel_loop3A_446 = arith.constant 27 : i32
      %parallel_loop3A_447 = vector.broadcast %parallel_loop3A_446 : i32 to vector<16xi32>
      %parallel_loop3A_448 = arith.addi %parallel_loop3A_16, %parallel_loop3A_447 : vector<16xi32>
      %parallel_loop3A_449 = tpu.vector_load_idx %arg4[%parallel_loop3A_448] : memref<36864xf32, #tpu.memory_space<vmem>>[vector<16xi32>], vector<16xf32>,
      %parallel_loop3A_450 = arith.constant 28 : i32
      %parallel_loop3A_451 = vector.broadcast %parallel_loop3A_450 : i32 to vector<16xi32>
      %parallel_loop3A_452 = arith.addi %parallel_loop3A_16, %parallel_loop3A_451 : vector<16xi32>
      %parallel_loop3A_453 = tpu.vector_load_idx %arg4[%parallel_loop3A_452] : memref<36864xf32, #tpu.memory_space<vmem>>[vector<16xi32>], vector<16xf32>,
      %parallel_loop3A_454 = arith.constant 29 : i32
      %parallel_loop3A_455 = vector.broadcast %parallel_loop3A_454 : i32 to vector<16xi32>
      %parallel_loop3A_456 = arith.addi %parallel_loop3A_16, %parallel_loop3A_455 : vector<16xi32>
      %parallel_loop3A_457 = tpu.vector_load_idx %arg4[%parallel_loop3A_456] : memref<36864xf32, #tpu.memory_space<vmem>>[vector<16xi32>], vector<16xf32>,
      %parallel_loop3A_458 = arith.constant 30 : i32
      %parallel_loop3A_459 = vector.broadcast %parallel_loop3A_458 : i32 to vector<16xi32>
      %parallel_loop3A_460 = arith.addi %parallel_loop3A_16, %parallel_loop3A_459 : vector<16xi32>
      %parallel_loop3A_461 = tpu.vector_load_idx %arg4[%parallel_loop3A_460] : memref<36864xf32, #tpu.memory_space<vmem>>[vector<16xi32>], vector<16xf32>,
      %parallel_loop3A_462 = arith.constant 31 : i32
      %parallel_loop3A_463 = vector.broadcast %parallel_loop3A_462 : i32 to vector<16xi32>
      %parallel_loop3A_464 = arith.addi %parallel_loop3A_16, %parallel_loop3A_463 : vector<16xi32>
      %parallel_loop3A_465 = tpu.vector_load_idx %arg4[%parallel_loop3A_464] : memref<36864xf32, #tpu.memory_space<vmem>>[vector<16xi32>], vector<16xf32>,
      %parallel_loop3A_466 = arith.addf %parallel_loop3A_437, %parallel_loop3A_441 : vector<16xf32>
      %parallel_loop3A_467 = arith.addf %parallel_loop3A_466, %parallel_loop3A_445 : vector<16xf32>
      %parallel_loop3A_468 = arith.addf %parallel_loop3A_467, %parallel_loop3A_449 : vector<16xf32>
      %parallel_loop3A_469 = arith.addf %parallel_loop3A_468, %parallel_loop3A_453 : vector<16xf32>
      %parallel_loop3A_470 = arith.addf %parallel_loop3A_469, %parallel_loop3A_457 : vector<16xf32>
      %parallel_loop3A_471 = arith.addf %parallel_loop3A_470, %parallel_loop3A_461 : vector<16xf32>
      %parallel_loop3A_472 = arith.addf %parallel_loop3A_471, %parallel_loop3A_465 : vector<16xf32>
      %parallel_loop3A_473 = arith.constant 1.000000e+00 : f32
      %parallel_loop3A_474 = vector.broadcast %parallel_loop3A_473 : f32 to vector<16xf32>
      %parallel_loop3A_475 = arith.divf %parallel_loop3A_474, %parallel_loop3A_472 : vector<16xf32>
      %parallel_loop3A_476 = arith.mulf %parallel_loop3A_437, %parallel_loop3A_475 : vector<16xf32>
      %parallel_loop3A_477 = arith.constant 1.250000e-01 : f32
      %parallel_loop3A_478 = vector.broadcast %parallel_loop3A_477 : f32 to vector<16xf32>
      %parallel_loop3A_479 = arith.cmpf oge, %parallel_loop3A_476, %parallel_loop3A_478 : vector<16xf32>
      %parallel_loop3A_480 = arith.mulf %parallel_loop3A_433, %parallel_loop3A_476 : vector<16xf32>
      %parallel_loop3A_481 = arith.constant 0.000000e+00 : f32
      %parallel_loop3A_482 = vector.broadcast %parallel_loop3A_481 : f32 to vector<16xf32>
      %parallel_loop3A_483 = arith.select %parallel_loop3A_479, %parallel_loop3A_480, %parallel_loop3A_482 : vector<16xi1>, vector<16xf32>
      %parallel_loop3A_484 = arith.addf %parallel_loop3A_426, %parallel_loop3A_483 : vector<16xf32>
      %parallel_loop3A_485 = arith.mulf %parallel_loop3A_441, %parallel_loop3A_475 : vector<16xf32>
      %parallel_loop3A_486 = arith.constant 1.250000e-01 : f32
      %parallel_loop3A_487 = vector.broadcast %parallel_loop3A_486 : f32 to vector<16xf32>
      %parallel_loop3A_488 = arith.cmpf oge, %parallel_loop3A_485, %parallel_loop3A_487 : vector<16xf32>
      %parallel_loop3A_489 = arith.mulf %parallel_loop3A_433, %parallel_loop3A_485 : vector<16xf32>
      %parallel_loop3A_490 = arith.constant 0.000000e+00 : f32
      %parallel_loop3A_491 = vector.broadcast %parallel_loop3A_490 : f32 to vector<16xf32>
      %parallel_loop3A_492 = arith.select %parallel_loop3A_488, %parallel_loop3A_489, %parallel_loop3A_491 : vector<16xi1>, vector<16xf32>
      %parallel_loop3A_493 = arith.addf %parallel_loop3A_484, %parallel_loop3A_492 : vector<16xf32>
      %parallel_loop3A_494 = arith.mulf %parallel_loop3A_445, %parallel_loop3A_475 : vector<16xf32>
      %parallel_loop3A_495 = arith.constant 1.250000e-01 : f32
      %parallel_loop3A_496 = vector.broadcast %parallel_loop3A_495 : f32 to vector<16xf32>
      %parallel_loop3A_497 = arith.cmpf oge, %parallel_loop3A_494, %parallel_loop3A_496 : vector<16xf32>
      %parallel_loop3A_498 = arith.mulf %parallel_loop3A_433, %parallel_loop3A_494 : vector<16xf32>
      %parallel_loop3A_499 = arith.constant 0.000000e+00 : f32
      %parallel_loop3A_500 = vector.broadcast %parallel_loop3A_499 : f32 to vector<16xf32>
      %parallel_loop3A_501 = arith.select %parallel_loop3A_497, %parallel_loop3A_498, %parallel_loop3A_500 : vector<16xi1>, vector<16xf32>
      %parallel_loop3A_502 = arith.addf %parallel_loop3A_493, %parallel_loop3A_501 : vector<16xf32>
      %parallel_loop3A_503 = arith.mulf %parallel_loop3A_449, %parallel_loop3A_475 : vector<16xf32>
      %parallel_loop3A_504 = arith.constant 1.250000e-01 : f32
      %parallel_loop3A_505 = vector.broadcast %parallel_loop3A_504 : f32 to vector<16xf32>
      %parallel_loop3A_506 = arith.cmpf oge, %parallel_loop3A_503, %parallel_loop3A_505 : vector<16xf32>
      %parallel_loop3A_507 = arith.mulf %parallel_loop3A_433, %parallel_loop3A_503 : vector<16xf32>
      %parallel_loop3A_508 = arith.constant 0.000000e+00 : f32
      %parallel_loop3A_509 = vector.broadcast %parallel_loop3A_508 : f32 to vector<16xf32>
      %parallel_loop3A_510 = arith.select %parallel_loop3A_506, %parallel_loop3A_507, %parallel_loop3A_509 : vector<16xi1>, vector<16xf32>
      %parallel_loop3A_511 = arith.addf %parallel_loop3A_502, %parallel_loop3A_510 : vector<16xf32>
      %parallel_loop3A_512 = arith.mulf %parallel_loop3A_453, %parallel_loop3A_475 : vector<16xf32>
      %parallel_loop3A_513 = arith.constant 1.250000e-01 : f32
      %parallel_loop3A_514 = vector.broadcast %parallel_loop3A_513 : f32 to vector<16xf32>
      %parallel_loop3A_515 = arith.cmpf oge, %parallel_loop3A_512, %parallel_loop3A_514 : vector<16xf32>
      %parallel_loop3A_516 = arith.mulf %parallel_loop3A_433, %parallel_loop3A_512 : vector<16xf32>
      %parallel_loop3A_517 = arith.constant 0.000000e+00 : f32
      %parallel_loop3A_518 = vector.broadcast %parallel_loop3A_517 : f32 to vector<16xf32>
      %parallel_loop3A_519 = arith.select %parallel_loop3A_515, %parallel_loop3A_516, %parallel_loop3A_518 : vector<16xi1>, vector<16xf32>
      %parallel_loop3A_520 = arith.addf %parallel_loop3A_511, %parallel_loop3A_519 : vector<16xf32>
      %parallel_loop3A_521 = arith.mulf %parallel_loop3A_457, %parallel_loop3A_475 : vector<16xf32>
      %parallel_loop3A_522 = arith.constant 1.250000e-01 : f32
      %parallel_loop3A_523 = vector.broadcast %parallel_loop3A_522 : f32 to vector<16xf32>
      %parallel_loop3A_524 = arith.cmpf oge, %parallel_loop3A_521, %parallel_loop3A_523 : vector<16xf32>
      %parallel_loop3A_525 = arith.mulf %parallel_loop3A_433, %parallel_loop3A_521 : vector<16xf32>
      %parallel_loop3A_526 = arith.constant 0.000000e+00 : f32
      %parallel_loop3A_527 = vector.broadcast %parallel_loop3A_526 : f32 to vector<16xf32>
      %parallel_loop3A_528 = arith.select %parallel_loop3A_524, %parallel_loop3A_525, %parallel_loop3A_527 : vector<16xi1>, vector<16xf32>
      %parallel_loop3A_529 = arith.addf %parallel_loop3A_520, %parallel_loop3A_528 : vector<16xf32>
      %parallel_loop3A_530 = arith.mulf %parallel_loop3A_461, %parallel_loop3A_475 : vector<16xf32>
      %parallel_loop3A_531 = arith.constant 1.250000e-01 : f32
      %parallel_loop3A_532 = vector.broadcast %parallel_loop3A_531 : f32 to vector<16xf32>
      %parallel_loop3A_533 = arith.cmpf oge, %parallel_loop3A_530, %parallel_loop3A_532 : vector<16xf32>
      %parallel_loop3A_534 = arith.mulf %parallel_loop3A_433, %parallel_loop3A_530 : vector<16xf32>
      %parallel_loop3A_535 = arith.constant 0.000000e+00 : f32
      %parallel_loop3A_536 = vector.broadcast %parallel_loop3A_535 : f32 to vector<16xf32>
      %parallel_loop3A_537 = arith.select %parallel_loop3A_533, %parallel_loop3A_534, %parallel_loop3A_536 : vector<16xi1>, vector<16xf32>
      %parallel_loop3A_538 = arith.addf %parallel_loop3A_529, %parallel_loop3A_537 : vector<16xf32>
      %parallel_loop3A_539 = arith.mulf %parallel_loop3A_465, %parallel_loop3A_475 : vector<16xf32>
      %parallel_loop3A_540 = arith.constant 1.250000e-01 : f32
      %parallel_loop3A_541 = vector.broadcast %parallel_loop3A_540 : f32 to vector<16xf32>
      %parallel_loop3A_542 = arith.cmpf oge, %parallel_loop3A_539, %parallel_loop3A_541 : vector<16xf32>
      %parallel_loop3A_543 = arith.mulf %parallel_loop3A_433, %parallel_loop3A_539 : vector<16xf32>
      %parallel_loop3A_544 = arith.constant 0.000000e+00 : f32
      %parallel_loop3A_545 = vector.broadcast %parallel_loop3A_544 : f32 to vector<16xf32>
      %parallel_loop3A_546 = arith.select %parallel_loop3A_542, %parallel_loop3A_543, %parallel_loop3A_545 : vector<16xi1>, vector<16xf32>
      %parallel_loop3A_547 = arith.addf %parallel_loop3A_538, %parallel_loop3A_546 : vector<16xf32>
      %parallel_loop3A_548 = arith.mulf %parallel_loop3A_39, %parallel_loop3A_61 : vector<16xf32>
      %parallel_loop3A_549 = arith.constant 1.250000e-01 : f32
      %parallel_loop3A_550 = vector.broadcast %parallel_loop3A_549 : f32 to vector<16xf32>
      %parallel_loop3A_551 = arith.cmpf oge, %parallel_loop3A_548, %parallel_loop3A_550 : vector<16xf32>
      %parallel_loop3A_552 = arith.constant 0.000000e+00 : f32
      %parallel_loop3A_553 = vector.broadcast %parallel_loop3A_552 : f32 to vector<16xf32>
      %parallel_loop3A_554 = arith.select %parallel_loop3A_551, %parallel_loop3A_548, %parallel_loop3A_553 : vector<16xi1>, vector<16xf32>
      %parallel_loop3A_555 = arith.constant 32 : i32
      %parallel_loop3A_556 = vector.broadcast %parallel_loop3A_555 : i32 to vector<16xi32>
      %parallel_loop3A_557 = arith.addi %parallel_loop3A_16, %parallel_loop3A_556 : vector<16xi32>
      %parallel_loop3A_558 = tpu.vector_load_idx %arg4[%parallel_loop3A_557] : memref<36864xf32, #tpu.memory_space<vmem>>[vector<16xi32>], vector<16xf32>,
      %parallel_loop3A_559 = arith.constant 33 : i32
      %parallel_loop3A_560 = vector.broadcast %parallel_loop3A_559 : i32 to vector<16xi32>
      %parallel_loop3A_561 = arith.addi %parallel_loop3A_16, %parallel_loop3A_560 : vector<16xi32>
      %parallel_loop3A_562 = tpu.vector_load_idx %arg4[%parallel_loop3A_561] : memref<36864xf32, #tpu.memory_space<vmem>>[vector<16xi32>], vector<16xf32>,
      %parallel_loop3A_563 = arith.constant 34 : i32
      %parallel_loop3A_564 = vector.broadcast %parallel_loop3A_563 : i32 to vector<16xi32>
      %parallel_loop3A_565 = arith.addi %parallel_loop3A_16, %parallel_loop3A_564 : vector<16xi32>
      %parallel_loop3A_566 = tpu.vector_load_idx %arg4[%parallel_loop3A_565] : memref<36864xf32, #tpu.memory_space<vmem>>[vector<16xi32>], vector<16xf32>,
      %parallel_loop3A_567 = arith.constant 35 : i32
      %parallel_loop3A_568 = vector.broadcast %parallel_loop3A_567 : i32 to vector<16xi32>
      %parallel_loop3A_569 = arith.addi %parallel_loop3A_16, %parallel_loop3A_568 : vector<16xi32>
      %parallel_loop3A_570 = tpu.vector_load_idx %arg4[%parallel_loop3A_569] : memref<36864xf32, #tpu.memory_space<vmem>>[vector<16xi32>], vector<16xf32>,
      %parallel_loop3A_571 = arith.constant 36 : i32
      %parallel_loop3A_572 = vector.broadcast %parallel_loop3A_571 : i32 to vector<16xi32>
      %parallel_loop3A_573 = arith.addi %parallel_loop3A_16, %parallel_loop3A_572 : vector<16xi32>
      %parallel_loop3A_574 = tpu.vector_load_idx %arg4[%parallel_loop3A_573] : memref<36864xf32, #tpu.memory_space<vmem>>[vector<16xi32>], vector<16xf32>,
      %parallel_loop3A_575 = arith.constant 37 : i32
      %parallel_loop3A_576 = vector.broadcast %parallel_loop3A_575 : i32 to vector<16xi32>
      %parallel_loop3A_577 = arith.addi %parallel_loop3A_16, %parallel_loop3A_576 : vector<16xi32>
      %parallel_loop3A_578 = tpu.vector_load_idx %arg4[%parallel_loop3A_577] : memref<36864xf32, #tpu.memory_space<vmem>>[vector<16xi32>], vector<16xf32>,
      %parallel_loop3A_579 = arith.constant 38 : i32
      %parallel_loop3A_580 = vector.broadcast %parallel_loop3A_579 : i32 to vector<16xi32>
      %parallel_loop3A_581 = arith.addi %parallel_loop3A_16, %parallel_loop3A_580 : vector<16xi32>
      %parallel_loop3A_582 = tpu.vector_load_idx %arg4[%parallel_loop3A_581] : memref<36864xf32, #tpu.memory_space<vmem>>[vector<16xi32>], vector<16xf32>,
      %parallel_loop3A_583 = arith.constant 39 : i32
      %parallel_loop3A_584 = vector.broadcast %parallel_loop3A_583 : i32 to vector<16xi32>
      %parallel_loop3A_585 = arith.addi %parallel_loop3A_16, %parallel_loop3A_584 : vector<16xi32>
      %parallel_loop3A_586 = tpu.vector_load_idx %arg4[%parallel_loop3A_585] : memref<36864xf32, #tpu.memory_space<vmem>>[vector<16xi32>], vector<16xf32>,
      %parallel_loop3A_587 = arith.addf %parallel_loop3A_558, %parallel_loop3A_562 : vector<16xf32>
      %parallel_loop3A_588 = arith.addf %parallel_loop3A_587, %parallel_loop3A_566 : vector<16xf32>
      %parallel_loop3A_589 = arith.addf %parallel_loop3A_588, %parallel_loop3A_570 : vector<16xf32>
      %parallel_loop3A_590 = arith.addf %parallel_loop3A_589, %parallel_loop3A_574 : vector<16xf32>
      %parallel_loop3A_591 = arith.addf %parallel_loop3A_590, %parallel_loop3A_578 : vector<16xf32>
      %parallel_loop3A_592 = arith.addf %parallel_loop3A_591, %parallel_loop3A_582 : vector<16xf32>
      %parallel_loop3A_593 = arith.addf %parallel_loop3A_592, %parallel_loop3A_586 : vector<16xf32>
      %parallel_loop3A_594 = arith.constant 1.000000e+00 : f32
      %parallel_loop3A_595 = vector.broadcast %parallel_loop3A_594 : f32 to vector<16xf32>
      %parallel_loop3A_596 = arith.divf %parallel_loop3A_595, %parallel_loop3A_593 : vector<16xf32>
      %parallel_loop3A_597 = arith.mulf %parallel_loop3A_558, %parallel_loop3A_596 : vector<16xf32>
      %parallel_loop3A_598 = arith.constant 1.250000e-01 : f32
      %parallel_loop3A_599 = vector.broadcast %parallel_loop3A_598 : f32 to vector<16xf32>
      %parallel_loop3A_600 = arith.cmpf oge, %parallel_loop3A_597, %parallel_loop3A_599 : vector<16xf32>
      %parallel_loop3A_601 = arith.mulf %parallel_loop3A_554, %parallel_loop3A_597 : vector<16xf32>
      %parallel_loop3A_602 = arith.constant 0.000000e+00 : f32
      %parallel_loop3A_603 = vector.broadcast %parallel_loop3A_602 : f32 to vector<16xf32>
      %parallel_loop3A_604 = arith.select %parallel_loop3A_600, %parallel_loop3A_601, %parallel_loop3A_603 : vector<16xi1>, vector<16xf32>
      %parallel_loop3A_605 = arith.addf %parallel_loop3A_547, %parallel_loop3A_604 : vector<16xf32>
      %parallel_loop3A_606 = arith.mulf %parallel_loop3A_562, %parallel_loop3A_596 : vector<16xf32>
      %parallel_loop3A_607 = arith.constant 1.250000e-01 : f32
      %parallel_loop3A_608 = vector.broadcast %parallel_loop3A_607 : f32 to vector<16xf32>
      %parallel_loop3A_609 = arith.cmpf oge, %parallel_loop3A_606, %parallel_loop3A_608 : vector<16xf32>
      %parallel_loop3A_610 = arith.mulf %parallel_loop3A_554, %parallel_loop3A_606 : vector<16xf32>
      %parallel_loop3A_611 = arith.constant 0.000000e+00 : f32
      %parallel_loop3A_612 = vector.broadcast %parallel_loop3A_611 : f32 to vector<16xf32>
      %parallel_loop3A_613 = arith.select %parallel_loop3A_609, %parallel_loop3A_610, %parallel_loop3A_612 : vector<16xi1>, vector<16xf32>
      %parallel_loop3A_614 = arith.addf %parallel_loop3A_605, %parallel_loop3A_613 : vector<16xf32>
      %parallel_loop3A_615 = arith.mulf %parallel_loop3A_566, %parallel_loop3A_596 : vector<16xf32>
      %parallel_loop3A_616 = arith.constant 1.250000e-01 : f32
      %parallel_loop3A_617 = vector.broadcast %parallel_loop3A_616 : f32 to vector<16xf32>
      %parallel_loop3A_618 = arith.cmpf oge, %parallel_loop3A_615, %parallel_loop3A_617 : vector<16xf32>
      %parallel_loop3A_619 = arith.mulf %parallel_loop3A_554, %parallel_loop3A_615 : vector<16xf32>
      %parallel_loop3A_620 = arith.constant 0.000000e+00 : f32
      %parallel_loop3A_621 = vector.broadcast %parallel_loop3A_620 : f32 to vector<16xf32>
      %parallel_loop3A_622 = arith.select %parallel_loop3A_618, %parallel_loop3A_619, %parallel_loop3A_621 : vector<16xi1>, vector<16xf32>
      %parallel_loop3A_623 = arith.addf %parallel_loop3A_614, %parallel_loop3A_622 : vector<16xf32>
      %parallel_loop3A_624 = arith.mulf %parallel_loop3A_570, %parallel_loop3A_596 : vector<16xf32>
      %parallel_loop3A_625 = arith.constant 1.250000e-01 : f32
      %parallel_loop3A_626 = vector.broadcast %parallel_loop3A_625 : f32 to vector<16xf32>
      %parallel_loop3A_627 = arith.cmpf oge, %parallel_loop3A_624, %parallel_loop3A_626 : vector<16xf32>
      %parallel_loop3A_628 = arith.mulf %parallel_loop3A_554, %parallel_loop3A_624 : vector<16xf32>
      %parallel_loop3A_629 = arith.constant 0.000000e+00 : f32
      %parallel_loop3A_630 = vector.broadcast %parallel_loop3A_629 : f32 to vector<16xf32>
      %parallel_loop3A_631 = arith.select %parallel_loop3A_627, %parallel_loop3A_628, %parallel_loop3A_630 : vector<16xi1>, vector<16xf32>
      %parallel_loop3A_632 = arith.addf %parallel_loop3A_623, %parallel_loop3A_631 : vector<16xf32>
      %parallel_loop3A_633 = arith.mulf %parallel_loop3A_574, %parallel_loop3A_596 : vector<16xf32>
      %parallel_loop3A_634 = arith.constant 1.250000e-01 : f32
      %parallel_loop3A_635 = vector.broadcast %parallel_loop3A_634 : f32 to vector<16xf32>
      %parallel_loop3A_636 = arith.cmpf oge, %parallel_loop3A_633, %parallel_loop3A_635 : vector<16xf32>
      %parallel_loop3A_637 = arith.mulf %parallel_loop3A_554, %parallel_loop3A_633 : vector<16xf32>
      %parallel_loop3A_638 = arith.constant 0.000000e+00 : f32
      %parallel_loop3A_639 = vector.broadcast %parallel_loop3A_638 : f32 to vector<16xf32>
      %parallel_loop3A_640 = arith.select %parallel_loop3A_636, %parallel_loop3A_637, %parallel_loop3A_639 : vector<16xi1>, vector<16xf32>
      %parallel_loop3A_641 = arith.addf %parallel_loop3A_632, %parallel_loop3A_640 : vector<16xf32>
      %parallel_loop3A_642 = arith.mulf %parallel_loop3A_578, %parallel_loop3A_596 : vector<16xf32>
      %parallel_loop3A_643 = arith.constant 1.250000e-01 : f32
      %parallel_loop3A_644 = vector.broadcast %parallel_loop3A_643 : f32 to vector<16xf32>
      %parallel_loop3A_645 = arith.cmpf oge, %parallel_loop3A_642, %parallel_loop3A_644 : vector<16xf32>
      %parallel_loop3A_646 = arith.mulf %parallel_loop3A_554, %parallel_loop3A_642 : vector<16xf32>
      %parallel_loop3A_647 = arith.constant 0.000000e+00 : f32
      %parallel_loop3A_648 = vector.broadcast %parallel_loop3A_647 : f32 to vector<16xf32>
      %parallel_loop3A_649 = arith.select %parallel_loop3A_645, %parallel_loop3A_646, %parallel_loop3A_648 : vector<16xi1>, vector<16xf32>
      %parallel_loop3A_650 = arith.addf %parallel_loop3A_641, %parallel_loop3A_649 : vector<16xf32>
      %parallel_loop3A_651 = arith.mulf %parallel_loop3A_582, %parallel_loop3A_596 : vector<16xf32>
      %parallel_loop3A_652 = arith.constant 1.250000e-01 : f32
      %parallel_loop3A_653 = vector.broadcast %parallel_loop3A_652 : f32 to vector<16xf32>
      %parallel_loop3A_654 = arith.cmpf oge, %parallel_loop3A_651, %parallel_loop3A_653 : vector<16xf32>
      %parallel_loop3A_655 = arith.mulf %parallel_loop3A_554, %parallel_loop3A_651 : vector<16xf32>
      %parallel_loop3A_656 = arith.constant 0.000000e+00 : f32
      %parallel_loop3A_657 = vector.broadcast %parallel_loop3A_656 : f32 to vector<16xf32>
      %parallel_loop3A_658 = arith.select %parallel_loop3A_654, %parallel_loop3A_655, %parallel_loop3A_657 : vector<16xi1>, vector<16xf32>
      %parallel_loop3A_659 = arith.addf %parallel_loop3A_650, %parallel_loop3A_658 : vector<16xf32>
      %parallel_loop3A_660 = arith.mulf %parallel_loop3A_586, %parallel_loop3A_596 : vector<16xf32>
      %parallel_loop3A_661 = arith.constant 1.250000e-01 : f32
      %parallel_loop3A_662 = vector.broadcast %parallel_loop3A_661 : f32 to vector<16xf32>
      %parallel_loop3A_663 = arith.cmpf oge, %parallel_loop3A_660, %parallel_loop3A_662 : vector<16xf32>
      %parallel_loop3A_664 = arith.mulf %parallel_loop3A_554, %parallel_loop3A_660 : vector<16xf32>
      %parallel_loop3A_665 = arith.constant 0.000000e+00 : f32
      %parallel_loop3A_666 = vector.broadcast %parallel_loop3A_665 : f32 to vector<16xf32>
      %parallel_loop3A_667 = arith.select %parallel_loop3A_663, %parallel_loop3A_664, %parallel_loop3A_666 : vector<16xi1>, vector<16xf32>
      %parallel_loop3A_668 = arith.addf %parallel_loop3A_659, %parallel_loop3A_667 : vector<16xf32>
      %parallel_loop3A_669 = arith.mulf %parallel_loop3A_43, %parallel_loop3A_61 : vector<16xf32>
      %parallel_loop3A_670 = arith.constant 1.250000e-01 : f32
      %parallel_loop3A_671 = vector.broadcast %parallel_loop3A_670 : f32 to vector<16xf32>
      %parallel_loop3A_672 = arith.cmpf oge, %parallel_loop3A_669, %parallel_loop3A_671 : vector<16xf32>
      %parallel_loop3A_673 = arith.constant 0.000000e+00 : f32
      %parallel_loop3A_674 = vector.broadcast %parallel_loop3A_673 : f32 to vector<16xf32>
      %parallel_loop3A_675 = arith.select %parallel_loop3A_672, %parallel_loop3A_669, %parallel_loop3A_674 : vector<16xi1>, vector<16xf32>
      %parallel_loop3A_676 = arith.constant 40 : i32
      %parallel_loop3A_677 = vector.broadcast %parallel_loop3A_676 : i32 to vector<16xi32>
      %parallel_loop3A_678 = arith.addi %parallel_loop3A_16, %parallel_loop3A_677 : vector<16xi32>
      %parallel_loop3A_679 = tpu.vector_load_idx %arg4[%parallel_loop3A_678] : memref<36864xf32, #tpu.memory_space<vmem>>[vector<16xi32>], vector<16xf32>,
      %parallel_loop3A_680 = arith.constant 41 : i32
      %parallel_loop3A_681 = vector.broadcast %parallel_loop3A_680 : i32 to vector<16xi32>
      %parallel_loop3A_682 = arith.addi %parallel_loop3A_16, %parallel_loop3A_681 : vector<16xi32>
      %parallel_loop3A_683 = tpu.vector_load_idx %arg4[%parallel_loop3A_682] : memref<36864xf32, #tpu.memory_space<vmem>>[vector<16xi32>], vector<16xf32>,
      %parallel_loop3A_684 = arith.constant 42 : i32
      %parallel_loop3A_685 = vector.broadcast %parallel_loop3A_684 : i32 to vector<16xi32>
      %parallel_loop3A_686 = arith.addi %parallel_loop3A_16, %parallel_loop3A_685 : vector<16xi32>
      %parallel_loop3A_687 = tpu.vector_load_idx %arg4[%parallel_loop3A_686] : memref<36864xf32, #tpu.memory_space<vmem>>[vector<16xi32>], vector<16xf32>,
      %parallel_loop3A_688 = arith.constant 43 : i32
      %parallel_loop3A_689 = vector.broadcast %parallel_loop3A_688 : i32 to vector<16xi32>
      %parallel_loop3A_690 = arith.addi %parallel_loop3A_16, %parallel_loop3A_689 : vector<16xi32>
      %parallel_loop3A_691 = tpu.vector_load_idx %arg4[%parallel_loop3A_690] : memref<36864xf32, #tpu.memory_space<vmem>>[vector<16xi32>], vector<16xf32>,
      %parallel_loop3A_692 = arith.constant 44 : i32
      %parallel_loop3A_693 = vector.broadcast %parallel_loop3A_692 : i32 to vector<16xi32>
      %parallel_loop3A_694 = arith.addi %parallel_loop3A_16, %parallel_loop3A_693 : vector<16xi32>
      %parallel_loop3A_695 = tpu.vector_load_idx %arg4[%parallel_loop3A_694] : memref<36864xf32, #tpu.memory_space<vmem>>[vector<16xi32>], vector<16xf32>,
      %parallel_loop3A_696 = arith.constant 45 : i32
      %parallel_loop3A_697 = vector.broadcast %parallel_loop3A_696 : i32 to vector<16xi32>
      %parallel_loop3A_698 = arith.addi %parallel_loop3A_16, %parallel_loop3A_697 : vector<16xi32>
      %parallel_loop3A_699 = tpu.vector_load_idx %arg4[%parallel_loop3A_698] : memref<36864xf32, #tpu.memory_space<vmem>>[vector<16xi32>], vector<16xf32>,
      %parallel_loop3A_700 = arith.constant 46 : i32
      %parallel_loop3A_701 = vector.broadcast %parallel_loop3A_700 : i32 to vector<16xi32>
      %parallel_loop3A_702 = arith.addi %parallel_loop3A_16, %parallel_loop3A_701 : vector<16xi32>
      %parallel_loop3A_703 = tpu.vector_load_idx %arg4[%parallel_loop3A_702] : memref<36864xf32, #tpu.memory_space<vmem>>[vector<16xi32>], vector<16xf32>,
      %parallel_loop3A_704 = arith.constant 47 : i32
      %parallel_loop3A_705 = vector.broadcast %parallel_loop3A_704 : i32 to vector<16xi32>
      %parallel_loop3A_706 = arith.addi %parallel_loop3A_16, %parallel_loop3A_705 : vector<16xi32>
      %parallel_loop3A_707 = tpu.vector_load_idx %arg4[%parallel_loop3A_706] : memref<36864xf32, #tpu.memory_space<vmem>>[vector<16xi32>], vector<16xf32>,
      %parallel_loop3A_708 = arith.addf %parallel_loop3A_679, %parallel_loop3A_683 : vector<16xf32>
      %parallel_loop3A_709 = arith.addf %parallel_loop3A_708, %parallel_loop3A_687 : vector<16xf32>
      %parallel_loop3A_710 = arith.addf %parallel_loop3A_709, %parallel_loop3A_691 : vector<16xf32>
      %parallel_loop3A_711 = arith.addf %parallel_loop3A_710, %parallel_loop3A_695 : vector<16xf32>
      %parallel_loop3A_712 = arith.addf %parallel_loop3A_711, %parallel_loop3A_699 : vector<16xf32>
      %parallel_loop3A_713 = arith.addf %parallel_loop3A_712, %parallel_loop3A_703 : vector<16xf32>
      %parallel_loop3A_714 = arith.addf %parallel_loop3A_713, %parallel_loop3A_707 : vector<16xf32>
      %parallel_loop3A_715 = arith.constant 1.000000e+00 : f32
      %parallel_loop3A_716 = vector.broadcast %parallel_loop3A_715 : f32 to vector<16xf32>
      %parallel_loop3A_717 = arith.divf %parallel_loop3A_716, %parallel_loop3A_714 : vector<16xf32>
      %parallel_loop3A_718 = arith.mulf %parallel_loop3A_679, %parallel_loop3A_717 : vector<16xf32>
      %parallel_loop3A_719 = arith.constant 1.250000e-01 : f32
      %parallel_loop3A_720 = vector.broadcast %parallel_loop3A_719 : f32 to vector<16xf32>
      %parallel_loop3A_721 = arith.cmpf oge, %parallel_loop3A_718, %parallel_loop3A_720 : vector<16xf32>
      %parallel_loop3A_722 = arith.mulf %parallel_loop3A_675, %parallel_loop3A_718 : vector<16xf32>
      %parallel_loop3A_723 = arith.constant 0.000000e+00 : f32
      %parallel_loop3A_724 = vector.broadcast %parallel_loop3A_723 : f32 to vector<16xf32>
      %parallel_loop3A_725 = arith.select %parallel_loop3A_721, %parallel_loop3A_722, %parallel_loop3A_724 : vector<16xi1>, vector<16xf32>
      %parallel_loop3A_726 = arith.addf %parallel_loop3A_668, %parallel_loop3A_725 : vector<16xf32>
      %parallel_loop3A_727 = arith.mulf %parallel_loop3A_683, %parallel_loop3A_717 : vector<16xf32>
      %parallel_loop3A_728 = arith.constant 1.250000e-01 : f32
      %parallel_loop3A_729 = vector.broadcast %parallel_loop3A_728 : f32 to vector<16xf32>
      %parallel_loop3A_730 = arith.cmpf oge, %parallel_loop3A_727, %parallel_loop3A_729 : vector<16xf32>
      %parallel_loop3A_731 = arith.mulf %parallel_loop3A_675, %parallel_loop3A_727 : vector<16xf32>
      %parallel_loop3A_732 = arith.constant 0.000000e+00 : f32
      %parallel_loop3A_733 = vector.broadcast %parallel_loop3A_732 : f32 to vector<16xf32>
      %parallel_loop3A_734 = arith.select %parallel_loop3A_730, %parallel_loop3A_731, %parallel_loop3A_733 : vector<16xi1>, vector<16xf32>
      %parallel_loop3A_735 = arith.addf %parallel_loop3A_726, %parallel_loop3A_734 : vector<16xf32>
      %parallel_loop3A_736 = arith.mulf %parallel_loop3A_687, %parallel_loop3A_717 : vector<16xf32>
      %parallel_loop3A_737 = arith.constant 1.250000e-01 : f32
      %parallel_loop3A_738 = vector.broadcast %parallel_loop3A_737 : f32 to vector<16xf32>
      %parallel_loop3A_739 = arith.cmpf oge, %parallel_loop3A_736, %parallel_loop3A_738 : vector<16xf32>
      %parallel_loop3A_740 = arith.mulf %parallel_loop3A_675, %parallel_loop3A_736 : vector<16xf32>
      %parallel_loop3A_741 = arith.constant 0.000000e+00 : f32
      %parallel_loop3A_742 = vector.broadcast %parallel_loop3A_741 : f32 to vector<16xf32>
      %parallel_loop3A_743 = arith.select %parallel_loop3A_739, %parallel_loop3A_740, %parallel_loop3A_742 : vector<16xi1>, vector<16xf32>
      %parallel_loop3A_744 = arith.addf %parallel_loop3A_735, %parallel_loop3A_743 : vector<16xf32>
      %parallel_loop3A_745 = arith.mulf %parallel_loop3A_691, %parallel_loop3A_717 : vector<16xf32>
      %parallel_loop3A_746 = arith.constant 1.250000e-01 : f32
      %parallel_loop3A_747 = vector.broadcast %parallel_loop3A_746 : f32 to vector<16xf32>
      %parallel_loop3A_748 = arith.cmpf oge, %parallel_loop3A_745, %parallel_loop3A_747 : vector<16xf32>
      %parallel_loop3A_749 = arith.mulf %parallel_loop3A_675, %parallel_loop3A_745 : vector<16xf32>
      %parallel_loop3A_750 = arith.constant 0.000000e+00 : f32
      %parallel_loop3A_751 = vector.broadcast %parallel_loop3A_750 : f32 to vector<16xf32>
      %parallel_loop3A_752 = arith.select %parallel_loop3A_748, %parallel_loop3A_749, %parallel_loop3A_751 : vector<16xi1>, vector<16xf32>
      %parallel_loop3A_753 = arith.addf %parallel_loop3A_744, %parallel_loop3A_752 : vector<16xf32>
      %parallel_loop3A_754 = arith.mulf %parallel_loop3A_695, %parallel_loop3A_717 : vector<16xf32>
      %parallel_loop3A_755 = arith.constant 1.250000e-01 : f32
      %parallel_loop3A_756 = vector.broadcast %parallel_loop3A_755 : f32 to vector<16xf32>
      %parallel_loop3A_757 = arith.cmpf oge, %parallel_loop3A_754, %parallel_loop3A_756 : vector<16xf32>
      %parallel_loop3A_758 = arith.mulf %parallel_loop3A_675, %parallel_loop3A_754 : vector<16xf32>
      %parallel_loop3A_759 = arith.constant 0.000000e+00 : f32
      %parallel_loop3A_760 = vector.broadcast %parallel_loop3A_759 : f32 to vector<16xf32>
      %parallel_loop3A_761 = arith.select %parallel_loop3A_757, %parallel_loop3A_758, %parallel_loop3A_760 : vector<16xi1>, vector<16xf32>
      %parallel_loop3A_762 = arith.addf %parallel_loop3A_753, %parallel_loop3A_761 : vector<16xf32>
      %parallel_loop3A_763 = arith.mulf %parallel_loop3A_699, %parallel_loop3A_717 : vector<16xf32>
      %parallel_loop3A_764 = arith.constant 1.250000e-01 : f32
      %parallel_loop3A_765 = vector.broadcast %parallel_loop3A_764 : f32 to vector<16xf32>
      %parallel_loop3A_766 = arith.cmpf oge, %parallel_loop3A_763, %parallel_loop3A_765 : vector<16xf32>
      %parallel_loop3A_767 = arith.mulf %parallel_loop3A_675, %parallel_loop3A_763 : vector<16xf32>
      %parallel_loop3A_768 = arith.constant 0.000000e+00 : f32
      %parallel_loop3A_769 = vector.broadcast %parallel_loop3A_768 : f32 to vector<16xf32>
      %parallel_loop3A_770 = arith.select %parallel_loop3A_766, %parallel_loop3A_767, %parallel_loop3A_769 : vector<16xi1>, vector<16xf32>
      %parallel_loop3A_771 = arith.addf %parallel_loop3A_762, %parallel_loop3A_770 : vector<16xf32>
      %parallel_loop3A_772 = arith.mulf %parallel_loop3A_703, %parallel_loop3A_717 : vector<16xf32>
      %parallel_loop3A_773 = arith.constant 1.250000e-01 : f32
      %parallel_loop3A_774 = vector.broadcast %parallel_loop3A_773 : f32 to vector<16xf32>
      %parallel_loop3A_775 = arith.cmpf oge, %parallel_loop3A_772, %parallel_loop3A_774 : vector<16xf32>
      %parallel_loop3A_776 = arith.mulf %parallel_loop3A_675, %parallel_loop3A_772 : vector<16xf32>
      %parallel_loop3A_777 = arith.constant 0.000000e+00 : f32
      %parallel_loop3A_778 = vector.broadcast %parallel_loop3A_777 : f32 to vector<16xf32>
      %parallel_loop3A_779 = arith.select %parallel_loop3A_775, %parallel_loop3A_776, %parallel_loop3A_778 : vector<16xi1>, vector<16xf32>
      %parallel_loop3A_780 = arith.addf %parallel_loop3A_771, %parallel_loop3A_779 : vector<16xf32>
      %parallel_loop3A_781 = arith.mulf %parallel_loop3A_707, %parallel_loop3A_717 : vector<16xf32>
      %parallel_loop3A_782 = arith.constant 1.250000e-01 : f32
      %parallel_loop3A_783 = vector.broadcast %parallel_loop3A_782 : f32 to vector<16xf32>
      %parallel_loop3A_784 = arith.cmpf oge, %parallel_loop3A_781, %parallel_loop3A_783 : vector<16xf32>
      %parallel_loop3A_785 = arith.mulf %parallel_loop3A_675, %parallel_loop3A_781 : vector<16xf32>
      %parallel_loop3A_786 = arith.constant 0.000000e+00 : f32
      %parallel_loop3A_787 = vector.broadcast %parallel_loop3A_786 : f32 to vector<16xf32>
      %parallel_loop3A_788 = arith.select %parallel_loop3A_784, %parallel_loop3A_785, %parallel_loop3A_787 : vector<16xi1>, vector<16xf32>
      %parallel_loop3A_789 = arith.addf %parallel_loop3A_780, %parallel_loop3A_788 : vector<16xf32>
      %parallel_loop3A_790 = arith.mulf %parallel_loop3A_47, %parallel_loop3A_61 : vector<16xf32>
      %parallel_loop3A_791 = arith.constant 1.250000e-01 : f32
      %parallel_loop3A_792 = vector.broadcast %parallel_loop3A_791 : f32 to vector<16xf32>
      %parallel_loop3A_793 = arith.cmpf oge, %parallel_loop3A_790, %parallel_loop3A_792 : vector<16xf32>
      %parallel_loop3A_794 = arith.constant 0.000000e+00 : f32
      %parallel_loop3A_795 = vector.broadcast %parallel_loop3A_794 : f32 to vector<16xf32>
      %parallel_loop3A_796 = arith.select %parallel_loop3A_793, %parallel_loop3A_790, %parallel_loop3A_795 : vector<16xi1>, vector<16xf32>
      %parallel_loop3A_797 = arith.constant 48 : i32
      %parallel_loop3A_798 = vector.broadcast %parallel_loop3A_797 : i32 to vector<16xi32>
      %parallel_loop3A_799 = arith.addi %parallel_loop3A_16, %parallel_loop3A_798 : vector<16xi32>
      %parallel_loop3A_800 = tpu.vector_load_idx %arg4[%parallel_loop3A_799] : memref<36864xf32, #tpu.memory_space<vmem>>[vector<16xi32>], vector<16xf32>,
      %parallel_loop3A_801 = arith.constant 49 : i32
      %parallel_loop3A_802 = vector.broadcast %parallel_loop3A_801 : i32 to vector<16xi32>
      %parallel_loop3A_803 = arith.addi %parallel_loop3A_16, %parallel_loop3A_802 : vector<16xi32>
      %parallel_loop3A_804 = tpu.vector_load_idx %arg4[%parallel_loop3A_803] : memref<36864xf32, #tpu.memory_space<vmem>>[vector<16xi32>], vector<16xf32>,
      %parallel_loop3A_805 = arith.constant 50 : i32
      %parallel_loop3A_806 = vector.broadcast %parallel_loop3A_805 : i32 to vector<16xi32>
      %parallel_loop3A_807 = arith.addi %parallel_loop3A_16, %parallel_loop3A_806 : vector<16xi32>
      %parallel_loop3A_808 = tpu.vector_load_idx %arg4[%parallel_loop3A_807] : memref<36864xf32, #tpu.memory_space<vmem>>[vector<16xi32>], vector<16xf32>,
      %parallel_loop3A_809 = arith.constant 51 : i32
      %parallel_loop3A_810 = vector.broadcast %parallel_loop3A_809 : i32 to vector<16xi32>
      %parallel_loop3A_811 = arith.addi %parallel_loop3A_16, %parallel_loop3A_810 : vector<16xi32>
      %parallel_loop3A_812 = tpu.vector_load_idx %arg4[%parallel_loop3A_811] : memref<36864xf32, #tpu.memory_space<vmem>>[vector<16xi32>], vector<16xf32>,
      %parallel_loop3A_813 = arith.constant 52 : i32
      %parallel_loop3A_814 = vector.broadcast %parallel_loop3A_813 : i32 to vector<16xi32>
      %parallel_loop3A_815 = arith.addi %parallel_loop3A_16, %parallel_loop3A_814 : vector<16xi32>
      %parallel_loop3A_816 = tpu.vector_load_idx %arg4[%parallel_loop3A_815] : memref<36864xf32, #tpu.memory_space<vmem>>[vector<16xi32>], vector<16xf32>,
      %parallel_loop3A_817 = arith.constant 53 : i32
      %parallel_loop3A_818 = vector.broadcast %parallel_loop3A_817 : i32 to vector<16xi32>
      %parallel_loop3A_819 = arith.addi %parallel_loop3A_16, %parallel_loop3A_818 : vector<16xi32>
      %parallel_loop3A_820 = tpu.vector_load_idx %arg4[%parallel_loop3A_819] : memref<36864xf32, #tpu.memory_space<vmem>>[vector<16xi32>], vector<16xf32>,
      %parallel_loop3A_821 = arith.constant 54 : i32
      %parallel_loop3A_822 = vector.broadcast %parallel_loop3A_821 : i32 to vector<16xi32>
      %parallel_loop3A_823 = arith.addi %parallel_loop3A_16, %parallel_loop3A_822 : vector<16xi32>
      %parallel_loop3A_824 = tpu.vector_load_idx %arg4[%parallel_loop3A_823] : memref<36864xf32, #tpu.memory_space<vmem>>[vector<16xi32>], vector<16xf32>,
      %parallel_loop3A_825 = arith.constant 55 : i32
      %parallel_loop3A_826 = vector.broadcast %parallel_loop3A_825 : i32 to vector<16xi32>
      %parallel_loop3A_827 = arith.addi %parallel_loop3A_16, %parallel_loop3A_826 : vector<16xi32>
      %parallel_loop3A_828 = tpu.vector_load_idx %arg4[%parallel_loop3A_827] : memref<36864xf32, #tpu.memory_space<vmem>>[vector<16xi32>], vector<16xf32>,
      %parallel_loop3A_829 = arith.addf %parallel_loop3A_800, %parallel_loop3A_804 : vector<16xf32>
      %parallel_loop3A_830 = arith.addf %parallel_loop3A_829, %parallel_loop3A_808 : vector<16xf32>
      %parallel_loop3A_831 = arith.addf %parallel_loop3A_830, %parallel_loop3A_812 : vector<16xf32>
      %parallel_loop3A_832 = arith.addf %parallel_loop3A_831, %parallel_loop3A_816 : vector<16xf32>
      %parallel_loop3A_833 = arith.addf %parallel_loop3A_832, %parallel_loop3A_820 : vector<16xf32>
      %parallel_loop3A_834 = arith.addf %parallel_loop3A_833, %parallel_loop3A_824 : vector<16xf32>
      %parallel_loop3A_835 = arith.addf %parallel_loop3A_834, %parallel_loop3A_828 : vector<16xf32>
      %parallel_loop3A_836 = arith.constant 1.000000e+00 : f32
      %parallel_loop3A_837 = vector.broadcast %parallel_loop3A_836 : f32 to vector<16xf32>
      %parallel_loop3A_838 = arith.divf %parallel_loop3A_837, %parallel_loop3A_835 : vector<16xf32>
      %parallel_loop3A_839 = arith.mulf %parallel_loop3A_800, %parallel_loop3A_838 : vector<16xf32>
      %parallel_loop3A_840 = arith.constant 1.250000e-01 : f32
      %parallel_loop3A_841 = vector.broadcast %parallel_loop3A_840 : f32 to vector<16xf32>
      %parallel_loop3A_842 = arith.cmpf oge, %parallel_loop3A_839, %parallel_loop3A_841 : vector<16xf32>
      %parallel_loop3A_843 = arith.mulf %parallel_loop3A_796, %parallel_loop3A_839 : vector<16xf32>
      %parallel_loop3A_844 = arith.constant 0.000000e+00 : f32
      %parallel_loop3A_845 = vector.broadcast %parallel_loop3A_844 : f32 to vector<16xf32>
      %parallel_loop3A_846 = arith.select %parallel_loop3A_842, %parallel_loop3A_843, %parallel_loop3A_845 : vector<16xi1>, vector<16xf32>
      %parallel_loop3A_847 = arith.addf %parallel_loop3A_789, %parallel_loop3A_846 : vector<16xf32>
      %parallel_loop3A_848 = arith.mulf %parallel_loop3A_804, %parallel_loop3A_838 : vector<16xf32>
      %parallel_loop3A_849 = arith.constant 1.250000e-01 : f32
      %parallel_loop3A_850 = vector.broadcast %parallel_loop3A_849 : f32 to vector<16xf32>
      %parallel_loop3A_851 = arith.cmpf oge, %parallel_loop3A_848, %parallel_loop3A_850 : vector<16xf32>
      %parallel_loop3A_852 = arith.mulf %parallel_loop3A_796, %parallel_loop3A_848 : vector<16xf32>
      %parallel_loop3A_853 = arith.constant 0.000000e+00 : f32
      %parallel_loop3A_854 = vector.broadcast %parallel_loop3A_853 : f32 to vector<16xf32>
      %parallel_loop3A_855 = arith.select %parallel_loop3A_851, %parallel_loop3A_852, %parallel_loop3A_854 : vector<16xi1>, vector<16xf32>
      %parallel_loop3A_856 = arith.addf %parallel_loop3A_847, %parallel_loop3A_855 : vector<16xf32>
      %parallel_loop3A_857 = arith.mulf %parallel_loop3A_808, %parallel_loop3A_838 : vector<16xf32>
      %parallel_loop3A_858 = arith.constant 1.250000e-01 : f32
      %parallel_loop3A_859 = vector.broadcast %parallel_loop3A_858 : f32 to vector<16xf32>
      %parallel_loop3A_860 = arith.cmpf oge, %parallel_loop3A_857, %parallel_loop3A_859 : vector<16xf32>
      %parallel_loop3A_861 = arith.mulf %parallel_loop3A_796, %parallel_loop3A_857 : vector<16xf32>
      %parallel_loop3A_862 = arith.constant 0.000000e+00 : f32
      %parallel_loop3A_863 = vector.broadcast %parallel_loop3A_862 : f32 to vector<16xf32>
      %parallel_loop3A_864 = arith.select %parallel_loop3A_860, %parallel_loop3A_861, %parallel_loop3A_863 : vector<16xi1>, vector<16xf32>
      %parallel_loop3A_865 = arith.addf %parallel_loop3A_856, %parallel_loop3A_864 : vector<16xf32>
      %parallel_loop3A_866 = arith.mulf %parallel_loop3A_812, %parallel_loop3A_838 : vector<16xf32>
      %parallel_loop3A_867 = arith.constant 1.250000e-01 : f32
      %parallel_loop3A_868 = vector.broadcast %parallel_loop3A_867 : f32 to vector<16xf32>
      %parallel_loop3A_869 = arith.cmpf oge, %parallel_loop3A_866, %parallel_loop3A_868 : vector<16xf32>
      %parallel_loop3A_870 = arith.mulf %parallel_loop3A_796, %parallel_loop3A_866 : vector<16xf32>
      %parallel_loop3A_871 = arith.constant 0.000000e+00 : f32
      %parallel_loop3A_872 = vector.broadcast %parallel_loop3A_871 : f32 to vector<16xf32>
      %parallel_loop3A_873 = arith.select %parallel_loop3A_869, %parallel_loop3A_870, %parallel_loop3A_872 : vector<16xi1>, vector<16xf32>
      %parallel_loop3A_874 = arith.addf %parallel_loop3A_865, %parallel_loop3A_873 : vector<16xf32>
      %parallel_loop3A_875 = arith.mulf %parallel_loop3A_816, %parallel_loop3A_838 : vector<16xf32>
      %parallel_loop3A_876 = arith.constant 1.250000e-01 : f32
      %parallel_loop3A_877 = vector.broadcast %parallel_loop3A_876 : f32 to vector<16xf32>
      %parallel_loop3A_878 = arith.cmpf oge, %parallel_loop3A_875, %parallel_loop3A_877 : vector<16xf32>
      %parallel_loop3A_879 = arith.mulf %parallel_loop3A_796, %parallel_loop3A_875 : vector<16xf32>
      %parallel_loop3A_880 = arith.constant 0.000000e+00 : f32
      %parallel_loop3A_881 = vector.broadcast %parallel_loop3A_880 : f32 to vector<16xf32>
      %parallel_loop3A_882 = arith.select %parallel_loop3A_878, %parallel_loop3A_879, %parallel_loop3A_881 : vector<16xi1>, vector<16xf32>
      %parallel_loop3A_883 = arith.addf %parallel_loop3A_874, %parallel_loop3A_882 : vector<16xf32>
      %parallel_loop3A_884 = arith.mulf %parallel_loop3A_820, %parallel_loop3A_838 : vector<16xf32>
      %parallel_loop3A_885 = arith.constant 1.250000e-01 : f32
      %parallel_loop3A_886 = vector.broadcast %parallel_loop3A_885 : f32 to vector<16xf32>
      %parallel_loop3A_887 = arith.cmpf oge, %parallel_loop3A_884, %parallel_loop3A_886 : vector<16xf32>
      %parallel_loop3A_888 = arith.mulf %parallel_loop3A_796, %parallel_loop3A_884 : vector<16xf32>
      %parallel_loop3A_889 = arith.constant 0.000000e+00 : f32
      %parallel_loop3A_890 = vector.broadcast %parallel_loop3A_889 : f32 to vector<16xf32>
      %parallel_loop3A_891 = arith.select %parallel_loop3A_887, %parallel_loop3A_888, %parallel_loop3A_890 : vector<16xi1>, vector<16xf32>
      %parallel_loop3A_892 = arith.addf %parallel_loop3A_883, %parallel_loop3A_891 : vector<16xf32>
      %parallel_loop3A_893 = arith.mulf %parallel_loop3A_824, %parallel_loop3A_838 : vector<16xf32>
      %parallel_loop3A_894 = arith.constant 1.250000e-01 : f32
      %parallel_loop3A_895 = vector.broadcast %parallel_loop3A_894 : f32 to vector<16xf32>
      %parallel_loop3A_896 = arith.cmpf oge, %parallel_loop3A_893, %parallel_loop3A_895 : vector<16xf32>
      %parallel_loop3A_897 = arith.mulf %parallel_loop3A_796, %parallel_loop3A_893 : vector<16xf32>
      %parallel_loop3A_898 = arith.constant 0.000000e+00 : f32
      %parallel_loop3A_899 = vector.broadcast %parallel_loop3A_898 : f32 to vector<16xf32>
      %parallel_loop3A_900 = arith.select %parallel_loop3A_896, %parallel_loop3A_897, %parallel_loop3A_899 : vector<16xi1>, vector<16xf32>
      %parallel_loop3A_901 = arith.addf %parallel_loop3A_892, %parallel_loop3A_900 : vector<16xf32>
      %parallel_loop3A_902 = arith.mulf %parallel_loop3A_828, %parallel_loop3A_838 : vector<16xf32>
      %parallel_loop3A_903 = arith.constant 1.250000e-01 : f32
      %parallel_loop3A_904 = vector.broadcast %parallel_loop3A_903 : f32 to vector<16xf32>
      %parallel_loop3A_905 = arith.cmpf oge, %parallel_loop3A_902, %parallel_loop3A_904 : vector<16xf32>
      %parallel_loop3A_906 = arith.mulf %parallel_loop3A_796, %parallel_loop3A_902 : vector<16xf32>
      %parallel_loop3A_907 = arith.constant 0.000000e+00 : f32
      %parallel_loop3A_908 = vector.broadcast %parallel_loop3A_907 : f32 to vector<16xf32>
      %parallel_loop3A_909 = arith.select %parallel_loop3A_905, %parallel_loop3A_906, %parallel_loop3A_908 : vector<16xi1>, vector<16xf32>
      %parallel_loop3A_910 = arith.addf %parallel_loop3A_901, %parallel_loop3A_909 : vector<16xf32>
      %parallel_loop3A_911 = arith.mulf %parallel_loop3A_51, %parallel_loop3A_61 : vector<16xf32>
      %parallel_loop3A_912 = arith.constant 1.250000e-01 : f32
      %parallel_loop3A_913 = vector.broadcast %parallel_loop3A_912 : f32 to vector<16xf32>
      %parallel_loop3A_914 = arith.cmpf oge, %parallel_loop3A_911, %parallel_loop3A_913 : vector<16xf32>
      %parallel_loop3A_915 = arith.constant 0.000000e+00 : f32
      %parallel_loop3A_916 = vector.broadcast %parallel_loop3A_915 : f32 to vector<16xf32>
      %parallel_loop3A_917 = arith.select %parallel_loop3A_914, %parallel_loop3A_911, %parallel_loop3A_916 : vector<16xi1>, vector<16xf32>
      %parallel_loop3A_918 = arith.constant 56 : i32
      %parallel_loop3A_919 = vector.broadcast %parallel_loop3A_918 : i32 to vector<16xi32>
      %parallel_loop3A_920 = arith.addi %parallel_loop3A_16, %parallel_loop3A_919 : vector<16xi32>
      %parallel_loop3A_921 = tpu.vector_load_idx %arg4[%parallel_loop3A_920] : memref<36864xf32, #tpu.memory_space<vmem>>[vector<16xi32>], vector<16xf32>,
      %parallel_loop3A_922 = arith.constant 57 : i32
      %parallel_loop3A_923 = vector.broadcast %parallel_loop3A_922 : i32 to vector<16xi32>
      %parallel_loop3A_924 = arith.addi %parallel_loop3A_16, %parallel_loop3A_923 : vector<16xi32>
      %parallel_loop3A_925 = tpu.vector_load_idx %arg4[%parallel_loop3A_924] : memref<36864xf32, #tpu.memory_space<vmem>>[vector<16xi32>], vector<16xf32>,
      %parallel_loop3A_926 = arith.constant 58 : i32
      %parallel_loop3A_927 = vector.broadcast %parallel_loop3A_926 : i32 to vector<16xi32>
      %parallel_loop3A_928 = arith.addi %parallel_loop3A_16, %parallel_loop3A_927 : vector<16xi32>
      %parallel_loop3A_929 = tpu.vector_load_idx %arg4[%parallel_loop3A_928] : memref<36864xf32, #tpu.memory_space<vmem>>[vector<16xi32>], vector<16xf32>,
      %parallel_loop3A_930 = arith.constant 59 : i32
      %parallel_loop3A_931 = vector.broadcast %parallel_loop3A_930 : i32 to vector<16xi32>
      %parallel_loop3A_932 = arith.addi %parallel_loop3A_16, %parallel_loop3A_931 : vector<16xi32>
      %parallel_loop3A_933 = tpu.vector_load_idx %arg4[%parallel_loop3A_932] : memref<36864xf32, #tpu.memory_space<vmem>>[vector<16xi32>], vector<16xf32>,
      %parallel_loop3A_934 = arith.constant 60 : i32
      %parallel_loop3A_935 = vector.broadcast %parallel_loop3A_934 : i32 to vector<16xi32>
      %parallel_loop3A_936 = arith.addi %parallel_loop3A_16, %parallel_loop3A_935 : vector<16xi32>
      %parallel_loop3A_937 = tpu.vector_load_idx %arg4[%parallel_loop3A_936] : memref<36864xf32, #tpu.memory_space<vmem>>[vector<16xi32>], vector<16xf32>,
      %parallel_loop3A_938 = arith.constant 61 : i32
      %parallel_loop3A_939 = vector.broadcast %parallel_loop3A_938 : i32 to vector<16xi32>
      %parallel_loop3A_940 = arith.addi %parallel_loop3A_16, %parallel_loop3A_939 : vector<16xi32>
      %parallel_loop3A_941 = tpu.vector_load_idx %arg4[%parallel_loop3A_940] : memref<36864xf32, #tpu.memory_space<vmem>>[vector<16xi32>], vector<16xf32>,
      %parallel_loop3A_942 = arith.constant 62 : i32
      %parallel_loop3A_943 = vector.broadcast %parallel_loop3A_942 : i32 to vector<16xi32>
      %parallel_loop3A_944 = arith.addi %parallel_loop3A_16, %parallel_loop3A_943 : vector<16xi32>
      %parallel_loop3A_945 = tpu.vector_load_idx %arg4[%parallel_loop3A_944] : memref<36864xf32, #tpu.memory_space<vmem>>[vector<16xi32>], vector<16xf32>,
      %parallel_loop3A_946 = arith.constant 63 : i32
      %parallel_loop3A_947 = vector.broadcast %parallel_loop3A_946 : i32 to vector<16xi32>
      %parallel_loop3A_948 = arith.addi %parallel_loop3A_16, %parallel_loop3A_947 : vector<16xi32>
      %parallel_loop3A_949 = tpu.vector_load_idx %arg4[%parallel_loop3A_948] : memref<36864xf32, #tpu.memory_space<vmem>>[vector<16xi32>], vector<16xf32>,
      %parallel_loop3A_950 = arith.addf %parallel_loop3A_921, %parallel_loop3A_925 : vector<16xf32>
      %parallel_loop3A_951 = arith.addf %parallel_loop3A_950, %parallel_loop3A_929 : vector<16xf32>
      %parallel_loop3A_952 = arith.addf %parallel_loop3A_951, %parallel_loop3A_933 : vector<16xf32>
      %parallel_loop3A_953 = arith.addf %parallel_loop3A_952, %parallel_loop3A_937 : vector<16xf32>
      %parallel_loop3A_954 = arith.addf %parallel_loop3A_953, %parallel_loop3A_941 : vector<16xf32>
      %parallel_loop3A_955 = arith.addf %parallel_loop3A_954, %parallel_loop3A_945 : vector<16xf32>
      %parallel_loop3A_956 = arith.addf %parallel_loop3A_955, %parallel_loop3A_949 : vector<16xf32>
      %parallel_loop3A_957 = arith.constant 1.000000e+00 : f32
      %parallel_loop3A_958 = vector.broadcast %parallel_loop3A_957 : f32 to vector<16xf32>
      %parallel_loop3A_959 = arith.divf %parallel_loop3A_958, %parallel_loop3A_956 : vector<16xf32>
      %parallel_loop3A_960 = arith.mulf %parallel_loop3A_921, %parallel_loop3A_959 : vector<16xf32>
      %parallel_loop3A_961 = arith.constant 1.250000e-01 : f32
      %parallel_loop3A_962 = vector.broadcast %parallel_loop3A_961 : f32 to vector<16xf32>
      %parallel_loop3A_963 = arith.cmpf oge, %parallel_loop3A_960, %parallel_loop3A_962 : vector<16xf32>
      %parallel_loop3A_964 = arith.mulf %parallel_loop3A_917, %parallel_loop3A_960 : vector<16xf32>
      %parallel_loop3A_965 = arith.constant 0.000000e+00 : f32
      %parallel_loop3A_966 = vector.broadcast %parallel_loop3A_965 : f32 to vector<16xf32>
      %parallel_loop3A_967 = arith.select %parallel_loop3A_963, %parallel_loop3A_964, %parallel_loop3A_966 : vector<16xi1>, vector<16xf32>
      %parallel_loop3A_968 = arith.addf %parallel_loop3A_910, %parallel_loop3A_967 : vector<16xf32>
      %parallel_loop3A_969 = arith.mulf %parallel_loop3A_925, %parallel_loop3A_959 : vector<16xf32>
      %parallel_loop3A_970 = arith.constant 1.250000e-01 : f32
      %parallel_loop3A_971 = vector.broadcast %parallel_loop3A_970 : f32 to vector<16xf32>
      %parallel_loop3A_972 = arith.cmpf oge, %parallel_loop3A_969, %parallel_loop3A_971 : vector<16xf32>
      %parallel_loop3A_973 = arith.mulf %parallel_loop3A_917, %parallel_loop3A_969 : vector<16xf32>
      %parallel_loop3A_974 = arith.constant 0.000000e+00 : f32
      %parallel_loop3A_975 = vector.broadcast %parallel_loop3A_974 : f32 to vector<16xf32>
      %parallel_loop3A_976 = arith.select %parallel_loop3A_972, %parallel_loop3A_973, %parallel_loop3A_975 : vector<16xi1>, vector<16xf32>
      %parallel_loop3A_977 = arith.addf %parallel_loop3A_968, %parallel_loop3A_976 : vector<16xf32>
      %parallel_loop3A_978 = arith.mulf %parallel_loop3A_929, %parallel_loop3A_959 : vector<16xf32>
      %parallel_loop3A_979 = arith.constant 1.250000e-01 : f32
      %parallel_loop3A_980 = vector.broadcast %parallel_loop3A_979 : f32 to vector<16xf32>
      %parallel_loop3A_981 = arith.cmpf oge, %parallel_loop3A_978, %parallel_loop3A_980 : vector<16xf32>
      %parallel_loop3A_982 = arith.mulf %parallel_loop3A_917, %parallel_loop3A_978 : vector<16xf32>
      %parallel_loop3A_983 = arith.constant 0.000000e+00 : f32
      %parallel_loop3A_984 = vector.broadcast %parallel_loop3A_983 : f32 to vector<16xf32>
      %parallel_loop3A_985 = arith.select %parallel_loop3A_981, %parallel_loop3A_982, %parallel_loop3A_984 : vector<16xi1>, vector<16xf32>
      %parallel_loop3A_986 = arith.addf %parallel_loop3A_977, %parallel_loop3A_985 : vector<16xf32>
      %parallel_loop3A_987 = arith.mulf %parallel_loop3A_933, %parallel_loop3A_959 : vector<16xf32>
      %parallel_loop3A_988 = arith.constant 1.250000e-01 : f32
      %parallel_loop3A_989 = vector.broadcast %parallel_loop3A_988 : f32 to vector<16xf32>
      %parallel_loop3A_990 = arith.cmpf oge, %parallel_loop3A_987, %parallel_loop3A_989 : vector<16xf32>
      %parallel_loop3A_991 = arith.mulf %parallel_loop3A_917, %parallel_loop3A_987 : vector<16xf32>
      %parallel_loop3A_992 = arith.constant 0.000000e+00 : f32
      %parallel_loop3A_993 = vector.broadcast %parallel_loop3A_992 : f32 to vector<16xf32>
      %parallel_loop3A_994 = arith.select %parallel_loop3A_990, %parallel_loop3A_991, %parallel_loop3A_993 : vector<16xi1>, vector<16xf32>
      %parallel_loop3A_995 = arith.addf %parallel_loop3A_986, %parallel_loop3A_994 : vector<16xf32>
      %parallel_loop3A_996 = arith.mulf %parallel_loop3A_937, %parallel_loop3A_959 : vector<16xf32>
      %parallel_loop3A_997 = arith.constant 1.250000e-01 : f32
      %parallel_loop3A_998 = vector.broadcast %parallel_loop3A_997 : f32 to vector<16xf32>
      %parallel_loop3A_999 = arith.cmpf oge, %parallel_loop3A_996, %parallel_loop3A_998 : vector<16xf32>
      %parallel_loop3A_1000 = arith.mulf %parallel_loop3A_917, %parallel_loop3A_996 : vector<16xf32>
      %parallel_loop3A_1001 = arith.constant 0.000000e+00 : f32
      %parallel_loop3A_1002 = vector.broadcast %parallel_loop3A_1001 : f32 to vector<16xf32>
      %parallel_loop3A_1003 = arith.select %parallel_loop3A_999, %parallel_loop3A_1000, %parallel_loop3A_1002 : vector<16xi1>, vector<16xf32>
      %parallel_loop3A_1004 = arith.addf %parallel_loop3A_995, %parallel_loop3A_1003 : vector<16xf32>
      %parallel_loop3A_1005 = arith.mulf %parallel_loop3A_941, %parallel_loop3A_959 : vector<16xf32>
      %parallel_loop3A_1006 = arith.constant 1.250000e-01 : f32
      %parallel_loop3A_1007 = vector.broadcast %parallel_loop3A_1006 : f32 to vector<16xf32>
      %parallel_loop3A_1008 = arith.cmpf oge, %parallel_loop3A_1005, %parallel_loop3A_1007 : vector<16xf32>
      %parallel_loop3A_1009 = arith.mulf %parallel_loop3A_917, %parallel_loop3A_1005 : vector<16xf32>
      %parallel_loop3A_1010 = arith.constant 0.000000e+00 : f32
      %parallel_loop3A_1011 = vector.broadcast %parallel_loop3A_1010 : f32 to vector<16xf32>
      %parallel_loop3A_1012 = arith.select %parallel_loop3A_1008, %parallel_loop3A_1009, %parallel_loop3A_1011 : vector<16xi1>, vector<16xf32>
      %parallel_loop3A_1013 = arith.addf %parallel_loop3A_1004, %parallel_loop3A_1012 : vector<16xf32>
      %parallel_loop3A_1014 = arith.mulf %parallel_loop3A_945, %parallel_loop3A_959 : vector<16xf32>
      %parallel_loop3A_1015 = arith.constant 1.250000e-01 : f32
      %parallel_loop3A_1016 = vector.broadcast %parallel_loop3A_1015 : f32 to vector<16xf32>
      %parallel_loop3A_1017 = arith.cmpf oge, %parallel_loop3A_1014, %parallel_loop3A_1016 : vector<16xf32>
      %parallel_loop3A_1018 = arith.mulf %parallel_loop3A_917, %parallel_loop3A_1014 : vector<16xf32>
      %parallel_loop3A_1019 = arith.constant 0.000000e+00 : f32
      %parallel_loop3A_1020 = vector.broadcast %parallel_loop3A_1019 : f32 to vector<16xf32>
      %parallel_loop3A_1021 = arith.select %parallel_loop3A_1017, %parallel_loop3A_1018, %parallel_loop3A_1020 : vector<16xi1>, vector<16xf32>
      %parallel_loop3A_1022 = arith.addf %parallel_loop3A_1013, %parallel_loop3A_1021 : vector<16xf32>
      %parallel_loop3A_1023 = arith.mulf %parallel_loop3A_949, %parallel_loop3A_959 : vector<16xf32>
      %parallel_loop3A_1024 = arith.constant 1.250000e-01 : f32
      %parallel_loop3A_1025 = vector.broadcast %parallel_loop3A_1024 : f32 to vector<16xf32>
      %parallel_loop3A_1026 = arith.cmpf oge, %parallel_loop3A_1023, %parallel_loop3A_1025 : vector<16xf32>
      %parallel_loop3A_1027 = arith.mulf %parallel_loop3A_917, %parallel_loop3A_1023 : vector<16xf32>
      %parallel_loop3A_1028 = arith.constant 0.000000e+00 : f32
      %parallel_loop3A_1029 = vector.broadcast %parallel_loop3A_1028 : f32 to vector<16xf32>
      %parallel_loop3A_1030 = arith.select %parallel_loop3A_1026, %parallel_loop3A_1027, %parallel_loop3A_1029 : vector<16xi1>, vector<16xf32>
      %parallel_loop3A_1031 = arith.addf %parallel_loop3A_1022, %parallel_loop3A_1030 : vector<16xf32>
      %parallel_loop3A_1032 = arith.constant 9.99999971E-10 : f32
      %parallel_loop3A_1033 = vector.broadcast %parallel_loop3A_1032 : f32 to vector<16xf32>
      %parallel_loop3A_1034 = arith.maximumf %parallel_loop3A_1031, %parallel_loop3A_1033 : vector<16xf32>
      %parallel_loop3A_1035 = arith.constant 1.000000e+00 : f32
      %parallel_loop3A_1036 = vector.broadcast %parallel_loop3A_1035 : f32 to vector<16xf32>
      %parallel_loop3A_1037 = arith.divf %parallel_loop3A_1036, %parallel_loop3A_1034 : vector<16xf32>
      %parallel_loop3A_1038 = arith.constant 0 : i32
      %parallel_loop3A_1039 = vector.broadcast %parallel_loop3A_1038 : i32 to vector<16xi32>
      %parallel_loop3A_1040 = arith.addi %parallel_loop3A_19, %parallel_loop3A_1039 : vector<16xi32>
      %parallel_loop3A_1041 = arith.mulf %parallel_loop3A_120, %parallel_loop3A_1037 : vector<16xf32>
      tpu.vector_store_idx %arg5[%parallel_loop3A_1040], %parallel_loop3A_1041 : memref<32768xf32, #tpu.memory_space<vmem>>[vector<16xi32>], vector<16xf32>,
      %parallel_loop3A_1042 = arith.constant 1 : i32
      %parallel_loop3A_1043 = vector.broadcast %parallel_loop3A_1042 : i32 to vector<16xi32>
      %parallel_loop3A_1044 = arith.addi %parallel_loop3A_19, %parallel_loop3A_1043 : vector<16xi32>
      %parallel_loop3A_1045 = arith.mulf %parallel_loop3A_129, %parallel_loop3A_1037 : vector<16xf32>
      tpu.vector_store_idx %arg5[%parallel_loop3A_1044], %parallel_loop3A_1045 : memref<32768xf32, #tpu.memory_space<vmem>>[vector<16xi32>], vector<16xf32>,
      %parallel_loop3A_1046 = arith.constant 2 : i32
      %parallel_loop3A_1047 = vector.broadcast %parallel_loop3A_1046 : i32 to vector<16xi32>
      %parallel_loop3A_1048 = arith.addi %parallel_loop3A_19, %parallel_loop3A_1047 : vector<16xi32>
      %parallel_loop3A_1049 = arith.mulf %parallel_loop3A_138, %parallel_loop3A_1037 : vector<16xf32>
      tpu.vector_store_idx %arg5[%parallel_loop3A_1048], %parallel_loop3A_1049 : memref<32768xf32, #tpu.memory_space<vmem>>[vector<16xi32>], vector<16xf32>,
      %parallel_loop3A_1050 = arith.constant 3 : i32
      %parallel_loop3A_1051 = vector.broadcast %parallel_loop3A_1050 : i32 to vector<16xi32>
      %parallel_loop3A_1052 = arith.addi %parallel_loop3A_19, %parallel_loop3A_1051 : vector<16xi32>
      %parallel_loop3A_1053 = arith.mulf %parallel_loop3A_147, %parallel_loop3A_1037 : vector<16xf32>
      tpu.vector_store_idx %arg5[%parallel_loop3A_1052], %parallel_loop3A_1053 : memref<32768xf32, #tpu.memory_space<vmem>>[vector<16xi32>], vector<16xf32>,
      %parallel_loop3A_1054 = arith.constant 4 : i32
      %parallel_loop3A_1055 = vector.broadcast %parallel_loop3A_1054 : i32 to vector<16xi32>
      %parallel_loop3A_1056 = arith.addi %parallel_loop3A_19, %parallel_loop3A_1055 : vector<16xi32>
      %parallel_loop3A_1057 = arith.mulf %parallel_loop3A_156, %parallel_loop3A_1037 : vector<16xf32>
      tpu.vector_store_idx %arg5[%parallel_loop3A_1056], %parallel_loop3A_1057 : memref<32768xf32, #tpu.memory_space<vmem>>[vector<16xi32>], vector<16xf32>,
      %parallel_loop3A_1058 = arith.constant 5 : i32
      %parallel_loop3A_1059 = vector.broadcast %parallel_loop3A_1058 : i32 to vector<16xi32>
      %parallel_loop3A_1060 = arith.addi %parallel_loop3A_19, %parallel_loop3A_1059 : vector<16xi32>
      %parallel_loop3A_1061 = arith.mulf %parallel_loop3A_165, %parallel_loop3A_1037 : vector<16xf32>
      tpu.vector_store_idx %arg5[%parallel_loop3A_1060], %parallel_loop3A_1061 : memref<32768xf32, #tpu.memory_space<vmem>>[vector<16xi32>], vector<16xf32>,
      %parallel_loop3A_1062 = arith.constant 6 : i32
      %parallel_loop3A_1063 = vector.broadcast %parallel_loop3A_1062 : i32 to vector<16xi32>
      %parallel_loop3A_1064 = arith.addi %parallel_loop3A_19, %parallel_loop3A_1063 : vector<16xi32>
      %parallel_loop3A_1065 = arith.mulf %parallel_loop3A_174, %parallel_loop3A_1037 : vector<16xf32>
      tpu.vector_store_idx %arg5[%parallel_loop3A_1064], %parallel_loop3A_1065 : memref<32768xf32, #tpu.memory_space<vmem>>[vector<16xi32>], vector<16xf32>,
      %parallel_loop3A_1066 = arith.constant 7 : i32
      %parallel_loop3A_1067 = vector.broadcast %parallel_loop3A_1066 : i32 to vector<16xi32>
      %parallel_loop3A_1068 = arith.addi %parallel_loop3A_19, %parallel_loop3A_1067 : vector<16xi32>
      %parallel_loop3A_1069 = arith.mulf %parallel_loop3A_183, %parallel_loop3A_1037 : vector<16xf32>
      tpu.vector_store_idx %arg5[%parallel_loop3A_1068], %parallel_loop3A_1069 : memref<32768xf32, #tpu.memory_space<vmem>>[vector<16xi32>], vector<16xf32>,
      %parallel_loop3A_1070 = arith.constant 8 : i32
      %parallel_loop3A_1071 = vector.broadcast %parallel_loop3A_1070 : i32 to vector<16xi32>
      %parallel_loop3A_1072 = arith.addi %parallel_loop3A_19, %parallel_loop3A_1071 : vector<16xi32>
      %parallel_loop3A_1073 = arith.mulf %parallel_loop3A_241, %parallel_loop3A_1037 : vector<16xf32>
      tpu.vector_store_idx %arg5[%parallel_loop3A_1072], %parallel_loop3A_1073 : memref<32768xf32, #tpu.memory_space<vmem>>[vector<16xi32>], vector<16xf32>,
      %parallel_loop3A_1074 = arith.constant 9 : i32
      %parallel_loop3A_1075 = vector.broadcast %parallel_loop3A_1074 : i32 to vector<16xi32>
      %parallel_loop3A_1076 = arith.addi %parallel_loop3A_19, %parallel_loop3A_1075 : vector<16xi32>
      %parallel_loop3A_1077 = arith.mulf %parallel_loop3A_250, %parallel_loop3A_1037 : vector<16xf32>
      tpu.vector_store_idx %arg5[%parallel_loop3A_1076], %parallel_loop3A_1077 : memref<32768xf32, #tpu.memory_space<vmem>>[vector<16xi32>], vector<16xf32>,
      %parallel_loop3A_1078 = arith.constant 10 : i32
      %parallel_loop3A_1079 = vector.broadcast %parallel_loop3A_1078 : i32 to vector<16xi32>
      %parallel_loop3A_1080 = arith.addi %parallel_loop3A_19, %parallel_loop3A_1079 : vector<16xi32>
      %parallel_loop3A_1081 = arith.mulf %parallel_loop3A_259, %parallel_loop3A_1037 : vector<16xf32>
      tpu.vector_store_idx %arg5[%parallel_loop3A_1080], %parallel_loop3A_1081 : memref<32768xf32, #tpu.memory_space<vmem>>[vector<16xi32>], vector<16xf32>,
      %parallel_loop3A_1082 = arith.constant 11 : i32
      %parallel_loop3A_1083 = vector.broadcast %parallel_loop3A_1082 : i32 to vector<16xi32>
      %parallel_loop3A_1084 = arith.addi %parallel_loop3A_19, %parallel_loop3A_1083 : vector<16xi32>
      %parallel_loop3A_1085 = arith.mulf %parallel_loop3A_268, %parallel_loop3A_1037 : vector<16xf32>
      tpu.vector_store_idx %arg5[%parallel_loop3A_1084], %parallel_loop3A_1085 : memref<32768xf32, #tpu.memory_space<vmem>>[vector<16xi32>], vector<16xf32>,
      %parallel_loop3A_1086 = arith.constant 12 : i32
      %parallel_loop3A_1087 = vector.broadcast %parallel_loop3A_1086 : i32 to vector<16xi32>
      %parallel_loop3A_1088 = arith.addi %parallel_loop3A_19, %parallel_loop3A_1087 : vector<16xi32>
      %parallel_loop3A_1089 = arith.mulf %parallel_loop3A_277, %parallel_loop3A_1037 : vector<16xf32>
      tpu.vector_store_idx %arg5[%parallel_loop3A_1088], %parallel_loop3A_1089 : memref<32768xf32, #tpu.memory_space<vmem>>[vector<16xi32>], vector<16xf32>,
      %parallel_loop3A_1090 = arith.constant 13 : i32
      %parallel_loop3A_1091 = vector.broadcast %parallel_loop3A_1090 : i32 to vector<16xi32>
      %parallel_loop3A_1092 = arith.addi %parallel_loop3A_19, %parallel_loop3A_1091 : vector<16xi32>
      %parallel_loop3A_1093 = arith.mulf %parallel_loop3A_286, %parallel_loop3A_1037 : vector<16xf32>
      tpu.vector_store_idx %arg5[%parallel_loop3A_1092], %parallel_loop3A_1093 : memref<32768xf32, #tpu.memory_space<vmem>>[vector<16xi32>], vector<16xf32>,
      %parallel_loop3A_1094 = arith.constant 14 : i32
      %parallel_loop3A_1095 = vector.broadcast %parallel_loop3A_1094 : i32 to vector<16xi32>
      %parallel_loop3A_1096 = arith.addi %parallel_loop3A_19, %parallel_loop3A_1095 : vector<16xi32>
      %parallel_loop3A_1097 = arith.mulf %parallel_loop3A_295, %parallel_loop3A_1037 : vector<16xf32>
      tpu.vector_store_idx %arg5[%parallel_loop3A_1096], %parallel_loop3A_1097 : memref<32768xf32, #tpu.memory_space<vmem>>[vector<16xi32>], vector<16xf32>,
      %parallel_loop3A_1098 = arith.constant 15 : i32
      %parallel_loop3A_1099 = vector.broadcast %parallel_loop3A_1098 : i32 to vector<16xi32>
      %parallel_loop3A_1100 = arith.addi %parallel_loop3A_19, %parallel_loop3A_1099 : vector<16xi32>
      %parallel_loop3A_1101 = arith.mulf %parallel_loop3A_304, %parallel_loop3A_1037 : vector<16xf32>
      tpu.vector_store_idx %arg5[%parallel_loop3A_1100], %parallel_loop3A_1101 : memref<32768xf32, #tpu.memory_space<vmem>>[vector<16xi32>], vector<16xf32>,
      %parallel_loop3A_1102 = arith.constant 16 : i32
      %parallel_loop3A_1103 = vector.broadcast %parallel_loop3A_1102 : i32 to vector<16xi32>
      %parallel_loop3A_1104 = arith.addi %parallel_loop3A_19, %parallel_loop3A_1103 : vector<16xi32>
      %parallel_loop3A_1105 = arith.mulf %parallel_loop3A_362, %parallel_loop3A_1037 : vector<16xf32>
      tpu.vector_store_idx %arg5[%parallel_loop3A_1104], %parallel_loop3A_1105 : memref<32768xf32, #tpu.memory_space<vmem>>[vector<16xi32>], vector<16xf32>,
      %parallel_loop3A_1106 = arith.constant 17 : i32
      %parallel_loop3A_1107 = vector.broadcast %parallel_loop3A_1106 : i32 to vector<16xi32>
      %parallel_loop3A_1108 = arith.addi %parallel_loop3A_19, %parallel_loop3A_1107 : vector<16xi32>
      %parallel_loop3A_1109 = arith.mulf %parallel_loop3A_371, %parallel_loop3A_1037 : vector<16xf32>
      tpu.vector_store_idx %arg5[%parallel_loop3A_1108], %parallel_loop3A_1109 : memref<32768xf32, #tpu.memory_space<vmem>>[vector<16xi32>], vector<16xf32>,
      %parallel_loop3A_1110 = arith.constant 18 : i32
      %parallel_loop3A_1111 = vector.broadcast %parallel_loop3A_1110 : i32 to vector<16xi32>
      %parallel_loop3A_1112 = arith.addi %parallel_loop3A_19, %parallel_loop3A_1111 : vector<16xi32>
      %parallel_loop3A_1113 = arith.mulf %parallel_loop3A_380, %parallel_loop3A_1037 : vector<16xf32>
      tpu.vector_store_idx %arg5[%parallel_loop3A_1112], %parallel_loop3A_1113 : memref<32768xf32, #tpu.memory_space<vmem>>[vector<16xi32>], vector<16xf32>,
      %parallel_loop3A_1114 = arith.constant 19 : i32
      %parallel_loop3A_1115 = vector.broadcast %parallel_loop3A_1114 : i32 to vector<16xi32>
      %parallel_loop3A_1116 = arith.addi %parallel_loop3A_19, %parallel_loop3A_1115 : vector<16xi32>
      %parallel_loop3A_1117 = arith.mulf %parallel_loop3A_389, %parallel_loop3A_1037 : vector<16xf32>
      tpu.vector_store_idx %arg5[%parallel_loop3A_1116], %parallel_loop3A_1117 : memref<32768xf32, #tpu.memory_space<vmem>>[vector<16xi32>], vector<16xf32>,
      %parallel_loop3A_1118 = arith.constant 20 : i32
      %parallel_loop3A_1119 = vector.broadcast %parallel_loop3A_1118 : i32 to vector<16xi32>
      %parallel_loop3A_1120 = arith.addi %parallel_loop3A_19, %parallel_loop3A_1119 : vector<16xi32>
      %parallel_loop3A_1121 = arith.mulf %parallel_loop3A_398, %parallel_loop3A_1037 : vector<16xf32>
      tpu.vector_store_idx %arg5[%parallel_loop3A_1120], %parallel_loop3A_1121 : memref<32768xf32, #tpu.memory_space<vmem>>[vector<16xi32>], vector<16xf32>,
      %parallel_loop3A_1122 = arith.constant 21 : i32
      %parallel_loop3A_1123 = vector.broadcast %parallel_loop3A_1122 : i32 to vector<16xi32>
      %parallel_loop3A_1124 = arith.addi %parallel_loop3A_19, %parallel_loop3A_1123 : vector<16xi32>
      %parallel_loop3A_1125 = arith.mulf %parallel_loop3A_407, %parallel_loop3A_1037 : vector<16xf32>
      tpu.vector_store_idx %arg5[%parallel_loop3A_1124], %parallel_loop3A_1125 : memref<32768xf32, #tpu.memory_space<vmem>>[vector<16xi32>], vector<16xf32>,
      %parallel_loop3A_1126 = arith.constant 22 : i32
      %parallel_loop3A_1127 = vector.broadcast %parallel_loop3A_1126 : i32 to vector<16xi32>
      %parallel_loop3A_1128 = arith.addi %parallel_loop3A_19, %parallel_loop3A_1127 : vector<16xi32>
      %parallel_loop3A_1129 = arith.mulf %parallel_loop3A_416, %parallel_loop3A_1037 : vector<16xf32>
      tpu.vector_store_idx %arg5[%parallel_loop3A_1128], %parallel_loop3A_1129 : memref<32768xf32, #tpu.memory_space<vmem>>[vector<16xi32>], vector<16xf32>,
      %parallel_loop3A_1130 = arith.constant 23 : i32
      %parallel_loop3A_1131 = vector.broadcast %parallel_loop3A_1130 : i32 to vector<16xi32>
      %parallel_loop3A_1132 = arith.addi %parallel_loop3A_19, %parallel_loop3A_1131 : vector<16xi32>
      %parallel_loop3A_1133 = arith.mulf %parallel_loop3A_425, %parallel_loop3A_1037 : vector<16xf32>
      tpu.vector_store_idx %arg5[%parallel_loop3A_1132], %parallel_loop3A_1133 : memref<32768xf32, #tpu.memory_space<vmem>>[vector<16xi32>], vector<16xf32>,
      %parallel_loop3A_1134 = arith.constant 24 : i32
      %parallel_loop3A_1135 = vector.broadcast %parallel_loop3A_1134 : i32 to vector<16xi32>
      %parallel_loop3A_1136 = arith.addi %parallel_loop3A_19, %parallel_loop3A_1135 : vector<16xi32>
      %parallel_loop3A_1137 = arith.mulf %parallel_loop3A_483, %parallel_loop3A_1037 : vector<16xf32>
      tpu.vector_store_idx %arg5[%parallel_loop3A_1136], %parallel_loop3A_1137 : memref<32768xf32, #tpu.memory_space<vmem>>[vector<16xi32>], vector<16xf32>,
      %parallel_loop3A_1138 = arith.constant 25 : i32
      %parallel_loop3A_1139 = vector.broadcast %parallel_loop3A_1138 : i32 to vector<16xi32>
      %parallel_loop3A_1140 = arith.addi %parallel_loop3A_19, %parallel_loop3A_1139 : vector<16xi32>
      %parallel_loop3A_1141 = arith.mulf %parallel_loop3A_492, %parallel_loop3A_1037 : vector<16xf32>
      tpu.vector_store_idx %arg5[%parallel_loop3A_1140], %parallel_loop3A_1141 : memref<32768xf32, #tpu.memory_space<vmem>>[vector<16xi32>], vector<16xf32>,
      %parallel_loop3A_1142 = arith.constant 26 : i32
      %parallel_loop3A_1143 = vector.broadcast %parallel_loop3A_1142 : i32 to vector<16xi32>
      %parallel_loop3A_1144 = arith.addi %parallel_loop3A_19, %parallel_loop3A_1143 : vector<16xi32>
      %parallel_loop3A_1145 = arith.mulf %parallel_loop3A_501, %parallel_loop3A_1037 : vector<16xf32>
      tpu.vector_store_idx %arg5[%parallel_loop3A_1144], %parallel_loop3A_1145 : memref<32768xf32, #tpu.memory_space<vmem>>[vector<16xi32>], vector<16xf32>,
      %parallel_loop3A_1146 = arith.constant 27 : i32
      %parallel_loop3A_1147 = vector.broadcast %parallel_loop3A_1146 : i32 to vector<16xi32>
      %parallel_loop3A_1148 = arith.addi %parallel_loop3A_19, %parallel_loop3A_1147 : vector<16xi32>
      %parallel_loop3A_1149 = arith.mulf %parallel_loop3A_510, %parallel_loop3A_1037 : vector<16xf32>
      tpu.vector_store_idx %arg5[%parallel_loop3A_1148], %parallel_loop3A_1149 : memref<32768xf32, #tpu.memory_space<vmem>>[vector<16xi32>], vector<16xf32>,
      %parallel_loop3A_1150 = arith.constant 28 : i32
      %parallel_loop3A_1151 = vector.broadcast %parallel_loop3A_1150 : i32 to vector<16xi32>
      %parallel_loop3A_1152 = arith.addi %parallel_loop3A_19, %parallel_loop3A_1151 : vector<16xi32>
      %parallel_loop3A_1153 = arith.mulf %parallel_loop3A_519, %parallel_loop3A_1037 : vector<16xf32>
      tpu.vector_store_idx %arg5[%parallel_loop3A_1152], %parallel_loop3A_1153 : memref<32768xf32, #tpu.memory_space<vmem>>[vector<16xi32>], vector<16xf32>,
      %parallel_loop3A_1154 = arith.constant 29 : i32
      %parallel_loop3A_1155 = vector.broadcast %parallel_loop3A_1154 : i32 to vector<16xi32>
      %parallel_loop3A_1156 = arith.addi %parallel_loop3A_19, %parallel_loop3A_1155 : vector<16xi32>
      %parallel_loop3A_1157 = arith.mulf %parallel_loop3A_528, %parallel_loop3A_1037 : vector<16xf32>
      tpu.vector_store_idx %arg5[%parallel_loop3A_1156], %parallel_loop3A_1157 : memref<32768xf32, #tpu.memory_space<vmem>>[vector<16xi32>], vector<16xf32>,
      %parallel_loop3A_1158 = arith.constant 30 : i32
      %parallel_loop3A_1159 = vector.broadcast %parallel_loop3A_1158 : i32 to vector<16xi32>
      %parallel_loop3A_1160 = arith.addi %parallel_loop3A_19, %parallel_loop3A_1159 : vector<16xi32>
      %parallel_loop3A_1161 = arith.mulf %parallel_loop3A_537, %parallel_loop3A_1037 : vector<16xf32>
      tpu.vector_store_idx %arg5[%parallel_loop3A_1160], %parallel_loop3A_1161 : memref<32768xf32, #tpu.memory_space<vmem>>[vector<16xi32>], vector<16xf32>,
      %parallel_loop3A_1162 = arith.constant 31 : i32
      %parallel_loop3A_1163 = vector.broadcast %parallel_loop3A_1162 : i32 to vector<16xi32>
      %parallel_loop3A_1164 = arith.addi %parallel_loop3A_19, %parallel_loop3A_1163 : vector<16xi32>
      %parallel_loop3A_1165 = arith.mulf %parallel_loop3A_546, %parallel_loop3A_1037 : vector<16xf32>
      tpu.vector_store_idx %arg5[%parallel_loop3A_1164], %parallel_loop3A_1165 : memref<32768xf32, #tpu.memory_space<vmem>>[vector<16xi32>], vector<16xf32>,
      %parallel_loop3A_1166 = arith.constant 32 : i32
      %parallel_loop3A_1167 = vector.broadcast %parallel_loop3A_1166 : i32 to vector<16xi32>
      %parallel_loop3A_1168 = arith.addi %parallel_loop3A_19, %parallel_loop3A_1167 : vector<16xi32>
      %parallel_loop3A_1169 = arith.mulf %parallel_loop3A_604, %parallel_loop3A_1037 : vector<16xf32>
      tpu.vector_store_idx %arg5[%parallel_loop3A_1168], %parallel_loop3A_1169 : memref<32768xf32, #tpu.memory_space<vmem>>[vector<16xi32>], vector<16xf32>,
      %parallel_loop3A_1170 = arith.constant 33 : i32
      %parallel_loop3A_1171 = vector.broadcast %parallel_loop3A_1170 : i32 to vector<16xi32>
      %parallel_loop3A_1172 = arith.addi %parallel_loop3A_19, %parallel_loop3A_1171 : vector<16xi32>
      %parallel_loop3A_1173 = arith.mulf %parallel_loop3A_613, %parallel_loop3A_1037 : vector<16xf32>
      tpu.vector_store_idx %arg5[%parallel_loop3A_1172], %parallel_loop3A_1173 : memref<32768xf32, #tpu.memory_space<vmem>>[vector<16xi32>], vector<16xf32>,
      %parallel_loop3A_1174 = arith.constant 34 : i32
      %parallel_loop3A_1175 = vector.broadcast %parallel_loop3A_1174 : i32 to vector<16xi32>
      %parallel_loop3A_1176 = arith.addi %parallel_loop3A_19, %parallel_loop3A_1175 : vector<16xi32>
      %parallel_loop3A_1177 = arith.mulf %parallel_loop3A_622, %parallel_loop3A_1037 : vector<16xf32>
      tpu.vector_store_idx %arg5[%parallel_loop3A_1176], %parallel_loop3A_1177 : memref<32768xf32, #tpu.memory_space<vmem>>[vector<16xi32>], vector<16xf32>,
      %parallel_loop3A_1178 = arith.constant 35 : i32
      %parallel_loop3A_1179 = vector.broadcast %parallel_loop3A_1178 : i32 to vector<16xi32>
      %parallel_loop3A_1180 = arith.addi %parallel_loop3A_19, %parallel_loop3A_1179 : vector<16xi32>
      %parallel_loop3A_1181 = arith.mulf %parallel_loop3A_631, %parallel_loop3A_1037 : vector<16xf32>
      tpu.vector_store_idx %arg5[%parallel_loop3A_1180], %parallel_loop3A_1181 : memref<32768xf32, #tpu.memory_space<vmem>>[vector<16xi32>], vector<16xf32>,
      %parallel_loop3A_1182 = arith.constant 36 : i32
      %parallel_loop3A_1183 = vector.broadcast %parallel_loop3A_1182 : i32 to vector<16xi32>
      %parallel_loop3A_1184 = arith.addi %parallel_loop3A_19, %parallel_loop3A_1183 : vector<16xi32>
      %parallel_loop3A_1185 = arith.mulf %parallel_loop3A_640, %parallel_loop3A_1037 : vector<16xf32>
      tpu.vector_store_idx %arg5[%parallel_loop3A_1184], %parallel_loop3A_1185 : memref<32768xf32, #tpu.memory_space<vmem>>[vector<16xi32>], vector<16xf32>,
      %parallel_loop3A_1186 = arith.constant 37 : i32
      %parallel_loop3A_1187 = vector.broadcast %parallel_loop3A_1186 : i32 to vector<16xi32>
      %parallel_loop3A_1188 = arith.addi %parallel_loop3A_19, %parallel_loop3A_1187 : vector<16xi32>
      %parallel_loop3A_1189 = arith.mulf %parallel_loop3A_649, %parallel_loop3A_1037 : vector<16xf32>
      tpu.vector_store_idx %arg5[%parallel_loop3A_1188], %parallel_loop3A_1189 : memref<32768xf32, #tpu.memory_space<vmem>>[vector<16xi32>], vector<16xf32>,
      %parallel_loop3A_1190 = arith.constant 38 : i32
      %parallel_loop3A_1191 = vector.broadcast %parallel_loop3A_1190 : i32 to vector<16xi32>
      %parallel_loop3A_1192 = arith.addi %parallel_loop3A_19, %parallel_loop3A_1191 : vector<16xi32>
      %parallel_loop3A_1193 = arith.mulf %parallel_loop3A_658, %parallel_loop3A_1037 : vector<16xf32>
      tpu.vector_store_idx %arg5[%parallel_loop3A_1192], %parallel_loop3A_1193 : memref<32768xf32, #tpu.memory_space<vmem>>[vector<16xi32>], vector<16xf32>,
      %parallel_loop3A_1194 = arith.constant 39 : i32
      %parallel_loop3A_1195 = vector.broadcast %parallel_loop3A_1194 : i32 to vector<16xi32>
      %parallel_loop3A_1196 = arith.addi %parallel_loop3A_19, %parallel_loop3A_1195 : vector<16xi32>
      %parallel_loop3A_1197 = arith.mulf %parallel_loop3A_667, %parallel_loop3A_1037 : vector<16xf32>
      tpu.vector_store_idx %arg5[%parallel_loop3A_1196], %parallel_loop3A_1197 : memref<32768xf32, #tpu.memory_space<vmem>>[vector<16xi32>], vector<16xf32>,
      %parallel_loop3A_1198 = arith.constant 40 : i32
      %parallel_loop3A_1199 = vector.broadcast %parallel_loop3A_1198 : i32 to vector<16xi32>
      %parallel_loop3A_1200 = arith.addi %parallel_loop3A_19, %parallel_loop3A_1199 : vector<16xi32>
      %parallel_loop3A_1201 = arith.mulf %parallel_loop3A_725, %parallel_loop3A_1037 : vector<16xf32>
      tpu.vector_store_idx %arg5[%parallel_loop3A_1200], %parallel_loop3A_1201 : memref<32768xf32, #tpu.memory_space<vmem>>[vector<16xi32>], vector<16xf32>,
      %parallel_loop3A_1202 = arith.constant 41 : i32
      %parallel_loop3A_1203 = vector.broadcast %parallel_loop3A_1202 : i32 to vector<16xi32>
      %parallel_loop3A_1204 = arith.addi %parallel_loop3A_19, %parallel_loop3A_1203 : vector<16xi32>
      %parallel_loop3A_1205 = arith.mulf %parallel_loop3A_734, %parallel_loop3A_1037 : vector<16xf32>
      tpu.vector_store_idx %arg5[%parallel_loop3A_1204], %parallel_loop3A_1205 : memref<32768xf32, #tpu.memory_space<vmem>>[vector<16xi32>], vector<16xf32>,
      %parallel_loop3A_1206 = arith.constant 42 : i32
      %parallel_loop3A_1207 = vector.broadcast %parallel_loop3A_1206 : i32 to vector<16xi32>
      %parallel_loop3A_1208 = arith.addi %parallel_loop3A_19, %parallel_loop3A_1207 : vector<16xi32>
      %parallel_loop3A_1209 = arith.mulf %parallel_loop3A_743, %parallel_loop3A_1037 : vector<16xf32>
      tpu.vector_store_idx %arg5[%parallel_loop3A_1208], %parallel_loop3A_1209 : memref<32768xf32, #tpu.memory_space<vmem>>[vector<16xi32>], vector<16xf32>,
      %parallel_loop3A_1210 = arith.constant 43 : i32
      %parallel_loop3A_1211 = vector.broadcast %parallel_loop3A_1210 : i32 to vector<16xi32>
      %parallel_loop3A_1212 = arith.addi %parallel_loop3A_19, %parallel_loop3A_1211 : vector<16xi32>
      %parallel_loop3A_1213 = arith.mulf %parallel_loop3A_752, %parallel_loop3A_1037 : vector<16xf32>
      tpu.vector_store_idx %arg5[%parallel_loop3A_1212], %parallel_loop3A_1213 : memref<32768xf32, #tpu.memory_space<vmem>>[vector<16xi32>], vector<16xf32>,
      %parallel_loop3A_1214 = arith.constant 44 : i32
      %parallel_loop3A_1215 = vector.broadcast %parallel_loop3A_1214 : i32 to vector<16xi32>
      %parallel_loop3A_1216 = arith.addi %parallel_loop3A_19, %parallel_loop3A_1215 : vector<16xi32>
      %parallel_loop3A_1217 = arith.mulf %parallel_loop3A_761, %parallel_loop3A_1037 : vector<16xf32>
      tpu.vector_store_idx %arg5[%parallel_loop3A_1216], %parallel_loop3A_1217 : memref<32768xf32, #tpu.memory_space<vmem>>[vector<16xi32>], vector<16xf32>,
      %parallel_loop3A_1218 = arith.constant 45 : i32
      %parallel_loop3A_1219 = vector.broadcast %parallel_loop3A_1218 : i32 to vector<16xi32>
      %parallel_loop3A_1220 = arith.addi %parallel_loop3A_19, %parallel_loop3A_1219 : vector<16xi32>
      %parallel_loop3A_1221 = arith.mulf %parallel_loop3A_770, %parallel_loop3A_1037 : vector<16xf32>
      tpu.vector_store_idx %arg5[%parallel_loop3A_1220], %parallel_loop3A_1221 : memref<32768xf32, #tpu.memory_space<vmem>>[vector<16xi32>], vector<16xf32>,
      %parallel_loop3A_1222 = arith.constant 46 : i32
      %parallel_loop3A_1223 = vector.broadcast %parallel_loop3A_1222 : i32 to vector<16xi32>
      %parallel_loop3A_1224 = arith.addi %parallel_loop3A_19, %parallel_loop3A_1223 : vector<16xi32>
      %parallel_loop3A_1225 = arith.mulf %parallel_loop3A_779, %parallel_loop3A_1037 : vector<16xf32>
      tpu.vector_store_idx %arg5[%parallel_loop3A_1224], %parallel_loop3A_1225 : memref<32768xf32, #tpu.memory_space<vmem>>[vector<16xi32>], vector<16xf32>,
      %parallel_loop3A_1226 = arith.constant 47 : i32
      %parallel_loop3A_1227 = vector.broadcast %parallel_loop3A_1226 : i32 to vector<16xi32>
      %parallel_loop3A_1228 = arith.addi %parallel_loop3A_19, %parallel_loop3A_1227 : vector<16xi32>
      %parallel_loop3A_1229 = arith.mulf %parallel_loop3A_788, %parallel_loop3A_1037 : vector<16xf32>
      tpu.vector_store_idx %arg5[%parallel_loop3A_1228], %parallel_loop3A_1229 : memref<32768xf32, #tpu.memory_space<vmem>>[vector<16xi32>], vector<16xf32>,
      %parallel_loop3A_1230 = arith.constant 48 : i32
      %parallel_loop3A_1231 = vector.broadcast %parallel_loop3A_1230 : i32 to vector<16xi32>
      %parallel_loop3A_1232 = arith.addi %parallel_loop3A_19, %parallel_loop3A_1231 : vector<16xi32>
      %parallel_loop3A_1233 = arith.mulf %parallel_loop3A_846, %parallel_loop3A_1037 : vector<16xf32>
      tpu.vector_store_idx %arg5[%parallel_loop3A_1232], %parallel_loop3A_1233 : memref<32768xf32, #tpu.memory_space<vmem>>[vector<16xi32>], vector<16xf32>,
      %parallel_loop3A_1234 = arith.constant 49 : i32
      %parallel_loop3A_1235 = vector.broadcast %parallel_loop3A_1234 : i32 to vector<16xi32>
      %parallel_loop3A_1236 = arith.addi %parallel_loop3A_19, %parallel_loop3A_1235 : vector<16xi32>
      %parallel_loop3A_1237 = arith.mulf %parallel_loop3A_855, %parallel_loop3A_1037 : vector<16xf32>
      tpu.vector_store_idx %arg5[%parallel_loop3A_1236], %parallel_loop3A_1237 : memref<32768xf32, #tpu.memory_space<vmem>>[vector<16xi32>], vector<16xf32>,
      %parallel_loop3A_1238 = arith.constant 50 : i32
      %parallel_loop3A_1239 = vector.broadcast %parallel_loop3A_1238 : i32 to vector<16xi32>
      %parallel_loop3A_1240 = arith.addi %parallel_loop3A_19, %parallel_loop3A_1239 : vector<16xi32>
      %parallel_loop3A_1241 = arith.mulf %parallel_loop3A_864, %parallel_loop3A_1037 : vector<16xf32>
      tpu.vector_store_idx %arg5[%parallel_loop3A_1240], %parallel_loop3A_1241 : memref<32768xf32, #tpu.memory_space<vmem>>[vector<16xi32>], vector<16xf32>,
      %parallel_loop3A_1242 = arith.constant 51 : i32
      %parallel_loop3A_1243 = vector.broadcast %parallel_loop3A_1242 : i32 to vector<16xi32>
      %parallel_loop3A_1244 = arith.addi %parallel_loop3A_19, %parallel_loop3A_1243 : vector<16xi32>
      %parallel_loop3A_1245 = arith.mulf %parallel_loop3A_873, %parallel_loop3A_1037 : vector<16xf32>
      tpu.vector_store_idx %arg5[%parallel_loop3A_1244], %parallel_loop3A_1245 : memref<32768xf32, #tpu.memory_space<vmem>>[vector<16xi32>], vector<16xf32>,
      %parallel_loop3A_1246 = arith.constant 52 : i32
      %parallel_loop3A_1247 = vector.broadcast %parallel_loop3A_1246 : i32 to vector<16xi32>
      %parallel_loop3A_1248 = arith.addi %parallel_loop3A_19, %parallel_loop3A_1247 : vector<16xi32>
      %parallel_loop3A_1249 = arith.mulf %parallel_loop3A_882, %parallel_loop3A_1037 : vector<16xf32>
      tpu.vector_store_idx %arg5[%parallel_loop3A_1248], %parallel_loop3A_1249 : memref<32768xf32, #tpu.memory_space<vmem>>[vector<16xi32>], vector<16xf32>,
      %parallel_loop3A_1250 = arith.constant 53 : i32
      %parallel_loop3A_1251 = vector.broadcast %parallel_loop3A_1250 : i32 to vector<16xi32>
      %parallel_loop3A_1252 = arith.addi %parallel_loop3A_19, %parallel_loop3A_1251 : vector<16xi32>
      %parallel_loop3A_1253 = arith.mulf %parallel_loop3A_891, %parallel_loop3A_1037 : vector<16xf32>
      tpu.vector_store_idx %arg5[%parallel_loop3A_1252], %parallel_loop3A_1253 : memref<32768xf32, #tpu.memory_space<vmem>>[vector<16xi32>], vector<16xf32>,
      %parallel_loop3A_1254 = arith.constant 54 : i32
      %parallel_loop3A_1255 = vector.broadcast %parallel_loop3A_1254 : i32 to vector<16xi32>
      %parallel_loop3A_1256 = arith.addi %parallel_loop3A_19, %parallel_loop3A_1255 : vector<16xi32>
      %parallel_loop3A_1257 = arith.mulf %parallel_loop3A_900, %parallel_loop3A_1037 : vector<16xf32>
      tpu.vector_store_idx %arg5[%parallel_loop3A_1256], %parallel_loop3A_1257 : memref<32768xf32, #tpu.memory_space<vmem>>[vector<16xi32>], vector<16xf32>,
      %parallel_loop3A_1258 = arith.constant 55 : i32
      %parallel_loop3A_1259 = vector.broadcast %parallel_loop3A_1258 : i32 to vector<16xi32>
      %parallel_loop3A_1260 = arith.addi %parallel_loop3A_19, %parallel_loop3A_1259 : vector<16xi32>
      %parallel_loop3A_1261 = arith.mulf %parallel_loop3A_909, %parallel_loop3A_1037 : vector<16xf32>
      tpu.vector_store_idx %arg5[%parallel_loop3A_1260], %parallel_loop3A_1261 : memref<32768xf32, #tpu.memory_space<vmem>>[vector<16xi32>], vector<16xf32>,
      %parallel_loop3A_1262 = arith.constant 56 : i32
      %parallel_loop3A_1263 = vector.broadcast %parallel_loop3A_1262 : i32 to vector<16xi32>
      %parallel_loop3A_1264 = arith.addi %parallel_loop3A_19, %parallel_loop3A_1263 : vector<16xi32>
      %parallel_loop3A_1265 = arith.mulf %parallel_loop3A_967, %parallel_loop3A_1037 : vector<16xf32>
      tpu.vector_store_idx %arg5[%parallel_loop3A_1264], %parallel_loop3A_1265 : memref<32768xf32, #tpu.memory_space<vmem>>[vector<16xi32>], vector<16xf32>,
      %parallel_loop3A_1266 = arith.constant 57 : i32
      %parallel_loop3A_1267 = vector.broadcast %parallel_loop3A_1266 : i32 to vector<16xi32>
      %parallel_loop3A_1268 = arith.addi %parallel_loop3A_19, %parallel_loop3A_1267 : vector<16xi32>
      %parallel_loop3A_1269 = arith.mulf %parallel_loop3A_976, %parallel_loop3A_1037 : vector<16xf32>
      tpu.vector_store_idx %arg5[%parallel_loop3A_1268], %parallel_loop3A_1269 : memref<32768xf32, #tpu.memory_space<vmem>>[vector<16xi32>], vector<16xf32>,
      %parallel_loop3A_1270 = arith.constant 58 : i32
      %parallel_loop3A_1271 = vector.broadcast %parallel_loop3A_1270 : i32 to vector<16xi32>
      %parallel_loop3A_1272 = arith.addi %parallel_loop3A_19, %parallel_loop3A_1271 : vector<16xi32>
      %parallel_loop3A_1273 = arith.mulf %parallel_loop3A_985, %parallel_loop3A_1037 : vector<16xf32>
      tpu.vector_store_idx %arg5[%parallel_loop3A_1272], %parallel_loop3A_1273 : memref<32768xf32, #tpu.memory_space<vmem>>[vector<16xi32>], vector<16xf32>,
      %parallel_loop3A_1274 = arith.constant 59 : i32
      %parallel_loop3A_1275 = vector.broadcast %parallel_loop3A_1274 : i32 to vector<16xi32>
      %parallel_loop3A_1276 = arith.addi %parallel_loop3A_19, %parallel_loop3A_1275 : vector<16xi32>
      %parallel_loop3A_1277 = arith.mulf %parallel_loop3A_994, %parallel_loop3A_1037 : vector<16xf32>
      tpu.vector_store_idx %arg5[%parallel_loop3A_1276], %parallel_loop3A_1277 : memref<32768xf32, #tpu.memory_space<vmem>>[vector<16xi32>], vector<16xf32>,
      %parallel_loop3A_1278 = arith.constant 60 : i32
      %parallel_loop3A_1279 = vector.broadcast %parallel_loop3A_1278 : i32 to vector<16xi32>
      %parallel_loop3A_1280 = arith.addi %parallel_loop3A_19, %parallel_loop3A_1279 : vector<16xi32>
      %parallel_loop3A_1281 = arith.mulf %parallel_loop3A_1003, %parallel_loop3A_1037 : vector<16xf32>
      tpu.vector_store_idx %arg5[%parallel_loop3A_1280], %parallel_loop3A_1281 : memref<32768xf32, #tpu.memory_space<vmem>>[vector<16xi32>], vector<16xf32>,
      %parallel_loop3A_1282 = arith.constant 61 : i32
      %parallel_loop3A_1283 = vector.broadcast %parallel_loop3A_1282 : i32 to vector<16xi32>
      %parallel_loop3A_1284 = arith.addi %parallel_loop3A_19, %parallel_loop3A_1283 : vector<16xi32>
      %parallel_loop3A_1285 = arith.mulf %parallel_loop3A_1012, %parallel_loop3A_1037 : vector<16xf32>
      tpu.vector_store_idx %arg5[%parallel_loop3A_1284], %parallel_loop3A_1285 : memref<32768xf32, #tpu.memory_space<vmem>>[vector<16xi32>], vector<16xf32>,
      %parallel_loop3A_1286 = arith.constant 62 : i32
      %parallel_loop3A_1287 = vector.broadcast %parallel_loop3A_1286 : i32 to vector<16xi32>
      %parallel_loop3A_1288 = arith.addi %parallel_loop3A_19, %parallel_loop3A_1287 : vector<16xi32>
      %parallel_loop3A_1289 = arith.mulf %parallel_loop3A_1021, %parallel_loop3A_1037 : vector<16xf32>
      tpu.vector_store_idx %arg5[%parallel_loop3A_1288], %parallel_loop3A_1289 : memref<32768xf32, #tpu.memory_space<vmem>>[vector<16xi32>], vector<16xf32>,
      %parallel_loop3A_1290 = arith.constant 63 : i32
      %parallel_loop3A_1291 = vector.broadcast %parallel_loop3A_1290 : i32 to vector<16xi32>
      %parallel_loop3A_1292 = arith.addi %parallel_loop3A_19, %parallel_loop3A_1291 : vector<16xi32>
      %parallel_loop3A_1293 = arith.mulf %parallel_loop3A_1030, %parallel_loop3A_1037 : vector<16xf32>
      tpu.vector_store_idx %arg5[%parallel_loop3A_1292], %parallel_loop3A_1293 : memref<32768xf32, #tpu.memory_space<vmem>>[vector<16xi32>], vector<16xf32>,
    } {sc.loop_unroll_factor = 4 : i64, sc.parallel_access}
    %mul3A_7 = arith.constant 64 : i32
    %mul3A_8 = arith.muli %mul3A_2, %mul3A_7 : i32
    "tpu.region"() ({
      %run_scoped3A = tpu.sem_alloc : memref<!tpu.dma_semaphore, #tpu.memory_space<semaphore_mem>>
      %dma_start3A = tpu.memref_slice %arg3[%mul3A_8] : memref<1048576xf32, #tpu.memory_space<hbm>> -> memref<32768xf32, #tpu.memory_space<hbm>>
      %dma_start3A_9 = tpu.memref_slice %arg3[%mul3A_8] : memref<1048576xf32, #tpu.memory_space<hbm>> -> memref<32768xf32, #tpu.memory_space<hbm>>
      tpu.enqueue_dma source(%arg5 : memref<32768xf32, #tpu.memory_space<vmem>>) target(%dma_start3A_9 : memref<32768xf32, #tpu.memory_space<hbm>>) target_semaphore(%run_scoped3A : memref<!tpu.dma_semaphore, #tpu.memory_space<semaphore_mem>>)
      %dma_wait3A = tpu.memref_slice %arg3[%mul3A_8] : memref<1048576xf32, #tpu.memory_space<hbm>> -> memref<32768xf32, #tpu.memory_space<hbm>>
      %dma_wait3A_10 = tpu.memref_slice %arg3[%mul3A_8] : memref<1048576xf32, #tpu.memory_space<hbm>> -> memref<32768xf32, #tpu.memory_space<hbm>>
      tpu.wait_dma2 semaphore(%run_scoped3A : memref<!tpu.dma_semaphore, #tpu.memory_space<semaphore_mem>>) src(%arg5 : memref<32768xf32, #tpu.memory_space<vmem>>) dst(%dma_wait3A_10 : memref<32768xf32, #tpu.memory_space<hbm>>)
      tpu.yield
    }) : () -> ()
    return
  }
}

module attributes {stable_mosaic.version = 14 : i64} {
  func.func @_gemm_exp_block(%arg0: i32, %arg1: memref<1024x2048xf32, #tpu.memory_space<vmem>>, %arg2: memref<2048x72xf32, #tpu.memory_space<vmem>>, %arg3: memref<1024x72xf32, #tpu.memory_space<vmem>>) attributes {dimension_semantics = [#tpu.dimension_semantics<arbitrary>], iteration_bounds = array<i64: 16>, scalar_prefetch = 0 : i64, scratch_operands = 0 : i64, tpu.core_type = #tpu.core_type<tc>, window_params = [{transform_indices = @transform_0, window_bounds = array<i64: 1024, 2048>}, {pipeline_mode = #tpu.pipeline_mode<synchronous>, transform_indices = @transform_1, window_bounds = array<i64: 2048, 72>}, {transform_indices = @transform_2, window_bounds = array<i64: 1024, 72>}]} {
    %get3A = arith.constant 0 : index
    %get3A_0 = arith.constant 0 : index
    %get3A_1 = vector.load %arg1[%get3A, %get3A_0] : memref<1024x2048xf32, #tpu.memory_space<vmem>>, vector<1024x2048xf32>
    %get3A_2 = arith.constant 0 : index
    %get3A_3 = arith.constant 0 : index
    %get3A_4 = vector.load %arg2[%get3A_2, %get3A_3] : memref<2048x72xf32, #tpu.memory_space<vmem>>, vector<2048x72xf32>
    %dot_general3A = arith.constant dense<0.000000e+00> : vector<1024x72xf32>
    %dot_general3A_5 = tpu.matmul %get3A_1, %get3A_4, %dot_general3A {dimension_numbers = #tpu.dot_dimension_numbers<[1], [0], [0], [1], [0, 0, 1, 1], [], []>, transpose_lhs_hint = false} : vector<1024x2048xf32>, vector<2048x72xf32>, vector<1024x72xf32> -> vector<1024x72xf32>
    %exp3A = math.exp %dot_general3A_5 : vector<1024x72xf32>
    %swap3A = arith.constant 0 : index
    %swap3A_6 = arith.constant 0 : index
    %swap3A_7 = vector.load %arg3[%swap3A, %swap3A_6] : memref<1024x72xf32, #tpu.memory_space<vmem>>, vector<1024x72xf32>
    tpu.vector_store %arg3[%swap3A, %swap3A_6], %exp3A {strides = array<i32>} : memref<1024x72xf32, #tpu.memory_space<vmem>>, vector<1024x72xf32>,
    return
  }
  func.func @transform_0(%arg0: i32) -> (i32, i32) {
    %c0_i32 = arith.constant 0 : i32
    %c0_i32_0 = arith.constant 0 : i32
    return %arg0, %c0_i32 : i32, i32
  }
  func.func @transform_1(%arg0: i32) -> (i32, i32) {
    %c0_i32 = arith.constant 0 : i32
    %c0_i32_0 = arith.constant 0 : i32
    %c0_i32_1 = arith.constant 0 : i32
    return %c0_i32, %c0_i32_0 : i32, i32
  }
  func.func @transform_2(%arg0: i32) -> (i32, i32) {
    %c0_i32 = arith.constant 0 : i32
    %c0_i32_0 = arith.constant 0 : i32
    return %arg0, %c0_i32 : i32, i32
  }
}

</mosaic_0001>

<sc_bundles>
// kernel: kernel.4.cloned.1.call-start
scs
__scs_entry_jumppad:
0x0: {  	(pc) =	sbr.rel $0x88, $3  }
0x1: {  	(tag) =	ssettag $0x0;
	lr =	simm.s32 $0x1  }
0x2: {  	[smem:$0x3F9E] =	sst lr;
	_ =	strace $0xD0000000  }
0x3: {  	_ = 	snop  }
0x4: {  	_ = 	snop  }
0x5: {  	_ = 	snop  }
0x6: {  	_ = 	snop  }
0x7: {  	_ = 	snop  }
__scs_overlays_trampoline_lowered:
0x8: {  	[smem:$0x3FAD] =	sst s0  }
0x9: {  	[smem:$0x3FAE] =	sst s1  }
0xa: {  	[smem:$0x3FAF] =	sst s2  }
0xb: {  	[smem:$0x3FB0] =	sst s3  }
0xc: {  	[smem:$0x3FB1] =	sst s4  }
0xd: {  	[smem:$0x3FB2] =	sst s5  }
0xe: {  	[smem:$0x3FB3] =	sst s6  }
0xf: {  	[smem:$0x3FB4] =	sst s7  }
0x10: {  	[smem:$0x3FB5] =	sst s8  }
0x11: {  	[smem:$0x3FB6] =	sst s9;
	s0 =	simm.s32 @!p0 $0x0  }
0x12: {  	s1 =	sld [smem:$0x3F9C];
	s0 =	simm.s32 @p0 $0x1  }
0x13: {  	[smem:$0x3FB7] =	sst s0;
	s0 =	simm.s32 @!p1 $0x0  }
0x14: {  	s2 =	sld [smem:$0x3F9B];
	s0 =	simm.s32 @p1 $0x1  }
0x15: {  	[smem:$0x3FB8] =	sst s0;
	s0 =	simm.s32 @!p2 $0x0  }
0x16: {  	s3 =	sld [smem:$0x3FDB];
	s0 =	simm.s32 @p2 $0x1  }
0x17: {  	s4 =	simm.s32 $0x1BF5;
	[smem:$0x3FBA] =	sst s0  }
0x18: {  	s0 =	sld [smem:$0x3F9D];
	_ =	swait.ge [sflag:s4], $0x0  }
0x19: {  	s7 =	sld [smem:$0x3F9E]  }
0x1a: {  	s8 =	sadd.s32 $0xFFFFE003, lr  }
0x1b: {  	s9 =	sadd.s32 $0xFFFFFEF7, lr;
	s5 =	simm.s32 $0xFFFFFFFF;
	p2 =	slt.u32 s8, $0xFFFFF086  }
0x1c: {  	p1 =	slt.u32 s9, $0xF7A;
	s5 =	simm.s32 @!p2 $0x0  }
0x1d: {  	s5 =	simm.s32 @p1 $0x1;
	p0 =	seq.s32 s7, s2  }
0x1e: {  	s7 =	smul.u32 @!p0 $0xF7A, s2;
	p2 =	seq.s32 @!p0 s5, $0x0  }
0x1f: {  	s9 =	smul.u32 $0xF7A, s1;
	s8 =	simm.s32 @!p0 $0x1BF5;
	p2 =	por !p2, p0  }
0x20: {  	[sflag:s8] =	ssyncset.s32 @!p0 $0xFFFFF086;
	s6 =	sadd.s32 @!p0 s3, s7;
	s7 =	simm.s32 @!p0 $0x108  }
0x21: {  	s3 =	sadd.s32 s3, s9;
	s6 =	sadd.s32 @!p0 $0x88, s6;
	s7 =	simm.s32 @p2 $0x1082  }
0x22: {  	[simem:s7], [sflag:s8] =	dma.local @!p0 [hbm:s6], $0xF7A  }
0x23: {  	s9 =	sor.u32 $0xD0000000, s2;
	s6 =	simm.s32 $0x108;
	_ =	swait.ge @!p0 [sflag:s8], $0x0  }
0x24: {  	s3 =	sadd.s32 $0x88, s3;
	s6 =	simm.s32 @!p1 $0x1082;
	[sflag:s4] =	ssyncset.s32 $0xFFFFF086  }
0x25: {  	[simem:s6], [sflag:s4] =	dma.local [hbm:s3], $0xF7A  }
0x26: {  	[smem:$0x3F9E] =	sst s1;
	(tag) =	ssettag s2;
	_ =	strace s9  }
0x27: {  	s1 =	sld [smem:$0x3FAE]  }
0x28: {  	s2 =	sld [smem:$0x3FAF]  }
0x29: {  	s4 =	sld [smem:$0x3FB1]  }
0x2a: {  	p0 =	seq.s32 s5, $0x0;
	s5 =	sld [smem:$0x3FB2]  }
0x2b: {  	s6 =	sld [smem:$0x3FB3]  }
0x2c: {  	s7 =	sld [smem:$0x3FB4]  }
0x2d: {  	s3 =	simm.s32 $0x108;
	s8 =	sld [smem:$0x3FB5]  }
0x2e: {  	s3 =	simm.s32 @!p0 $0x1082;
	s9 =	sld [smem:$0x3FB6]  }
0x2f: {  	lr =	sadd.s32 s0, s3;
	s0 =	sld [smem:$0x3FAD]  }
0x30: {  	s3 =	sld [smem:$0x3FB0]  }
0x31: {  	[smem:$0x3FB9] =	sst s10  }
0x32: {  	s10 =	sld [smem:$0x3FB7];
	_ =	sdelay $0x3  }
0x33: {  	p0 =	seq.s32 s10, $0x1;
	s10 =	sld [smem:$0x3FB9];
	_ =	sdelay $0x3  }
0x34: {  	[smem:$0x3FB9] =	sst s10  }
0x35: {  	s10 =	sld [smem:$0x3FB8];
	_ =	sdelay $0x3  }
0x36: {  	p1 =	seq.s32 s10, $0x1;
	s10 =	sld [smem:$0x3FB9];
	_ =	sdelay $0x3  }
0x37: {  	[smem:$0x3FB9] =	sst s10  }
0x38: {  	s10 =	sld [smem:$0x3FBA]  }
0x39: {  	_ = 	snop;
	(pc) =	sbr.ind lr, $3  }
0x3a: {  	_ = 	snop  }
0x3b: {  	_ = 	snop  }
0x3c: {  	p2 =	seq.s32 s10, $0x1;
	s10 =	sld [smem:$0x3FB9]  }
0x3d: {  	_ =	shalt  }
0x3e: {  	_ =	shalt  }
0x3f: {  	_ =	shalt  }
0x40: {  	_ =	shalt  }
0x41: {  	_ =	shalt  }
0x42: {  	_ =	shalt  }
0x43: {  	_ =	shalt  }
0x44: {  	_ =	shalt  }
0x45: {  	_ =	shalt  }
0x46: {  	_ =	shalt  }
0x47: {  	_ =	shalt  }
0x48: {  	_ =	shalt  }
0x49: {  	_ =	shalt  }
0x4a: {  	_ =	shalt  }
0x4b: {  	_ =	shalt  }
0x4c: {  	_ =	shalt  }
0x4d: {  	_ =	shalt  }
0x4e: {  	_ =	shalt  }
0x4f: {  	_ =	shalt  }
0x50: {  	_ =	shalt  }
0x51: {  	_ =	shalt  }
0x52: {  	_ =	shalt  }
0x53: {  	_ =	shalt  }
0x54: {  	_ =	shalt  }
0x55: {  	_ =	shalt  }
0x56: {  	_ =	shalt  }
0x57: {  	_ =	shalt  }
0x58: {  	_ =	shalt  }
0x59: {  	_ =	shalt  }
0x5a: {  	_ =	shalt  }
0x5b: {  	_ =	shalt  }
0x5c: {  	_ =	shalt  }
0x5d: {  	_ =	shalt  }
0x5e: {  	_ =	shalt  }
0x5f: {  	_ =	shalt  }
0x60: {  	_ =	shalt  }
0x61: {  	_ =	shalt  }
0x62: {  	_ =	shalt  }
0x63: {  	_ =	shalt  }
0x64: {  	_ =	shalt  }
0x65: {  	_ =	shalt  }
0x66: {  	_ =	shalt  }
0x67: {  	_ =	shalt  }
0x68: {  	_ =	shalt  }
0x69: {  	_ =	shalt  }
0x6a: {  	_ =	shalt  }
0x6b: {  	_ =	shalt  }
0x6c: {  	_ =	shalt  }
0x6d: {  	_ =	shalt  }
0x6e: {  	_ =	shalt  }
0x6f: {  	_ =	shalt  }
0x70: {  	_ =	shalt  }
0x71: {  	_ =	shalt  }
0x72: {  	_ =	shalt  }
0x73: {  	_ =	shalt  }
0x74: {  	_ =	shalt  }
0x75: {  	_ =	shalt  }
0x76: {  	_ =	shalt  }
0x77: {  	_ =	shalt  }
0x78: {  	_ =	shalt  }
0x79: {  	_ =	shalt  }
0x7a: {  	_ =	shalt  }
0x7b: {  	_ =	shalt  }
0x7c: {  	_ =	shalt  }
0x7d: {  	_ =	shalt  }
0x7e: {  	_ =	shalt  }
0x7f: {  	_ =	shalt  }
0x80: {  	_ =	shalt  }
0x81: {  	_ =	shalt  }
0x82: {  	_ =	shalt  }
0x83: {  	_ =	shalt  }
0x84: {  	_ =	shalt  }
0x85: {  	_ =	shalt  }
0x86: {  	_ =	shalt  }
0x87: {  	_ =	shalt  }
.Lfunc_end0:
.L_simem_size_0:
called_computation_lowered:
.L_overlay_start_0:
0x88: {  	s2 =	sld [smem:$0x3FD9]  }
0x89: {  	s3 =	sld [smem:$0x3FFE];
	_ =	sdelay $0x1  }
0x8a: {  	s1 =	srdreg.scid  }
0x8b: {  	s0 =	sand.u32 $0x1, s1  }
0x8c: {  	s14 =	sshll.u32 s0, $0xA;
	s2 =	sadd.s32 s3, s2  }
0x8d: {  	s2 =	sadd.s32 s2, s14  }
0x8e: {  	[smem:$0x3FC5] =	sst s2  }
0x8f: {  	_ = 	snop  }
0x90: {  	s2 =	sld [smem:$0x3FD0];
	_ =	sdelay $0x2  }
0x91: {  	s15 =	simm.s32 $0xA;
	s4 =	simm.s32 $0x10  }
0x92: {  	[smem:s4], [sflag:s15] =	dma.local [hbm:s2], $0x1  }
0x93: {  	_ =	swait.eq [sflag:s15], $0x1  }
0x94: {  	[sflag:s15] =	ssyncset.done $0x0  }
0x95: {  	[sflag:s15] =	ssyncadd.s32 $0xFFFFFFFF  }
0x96: {  	s16 =	sld [smem:$0x11];
	(tm) =	ssettm $0x1  }
0x97: {  	s17 =	sld [smem:$0x3FFB];
	_ =	sdelay $0x3  }
0x98: {  	_ =	strace s17  }
0x99: {  	s3 =	sld [smem:$0x3FFC];
	_ =	sdelay $0x3  }
0x9a: {  	_ =	strace s3  }
0x9b: {  	s3 =	sld [smem:$0x3FFD];
	_ =	sdelay $0x3  }
0x9c: {  	_ =	strace s3  }
0x9d: {  	_ =	strace $0x8FFFFFFF  }
0x9e: {  	s18 =	sld [smem:$0x3FDB];
	_ =	sdelay $0x1  }
0x9f: {  	s19 =	simm.s32 $_scs_section_size  }
0xa0: {  	s5 =	simm.s32 $_size__tile_overlayer_lowered;
	s6 =	simm.s32 $_tile_overlayer_lowered  }
0xa1: {  	s22 =	simm.s32 $0x1BFF;
	s21 =	sshll.u32 s6, $0x1;
	s3 =	sadd.s32 s19, s18  }
0xa2: {  	s7 =	simm.s32 $0x0;
	s20 =	sshll.u32 s5, $0x1;
	s5 =	sadd.s32 s21, s3  }
0xa3: {  	[timem:s7], [sflag:s22] =	dma.local [hbm:s5], s20  }
0xa4: {  	_ =	swait.ge [sflag:s22], s20  }
0xa5: {  	s4 =	ssub.s32 $0x0, s20;
	[sflag:s22] =	ssyncset.done $0x0  }
0xa6: {  	[sflag:s22] =	ssyncadd.s32 s4;
	_ =	sdelay $0x1  }
0xa7: {  	s23 =	simm.s32 $0x1B8B  }
0xa8: {  	_ =	swait.ge [sflag:s23], $0x1  }
0xa9: {  	[sflag:s23] =	ssyncset.done $0x0  }
0xaa: {  	s25 =	simm.s32 $0x1B8E;
	s24 =	sld [smem:$0x3FFE];
	[sflag:s23] =	ssyncadd.s32 $0xFFFFFFFF  }
0xab: {  	s26 =	simm.s32 $execute0_lowered;
	[smem:$0x3FD2] =	sst s25  }
0xac: {  	s5 =	sshll.u32 s26, $0x1;
	_ =	strace $0x80000046;
	[dreg:$0x1] =	wrdreg $0xFFFFFFFF  }
0xad: {  	s28 =	simm.s32 $_size_execute0_lowered;
	s3 =	sadd.s32 s3, s5;
	[dreg:$0x0] =	wrdreg $0x0  }
0xae: {  	s5 =	sshll.u32 s28, $0x1;
	[dreg:$0x2] =	wrdreg s3  }
0xaf: {  	[dreg:$0x3] =	wrdreg s5  }
0xb0: {  	[dreg:$0x4] =	wrdreg $0xC0  }
0xb1: {  	_ =	task [dreg:s7], $0x5FFFF  }
0xb2: {  	[dreg:$0x1] =	wrdreg $0xFFFFFFFF  }
0xb3: {  	[dreg:$0x0] =	wrdreg $0x60  }
0xb4: {  	[dreg:$0x2] =	wrdreg s24  }
0xb5: {  	[dreg:$0x3] =	wrdreg s16  }
0xb6: {  	[dreg:$0x4] =	wrdreg $0x9  }
0xb7: {  	_ =	task.clear_ibuf [dreg:s7], $0x5FFFF;
	_ =	strace $0x90000046  }
0xb8: {  	s29 =	simm.s32 $0x9;
	_ =	strace $0x80000048  }
0xb9: {  	_ =	swait.ge [sflag:s29], $0x1  }
0xba: {  	[sflag:s29] =	ssyncadd.s32 $0xFFFFFFFF  }
0xbb: {  	_ =	strace $0x90000048  }
0xbc: {  	_ =	sfence  }
0xbd: {  	s30 =	sld [smem:$0x0];
	_ =	sdelay $0x2  }
0xbe: {  	s31 =	sshll.u32 s1, $0xD;
	s1 =	sshrl.u32 s1, $0x2  }
0xbf: {  	s3 =	sand.u32 $0x4000, s31;
	s1 =	sadd.s32 s1, s30  }
0xc0: {  	s0 =	sor.u32 s3, s0;
	s1 =	sshll.u32 s1, $0x11  }
0xc1: {  	s0 =	sor.u32 s1, s0  }
0xc2: {  	s0 =	sadd.s32 $0x8F2B, s0  }
0xc3: {  	[sflag:s0] =	ssyncadd.remote.s32 $0x1  }
0xc4: {  	_ =	sfence.sel $0xFFFF  }
0xc5: {  	[dreg:$0x0] =	wrdreg $0xFFFFFFFF;
	(pc) =	sbr.abs _section_cstart, $3  }
0xc6: {  	[dreg:$0x1] =	wrdreg $0xFFFFFFFF  }
0xc7: {  	_ =	task.clear_ibuf [dreg:s7], $0x2FFFF;
	_ =	strace $0x9FFFFFFF  }
0xc8: {  	(tm) =	ssettm $0x7FFFFFFF  }
0xc9: {  	_ =	shalt  }
tec
execute0_lowered:
.L_overlay_start_1:
0x0: {  	(tag) =	ssettag $0x1  }
0x1: {  	s3 =	rddreg [dreg:$0x0];
	s1 =	srdreg.scid  }
0x2: {  	s0 =	stileid.u32;
	s4 =	rddreg [dreg:$0x1];
	s2 =	simm.s32 $0x0  }
0x3: {  	s5 =	sand.u32 $0x1, s1;
	s6 =	sshll.u32 s0, $0x1;
	s1 =	rddreg [dreg:$0x2]  }
0x4: {  	[smem:$0x7FF] =	sst s2;
	s6 =	sor.u32 s5, s6;
	s5 =	ssub.s32 $0x2, s5  }
0x5: {  	s7 =	smul.u32 $0x1200, s6;
	s8 =	sshrl.u32 s5, $0x1;
	s6 =	sshll.u32 s6, $0xC  }
0x6: {  	_ =	strace $0x80000047;
	s5 =	ssub.s32 s5, s8;
	s4 =	sadd.s32 s4, s6  }
0x7: {  	s6 =	simm.s32 $0x1;
	s8 =	simm.s32 $0x0;
	s3 =	sadd.s32 s7, s3  }
0x8: {  	v63 =	vlaneseq.u32;
	s5 =	smax.u32 s5, $0x1;
	s7 =	simm.s32 $0x9000;
	s3 =	sadd.s32 $0x400, s3  }
.LBB2_1:
0x9: {  	[tilespmem:s2], [sflag:$0x1] =	stream.linear.gather [hbm4b:s3+s2], $0x9000, $0x38;
	[tilespmem:$0x11000] =	vst v63  }
0xa: {  	_ =	swait.ge [sflag:s6], $0x9000  }
0xb: {  	[sflag:s6] =	ssyncset.done $0x0  }
0xc: {  	s9 =	simm.s32 $0xFFFFFFFC;
	s10 =	simm.s32 $0x30;
	[sflag:s6] =	ssyncadd.s32 $0xFFFF7000  }
.LBB2_2:
0xd: {  	s11 =	sadd.s32 $0xFFFFFFD0, s10  }
0xe: {  	v0 =	vor.u32 s11, v63  }
0xf: {  	v12 =	vmul.u32 $0x48, v0;
	_ =	sdelay $0x1  }
0x10: {  	v1 =	vadd.s32 $0x40, v12  }
0x11: {  	v2 =	vadd.s32 $0x41, v12;
	_ =	sdelay $0x1  }
0x12: {  	v3 =	vadd.s32 $0x42, v12  }
0x13: {  	v4 =	vor.u32 $0x1, v12  }
0x14: {  	v53 =	vadd.s32 $0x43, v12;
	v5 =	vld.idx.msk [tilespmem:v1+s2+$0x0], $0xffff  }
0x15: {  	v54 =	vor.u32 $0x2, v12;
	v10 =	vld.idx.msk [tilespmem:v2+s2+$0x0], $0xffff  }
0x16: {  	v55 =	vadd.s32 $0x44, v12;
	v6 =	vld.idx.msk [tilespmem:v12+s2+$0x0], $0xffff  }
0x17: {  	v7 =	vor.u32 $0x3, v12;
	v20 =	vld.idx.msk [tilespmem:v3+s2+$0x0], $0xffff  }
0x18: {  	v8 =	vadd.s32 $0x45, v12;
	v4 =	vld.idx.msk [tilespmem:v4+s2+$0x0], $0xffff  }
0x19: {  	v56 =	vor.u32 $0x4, v12;
	v29 =	vld.idx.msk [tilespmem:v53+s2+$0x0], $0xffff  }
0x1a: {  	v9 =	vadd.s32 $0x46, v12;
	v11 =	vld.idx.msk [tilespmem:v54+s2+$0x0], $0xffff;
	v57 =	vadd.f32 v10, v5  }
0x1b: {  	v58 =	vor.u32 $0x5, v12;
	v35 =	vld.idx.msk [tilespmem:v55+s2+$0x0], $0xffff  }
0x1c: {  	v13 =	vadd.s32 $0x47, v12;
	v7 =	vld.idx.msk [tilespmem:v7+s2+$0x0], $0xffff;
	v2 =	vadd.f32 v20, v57  }
0x1d: {  	v59 =	vor.u32 $0x6, v12;
	v28 =	vld.idx.msk [tilespmem:v8+s2+$0x0], $0xffff;
	v14 =	vadd.f32 v4, v6  }
0x1e: {  	v16 =	vld.idx.msk [tilespmem:v56+s2+$0x0], $0xffff;
	v2 =	vadd.f32 v29, v2  }
0x1f: {  	v60 =	vor.u32 $0x7, v12;
	v15 =	vld.idx.msk [tilespmem:v9+s2+$0x0], $0xffff;
	v14 =	vadd.f32 v11, v14  }
0x20: {  	v17 =	vld.idx.msk [tilespmem:v58+s2+$0x0], $0xffff;
	v2 =	vadd.f32 v35, v2  }
0x21: {  	v1 =	vld.idx.msk [tilespmem:v13+s2+$0x0], $0xffff;
	v61 =	vadd.f32 v7, v14  }
0x22: {  	v8 =	vld.idx.msk [tilespmem:v59+s2+$0x0], $0xffff;
	v2 =	vadd.f32 v28, v2  }
0x23: {  	v3 =	vadd.f32 v16, v61  }
0x24: {  	v34 =	vadd.s32 $0x8, v12;
	v62 =	vld.idx.msk [tilespmem:v60+s2+$0x0], $0xffff;
	v2 =	vadd.f32 v15, v2  }
0x25: {  	v36 =	vadd.s32 $0x9, v12;
	v3 =	vadd.f32 v17, v3  }
0x26: {  	v2 =	vadd.f32 v1, v2  }
0x27: {  	v38 =	vadd.s32 $0xA, v12;
	v3 =	vadd.f32 v8, v3  }
0x28: {  	v39 =	vadd.s32 $0xB, v12;
	(erf) = vrcp.f32 v2  }
0x29: {  	v19 =	vadd.s32 $0xC, v12;
	v18 =	vld.idx.msk [tilespmem:v34+s2+$0x0], $0xffff;
	v37 =	vadd.f32 v62, v3  }
0x2a: {  	v40 =	vadd.s32 $0xD, v12;
	v14 =	vld.idx.msk [tilespmem:v36+s2+$0x0], $0xffff  }
0x2b: {  	v41 =	vadd.s32 $0xE, v12;
	(erf) = vrcp.f32 v37  }
0x2c: {  	v51 =	vadd.s32 $0x10, v12;
	v21 =	vld.idx.msk [tilespmem:v38+s2+$0x0], $0xffff  }
0x2d: {  	v31 =	vadd.s32 $0x11, v12;
	v22 =	vld.idx.msk [tilespmem:v39+s2+$0x0], $0xffff  }
0x2e: {  	v19 =	vld.idx.msk [tilespmem:v19+s2+$0x0], $0xffff;
	v61 =	vadd.s32 $0x16, v12  }
0x2f: {  	v24 =	vadd.s32 $0xF, v12;
	v26 =	vld.idx.msk [tilespmem:v40+s2+$0x0], $0xffff;
	v60 =	vadd.s32 $0x15, v12;
	v23 =	vadd.f32 v14, v18  }
0x30: {  	v52 =	vadd.s32 $0x12, v12;
	v45 =	vadd.s32 $0x17, v12;
	v27 =	vld.idx.msk [tilespmem:v41+s2+$0x0], $0xffff;
	v54 =	vadd.s32 $0x13, v12  }
0x31: {  	v33 =	vld.idx.msk [tilespmem:v51+s2+$0x0], $0xffff;
	v58 =	vadd.s32 $0x14, v12;
	v51 =	vadd.s32 $0x18, v12;
	v23 =	vadd.f32 v21, v23;
	v9 =	vpop (erf)  }
0x32: {  	v31 =	vld.idx.msk [tilespmem:v31+s2+$0x0], $0xffff;
	v41 =	vadd.s32 $0x1B, v12;
	v5 =	vmul.f32 v9, v5;
	v10 =	vmul.f32 v9, v10  }
0x33: {  	v39 =	vld.idx.msk [tilespmem:v61+s2+$0x0], $0xffff;
	v43 =	vadd.f32 v22, v23;
	v61 =	vmul.f32 v9, v20;
	v29 =	vmul.f32 v9, v29  }
0x34: {  	v38 =	vld.idx.msk [tilespmem:v60+s2+$0x0], $0xffff;
	v60 =	vadd.s32 $0x1E, v12;
	v25 =	vpop (erf);
	v35 =	vmul.f32 v9, v35;
	v28 =	vmul.f32 v9, v28  }
0x35: {  	v47 =	vadd.f32 v19, v43;
	v42 =	vmul.f32 v25, v6;
	v4 =	vmul.f32 v25, v4  }
0x36: {  	v24 =	vld.idx.msk [tilespmem:v24+s2+$0x0], $0xffff;
	v50 =	vmul.f32 v25, v11;
	v7 =	vmul.f32 v25, v7;
	vm0 =	vge.f32 v5, $1.250000000e-01  }
0x37: {  	v53 =	vmul.f32 v25, v16;
	v44 =	vnsel vm0, $0x0, v5;
	v5 =	vadd.f32 v26, v47  }
0x38: {  	v37 =	vadd.f32 v31, v33;
	v55 =	vmul.f32 v25, v17;
	v8 =	vmul.f32 v25, v8  }
0x39: {  	v13 =	vmul.f32 v25, v62;
	vm14 =	vge.f32 v10, $1.250000000e-01;
	v5 =	vadd.f32 v27, v5  }
0x3a: {  	vm1 =	vge.f32 v61, $1.250000000e-01;
	vm7 =	vge.f32 v42, $1.250000000e-01;
	v46 =	vmul.f32 v42, v44  }
0x3b: {  	vm8 =	vge.f32 v4, $1.250000000e-01;
	v30 =	vmul.f32 v50, v44;
	v5 =	vadd.f32 v24, v5  }
0x3c: {  	vm9 =	vge.f32 v50, $1.250000000e-01;
	v48 =	vmul.f32 v4, v44;
	v2 =	vnsel vm7, $0x0, v46  }
0x3d: {  	v4 =	vnsel vm9, $0x0, v30;
	v30 =	vld.idx.msk [tilespmem:v52+s2+$0x0], $0xffff;
	v49 =	vadd.f32 $0.0e+00, v2;
	(erf) = vrcp.f32 v5  }
0x3e: {  	vm10 =	vge.f32 v7, $1.250000000e-01;
	vm11 =	vge.f32 v53, $1.250000000e-01;
	v3 =	vnsel vm8, $0x0, v48  }
0x3f: {  	v36 =	vld.idx.msk [tilespmem:v54+s2+$0x0], $0xffff;
	vm12 =	vge.f32 v55, $1.250000000e-01;
	v32 =	vmul.f32 v7, v44;
	v6 =	vadd.f32 v49, v3  }
0x40: {  	vm13 =	vge.f32 v8, $1.250000000e-01;
	v23 =	vnsel vm14, $0x0, v10;
	vm15 =	vge.f32 v13, $1.250000000e-01  }
0x41: {  	v52 =	vadd.s32 $0x19, v12;
	v5 =	vnsel vm10, $0x0, v32;
	v32 =	vld.idx.msk [tilespmem:v58+s2+$0x0], $0xffff;
	v6 =	vadd.f32 v6, v4  }
0x42: {  	v57 =	vmul.f32 v53, v44;
	v59 =	vmul.f32 v55, v44;
	v37 =	vadd.f32 v30, v37  }
0x43: {  	v34 =	vmul.f32 v8, v44;
	v53 =	vadd.s32 $0x1A, v12;
	v56 =	vadd.f32 v6, v5  }
0x44: {  	v46 =	vmul.f32 v13, v44;
	v6 =	vnsel vm11, $0x0, v57;
	v37 =	vadd.f32 v36, v37  }
0x45: {  	v40 =	vld.idx.msk [tilespmem:v51+s2+$0x0], $0xffff;
	v7 =	vnsel vm12, $0x0, v59;
	v8 =	vnsel vm13, $0x0, v34;
	v17 =	vadd.f32 v56, v6  }
0x46: {  	v10 =	vnsel vm15, $0x0, v46;
	v58 =	vadd.s32 $0x1D, v12;
	v48 =	vadd.f32 v32, v37;
	v37 =	vld.idx.msk [tilespmem:v52+s2+$0x0], $0xffff;
	v62 =	vpop (erf)  }
0x47: {  	v56 =	vadd.s32 $0x1C, v12;
	v17 =	vadd.f32 v17, v7;
	v18 =	vmul.f32 v62, v18  }
0x48: {  	v16 =	vadd.f32 v38, v48;
	v14 =	vmul.f32 v62, v14;
	v50 =	vmul.f32 v62, v21  }
0x49: {  	v34 =	vld.idx.msk [tilespmem:v45+s2+$0x0], $0xffff;
	v17 =	vadd.f32 v17, v8;
	v22 =	vmul.f32 v62, v22;
	v19 =	vmul.f32 v62, v19  }
0x4a: {  	v16 =	vadd.f32 v39, v16;
	v54 =	vmul.f32 v62, v26;
	v27 =	vmul.f32 v62, v27  }
0x4b: {  	v24 =	vmul.f32 v62, v24;
	v62 =	vadd.s32 $0x1F, v12;
	v43 =	vadd.f32 v37, v40  }
0x4c: {  	v47 =	vmul.f32 v18, v23;
	vm4 =	vge.f32 v18, $1.250000000e-01;
	v17 =	vadd.f32 v17, v10  }
0x4d: {  	v42 =	vld.idx.msk [tilespmem:v53+s2+$0x0], $0xffff;
	v49 =	vmul.f32 v14, v23;
	vm5 =	vge.f32 v14, $1.250000000e-01;
	v21 =	vmul.f32 v50, v23  }
0x4e: {  	vm6 =	vge.f32 v50, $1.250000000e-01;
	v16 =	vadd.f32 v34, v16;
	v11 =	vnsel vm4, $0x0, v47  }
0x4f: {  	v41 =	vld.idx.msk [tilespmem:v41+s2+$0x0], $0xffff;
	vm7 =	vge.f32 v22, $1.250000000e-01;
	v22 =	vmul.f32 v22, v23;
	v17 =	vadd.f32 v11, v17  }
0x50: {  	v55 =	vmul.f32 v19, v23;
	v13 =	vnsel vm5, $0x0, v49;
	(erf) = vrcp.f32 v16  }
0x51: {  	v44 =	vld.idx.msk [tilespmem:v56+s2+$0x0], $0xffff;
	vm8 =	vge.f32 v19, $1.250000000e-01;
	v57 =	vmul.f32 v54, v23;
	v17 =	vadd.f32 v17, v13  }
0x52: {  	v59 =	vmul.f32 v27, v23;
	v48 =	vadd.f32 v42, v43;
	v14 =	vnsel vm6, $0x0, v21  }
0x53: {  	v45 =	vld.idx.msk [tilespmem:v58+s2+$0x0], $0xffff;
	vm10 =	vge.f32 v27, $1.250000000e-01;
	v16 =	vnsel vm7, $0x0, v22;
	v17 =	vadd.f32 v17, v14  }
0x54: {  	v19 =	vnsel vm10, $0x0, v59;
	v59 =	vadd.s32 $0x21, v12;
	v50 =	vadd.f32 v41, v48  }
0x55: {  	v46 =	vld.idx.msk [tilespmem:v60+s2+$0x0], $0xffff;
	vm9 =	vge.f32 v54, $1.250000000e-01;
	vm11 =	vge.f32 v24, $1.250000000e-01;
	v22 =	vadd.f32 v17, v16  }
0x56: {  	v23 =	vmul.f32 v24, v23;
	v24 =	vadd.f32 v44, v50;
	v17 =	vnsel vm8, $0x0, v55  }
0x57: {  	v58 =	vadd.s32 $0x20, v12;
	v18 =	vnsel vm9, $0x0, v57;
	v47 =	vld.idx.msk [tilespmem:v62+s2+$0x0], $0xffff;
	v22 =	vadd.f32 v22, v17  }
0x58: {  	v20 =	vnsel vm11, $0x0, v23;
	vm7 =	vge.f32 v29, $1.250000000e-01;
	v53 =	vadd.f32 v45, v24  }
0x59: {  	v62 =	vadd.s32 $0x22, v12;
	v48 =	vld.idx.msk [tilespmem:v59+s2+$0x0], $0xffff;
	v59 =	vadd.s32 $0x25, v12;
	v43 =	vpop (erf);
	v22 =	vadd.f32 v22, v18  }
0x5a: {  	v57 =	vadd.f32 v46, v53;
	v49 =	vmul.f32 v43, v33;
	v33 =	vnsel vm1, $0x0, v61  }
0x5b: {  	v51 =	vmul.f32 v43, v31;
	v30 =	vmul.f32 v43, v30;
	v22 =	vadd.f32 v22, v19  }
0x5c: {  	v27 =	vadd.f32 v47, v57;
	v56 =	vmul.f32 v43, v36;
	v25 =	vmul.f32 v49, v33  }
0x5d: {  	v61 =	vmul.f32 v43, v32;
	vm12 =	vge.f32 v49, $1.250000000e-01;
	v22 =	vadd.f32 v22, v20  }
0x5e: {  	v52 =	vmul.f32 v51, v33;
	v55 =	vmul.f32 v30, v33;
	v21 =	vnsel vm12, $0x0, v25  }
0x5f: {  	vm13 =	vge.f32 v51, $1.250000000e-01;
	vm14 =	vge.f32 v30, $1.250000000e-01;
	v54 =	vadd.f32 v21, v22  }
0x60: {  	v23 =	vnsel vm14, $0x0, v55;
	v55 =	vadd.s32 $0x23, v12;
	v22 =	vnsel vm13, $0x0, v52  }
0x61: {  	(erf) = vrcp.f32 v27;
	v24 =	vadd.f32 v54, v22;
	v54 =	vmul.f32 v43, v38;
	v38 =	vld.idx.msk [tilespmem:v58+s2+$0x0], $0xffff  }
0x62: {  	v57 =	vadd.s32 $0x24, v12;
	v34 =	vmul.f32 v43, v34;
	v60 =	vmul.f32 v56, v33  }
0x63: {  	vm15 =	vge.f32 v56, $1.250000000e-01;
	v53 =	vmul.f32 v61, v33;
	v49 =	vld.idx.msk [tilespmem:v62+s2+$0x0], $0xffff;
	v58 =	vmul.f32 v43, v39  }
0x64: {  	vm4 =	vge.f32 v61, $1.250000000e-01;
	v62 =	vadd.s32 $0x27, v12;
	v52 =	vadd.f32 v24, v23  }
0x65: {  	vm8 =	vge.f32 v34, $1.250000000e-01;
	v50 =	vld.idx.msk [tilespmem:v55+s2+$0x0], $0xffff;
	v24 =	vnsel vm15, $0x0, v60;
	v39 =	vmul.f32 v58, v33  }
0x66: {  	v60 =	vadd.s32 $0x26, v12;
	v36 =	vadd.f32 v52, v24;
	v51 =	vadd.f32 v48, v38  }
0x67: {  	v25 =	vnsel vm4, $0x0, v53;
	v53 =	vnsel vm7, $0x0, v29;
	v43 =	vld.idx.msk [tilespmem:v57+s2+$0x0], $0xffff;
	v56 =	vmul.f32 v54, v33  }
0x68: {  	vm5 =	vge.f32 v54, $1.250000000e-01;
	v36 =	vadd.f32 v36, v25;
	v51 =	vadd.f32 v49, v51  }
0x69: {  	vm6 =	vge.f32 v58, $1.250000000e-01;
	v33 =	vmul.f32 v34, v33;
	v26 =	vnsel vm5, $0x0, v56;
	v52 =	vld.idx.msk [tilespmem:v59+s2+$0x0], $0xffff  }
0x6a: {  	v27 =	vnsel vm6, $0x0, v39;
	v39 =	vpop (erf);
	v36 =	vadd.f32 v36, v26;
	v54 =	vadd.f32 v50, v51  }
0x6b: {  	vm4 =	vge.f32 v35, $1.250000000e-01;
	v29 =	vnsel vm8, $0x0, v33;
	v40 =	vmul.f32 v39, v40;
	v51 =	vld.idx.msk [tilespmem:v60+s2+$0x0], $0xffff  }
0x6c: {  	v56 =	vmul.f32 v39, v37;
	v61 =	vadd.f32 v36, v27;
	v32 =	vadd.f32 v43, v54  }
0x6d: {  	v45 =	vmul.f32 v39, v45;
	v55 =	vmul.f32 v40, v53;
	vm9 =	vge.f32 v40, $1.250000000e-01;
	v40 =	vld.idx.msk [tilespmem:v62+s2+$0x0], $0xffff  }
0x6e: {  	v58 =	vmul.f32 v56, v53;
	v57 =	vadd.f32 v61, v29;
	v32 =	vadd.f32 v52, v32  }
0x6f: {  	v60 =	vmul.f32 v39, v42;
	v30 =	vnsel vm9, $0x0, v55;
	v55 =	vadd.s32 $0x28, v12  }
0x70: {  	v59 =	vadd.f32 v30, v57;
	v57 =	vadd.s32 $0x29, v12;
	v32 =	vadd.f32 v51, v32  }
0x71: {  	vm10 =	vge.f32 v56, $1.250000000e-01;
	v62 =	vmul.f32 v60, v53;
	v54 =	vmul.f32 v39, v41  }
0x72: {  	vm11 =	vge.f32 v60, $1.250000000e-01;
	v60 =	vadd.s32 $0x2A, v12;
	v56 =	vadd.f32 v40, v32  }
0x73: {  	v31 =	vnsel vm10, $0x0, v58;
	vm12 =	vge.f32 v54, $1.250000000e-01;
	v58 =	vmul.f32 v54, v53  }
0x74: {  	v54 =	vadd.s32 $0x2B, v12;
	v61 =	vadd.f32 v59, v31;
	v41 =	vld.idx.msk [tilespmem:v55+s2+$0x0], $0xffff;
	(erf) = vrcp.f32 v56  }
0x75: {  	v35 =	vnsel vm4, $0x0, v35;
	v59 =	vmul.f32 v39, v44;
	v32 =	vnsel vm11, $0x0, v62;
	v42 =	vld.idx.msk [tilespmem:v57+s2+$0x0], $0xffff  }
0x76: {  	vm14 =	vge.f32 v45, $1.250000000e-01;
	v34 =	vadd.f32 v61, v32;
	v56 =	vadd.s32 $0x2C, v12  }
0x77: {  	v33 =	vnsel vm12, $0x0, v58;
	v44 =	vld.idx.msk [tilespmem:v60+s2+$0x0], $0xffff;
	v62 =	vmul.f32 v45, v53;
	v61 =	vmul.f32 v59, v53  }
0x78: {  	v60 =	vadd.s32 $0x2D, v12;
	vm13 =	vge.f32 v59, $1.250000000e-01;
	v55 =	vadd.f32 v34, v33  }
0x79: {  	v59 =	vmul.f32 v39, v46;
	v54 =	vld.idx.msk [tilespmem:v54+s2+$0x0], $0xffff;
	v36 =	vnsel vm14, $0x0, v62;
	v34 =	vnsel vm13, $0x0, v61  }
0x7a: {  	v62 =	vadd.s32 $0x2E, v12;
	v58 =	vadd.f32 v55, v34;
	v57 =	vadd.f32 v42, v41  }
0x7b: {  	v39 =	vmul.f32 v39, v47;
	v61 =	vmul.f32 v59, v53;
	vm15 =	vge.f32 v59, $1.250000000e-01;
	v56 =	vld.idx.msk [tilespmem:v56+s2+$0x0], $0xffff  }
0x7c: {  	v59 =	vadd.s32 $0x2F, v12;
	v55 =	vadd.f32 v58, v36;
	v57 =	vadd.f32 v44, v57  }
0x7d: {  	v53 =	vmul.f32 v39, v53;
	vm5 =	vge.f32 v39, $1.250000000e-01;
	v46 =	vld.idx.msk [tilespmem:v60+s2+$0x0], $0xffff;
	v37 =	vnsel vm15, $0x0, v61;
	v47 =	vpop (erf)  }
0x7e: {  	v55 =	vadd.f32 v55, v37;
	v57 =	vadd.f32 v54, v57;
	v58 =	vmul.f32 v47, v38  }
0x7f: {  	v45 =	vld.idx.msk [tilespmem:v62+s2+$0x0], $0xffff;
	v38 =	vnsel vm5, $0x0, v53;
	v48 =	vmul.f32 v47, v48;
	v49 =	vmul.f32 v47, v49  }
0x80: {  	v43 =	vmul.f32 v47, v43;
	v53 =	vadd.f32 v55, v38;
	v61 =	vadd.f32 v56, v57  }
0x81: {  	v57 =	vld.idx.msk [tilespmem:v59+s2+$0x0], $0xffff;
	v59 =	vadd.s32 $0x31, v12;
	v60 =	vmul.f32 v58, v35;
	vm6 =	vge.f32 v58, $1.250000000e-01  }
0x82: {  	vm7 =	vge.f32 v48, $1.250000000e-01;
	v58 =	vadd.s32 $0x30, v12;
	v55 =	vadd.f32 v46, v61  }
0x83: {  	v48 =	vmul.f32 v48, v35;
	vm8 =	vge.f32 v49, $1.250000000e-01;
	v39 =	vnsel vm6, $0x0, v60  }
0x84: {  	v60 =	vadd.s32 $0x32, v12;
	v53 =	vadd.f32 v39, v53;
	v55 =	vadd.f32 v45, v55  }
0x85: {  	v61 =	vnsel vm7, $0x0, v48;
	v48 =	vmul.f32 v49, v35;
	v49 =	vmul.f32 v47, v50  }
0x86: {  	v59 =	vld.idx.msk [tilespmem:v59+s2+$0x0], $0xffff;
	v53 =	vadd.f32 v53, v61;
	v62 =	vadd.f32 v57, v55;
	v55 =	vadd.s32 $0x33, v12  }
0x87: {  	v51 =	vmul.f32 v47, v51;
	v40 =	vmul.f32 v47, v40;
	[tilespmem:$0x1EF90] =	vst v61;
	v61 =	vnsel vm8, $0x0, v48;
	v50 =	vld.idx.msk [tilespmem:v58+s2+$0x0], $0xffff  }
0x88: {  	v48 =	vadd.s32 $0x34, v12;
	[tilespmem:$0x1EFA0] =	vst v61;
	v53 =	vadd.f32 v53, v61;
	v61 =	vmul.f32 v49, v35  }
0x89: {  	(erf) = vrcp.f32 v62;
	v62 =	vmul.f32 v43, v35;
	v58 =	vld.idx.msk [tilespmem:v60+s2+$0x0], $0xffff  }
0x8a: {  	vm10 =	vge.f32 v43, $1.250000000e-01;
	vm9 =	vge.f32 v49, $1.250000000e-01;
	v43 =	vadd.s32 $0x35, v12  }
0x8b: {  	v61 =	vnsel vm9, $0x0, v61;
	v60 =	vnsel vm10, $0x0, v62;
	v62 =	vmul.f32 v47, v52;
	v52 =	vld.idx.msk [tilespmem:v55+s2+$0x0], $0xffff  }
0x8c: {  	v47 =	vadd.s32 $0x36, v12;
	[tilespmem:$0x1EFB0] =	vst v61;
	v53 =	vadd.f32 v53, v61;
	v61 =	vadd.f32 v59, v50  }
0x8d: {  	vm12 =	vge.f32 v51, $1.250000000e-01;
	v51 =	vmul.f32 v51, v35;
	v48 =	vld.idx.msk [tilespmem:v48+s2+$0x0], $0xffff;
	v49 =	vmul.f32 v62, v35  }
0x8e: {  	[tilespmem:$0x1EFC0] =	vst v60;
	v53 =	vadd.f32 v53, v60;
	v55 =	vadd.f32 v58, v61;
	v60 =	vadd.s32 $0x37, v12  }
0x8f: {  	vm11 =	vge.f32 v62, $1.250000000e-01;
	v43 =	vld.idx.msk [tilespmem:v43+s2+$0x0], $0xffff  }
0x90: {  	vm13 =	vge.f32 v28, $1.250000000e-01;
	v49 =	vnsel vm11, $0x0, v49;
	v62 =	vadd.f32 v52, v55  }
0x91: {  	v28 =	vnsel vm13, $0x0, v28;
	vm2 =	vge.f32 v40, $1.250000000e-01;
	[tilespmem:$0x1EFD0] =	vst v49;
	v49 =	vadd.f32 v53, v49;
	v47 =	vld.idx.msk [tilespmem:v47+s2+$0x0], $0xffff  }
0x92: {  	v35 =	vmul.f32 v40, v35;
	v61 =	vnsel vm12, $0x0, v51;
	v51 =	vpop (erf);
	v40 =	vadd.f32 v48, v62  }
0x93: {  	v53 =	vadd.s32 $0x38, v12;
	v49 =	vadd.f32 v49, v61;
	v41 =	vmul.f32 v51, v41;
	v55 =	vld.idx.msk [tilespmem:v60+s2+$0x0], $0xffff  }
0x94: {  	[tilespmem:$0x1EFE0] =	vst v61;
	v61 =	vnsel vm2, $0x0, v35;
	v60 =	vadd.s32 $0x39, v12;
	v35 =	vadd.f32 v43, v40  }
0x95: {  	v15 =	vmul.f32 v9, v15;
	v62 =	vmul.f32 v41, v28;
	vm14 =	vge.f32 v41, $1.250000000e-01  }
0x96: {  	v41 =	vadd.f32 v49, v61;
	v49 =	vadd.s32 $0x3A, v12;
	v35 =	vadd.f32 v47, v35  }
0x97: {  	[tilespmem:$0x1EFF0] =	vst v61;
	v61 =	vnsel vm14, $0x0, v62;
	v62 =	vmul.f32 v51, v42;
	v42 =	vmul.f32 v51, v44  }
0x98: {  	v44 =	vld.idx.msk [tilespmem:v53+s2+$0x0], $0xffff;
	v53 =	vadd.s32 $0x3B, v12;
	v41 =	vadd.f32 v61, v41;
	v35 =	vadd.f32 v55, v35  }
0x99: {  	[tilespmem:$0x1F000] =	vst v61;
	v60 =	vld.idx.msk [tilespmem:v60+s2+$0x0], $0xffff;
	v61 =	vadd.s32 $0x3C, v12;
	vm15 =	vge.f32 v62, $1.250000000e-01;
	v40 =	vmul.f32 v62, v28  }
0x9a: {  	vm4 =	vge.f32 v42, $1.250000000e-01;
	v42 =	vmul.f32 v42, v28;
	(erf) = vrcp.f32 v35  }
0x9b: {  	v62 =	vnsel vm15, $0x0, v40;
	v35 =	vmul.f32 v51, v54;
	v40 =	vld.idx.msk [tilespmem:v49+s2+$0x0], $0xffff;
	v49 =	vmul.f32 v51, v56  }
0x9c: {  	[tilespmem:$0x1F010] =	vst v62;
	v41 =	vadd.f32 v41, v62;
	v62 =	vnsel vm4, $0x0, v42;
	v42 =	vadd.s32 $0x3D, v12  }
0x9d: {  	v46 =	vmul.f32 v51, v46;
	v53 =	vld.idx.msk [tilespmem:v53+s2+$0x0], $0xffff;
	vm5 =	vge.f32 v35, $1.250000000e-01;
	v35 =	vmul.f32 v35, v28  }
0x9e: {  	v54 =	vadd.s32 $0x3E, v12;
	v56 =	vadd.f32 v60, v44;
	vm6 =	vge.f32 v49, $1.250000000e-01  }
0x9f: {  	[tilespmem:$0x1F020] =	vst v62;
	v41 =	vadd.f32 v41, v62;
	v62 =	vnsel vm5, $0x0, v35;
	v35 =	vmul.f32 v49, v28;
	v49 =	vld.idx.msk [tilespmem:v61+s2+$0x0], $0xffff  }
0xa0: {  	vm10 =	vge.f32 v15, $1.250000000e-01;
	v12 =	vadd.s32 $0x3F, v12;
	v56 =	vadd.f32 v40, v56  }
0xa1: {  	[tilespmem:$0x1F030] =	vst v62;
	v41 =	vadd.f32 v41, v62;
	v62 =	vmul.f32 v46, v28;
	v61 =	vnsel vm6, $0x0, v35;
	v35 =	vld.idx.msk [tilespmem:v42+s2+$0x0], $0xffff  }
0xa2: {  	vm7 =	vge.f32 v46, $1.250000000e-01;
	v42 =	vmul.f32 v51, v45;
	v45 =	vadd.f32 v53, v56  }
0xa3: {  	v57 =	vmul.f32 v51, v57;
	v51 =	vld.idx.msk [tilespmem:v54+s2+$0x0], $0xffff;
	v41 =	vadd.f32 v41, v61;
	v62 =	vnsel vm7, $0x0, v62  }
0xa4: {  	vm8 =	vge.f32 v42, $1.250000000e-01;
	v42 =	vmul.f32 v42, v28;
	v45 =	vadd.f32 v49, v45  }
0xa5: {  	vm9 =	vge.f32 v57, $1.250000000e-01;
	v12 =	vld.idx.msk [tilespmem:v12+s2+$0x0], $0xffff;
	v28 =	vmul.f32 v57, v28;
	v41 =	vadd.f32 v41, v62;
	v46 =	vpop (erf)  }
0xa6: {  	[tilespmem:$0x1F040] =	vst v61;
	v57 =	vnsel vm8, $0x0, v42;
	v61 =	vmul.f32 v46, v50;
	v45 =	vadd.f32 v35, v45  }
0xa7: {  	v15 =	vnsel vm10, $0x0, v15;
	[tilespmem:$0x1F050] =	vst v62;
	v62 =	vnsel vm9, $0x0, v28;
	v41 =	vadd.f32 v41, v57  }
0xa8: {  	[tilespmem:$0x1F060] =	vst v57;
	v57 =	vmul.f32 v46, v59;
	v50 =	vmul.f32 v61, v15;
	v45 =	vadd.f32 v51, v45  }
0xa9: {  	[tilespmem:$0x1F070] =	vst v62;
	vm11 =	vge.f32 v61, $1.250000000e-01;
	v41 =	vadd.f32 v41, v62;
	v62 =	vmul.f32 v46, v58  }
0xaa: {  	v56 =	vmul.f32 v57, v15;
	v61 =	vnsel vm11, $0x0, v50;
	v59 =	vadd.f32 v12, v45  }
0xab: {  	vm12 =	vge.f32 v57, $1.250000000e-01;
	v58 =	vmul.f32 v46, v52;
	v57 =	vadd.f32 v61, v41  }
0xac: {  	v50 =	vnsel vm12, $0x0, v56;
	(erf) = vrcp.f32 v59;
	v59 =	vmul.f32 v62, v15  }
0xad: {  	vm13 =	vge.f32 v62, $1.250000000e-01;
	v28 =	vadd.f32 v57, v50  }
0xae: {  	[tilespmem:$0x1F080] =	vst v61;
	v62 =	vmul.f32 v46, v48;
	v48 =	vmul.f32 v58, v15;
	v61 =	vnsel vm13, $0x0, v59  }
0xaf: {  	vm14 =	vge.f32 v58, $1.250000000e-01;
	v28 =	vadd.f32 v28, v61  }
0xb0: {  	[tilespmem:$0x1F090] =	vst v50;
	v50 =	vmul.f32 v46, v43;
	v45 =	vnsel vm14, $0x0, v48;
	v52 =	vmul.f32 v62, v15  }
0xb1: {  	vm15 =	vge.f32 v62, $1.250000000e-01;
	v28 =	vadd.f32 v28, v45  }
0xb2: {  	v54 =	vmul.f32 v46, v47;
	v41 =	vmul.f32 v50, v15;
	v43 =	vnsel vm15, $0x0, v52  }
0xb3: {  	v1 =	vmul.f32 v9, v1;
	vm4 =	vge.f32 v50, $1.250000000e-01;
	v28 =	vadd.f32 v28, v43  }
0xb4: {  	v42 =	vmul.f32 v54, v15;
	v56 =	vmul.f32 v46, v55;
	v57 =	vnsel vm4, $0x0, v41  }
0xb5: {  	vm6 =	vge.f32 v1, $1.250000000e-01;
	vm5 =	vge.f32 v54, $1.250000000e-01;
	v9 =	vadd.f32 v28, v57;
	v58 =	vpop (erf)  }
0xb6: {  	v42 =	vnsel vm5, $0x0, v42;
	v15 =	vmul.f32 v56, v15;
	v59 =	vmul.f32 v58, v44  }
0xb7: {  	v1 =	vnsel vm6, $0x0, v1;
	vm7 =	vge.f32 v56, $1.250000000e-01;
	[tilespmem:$0x1F0A0] =	vst v61;
	v9 =	vadd.f32 v9, v42  }
0xb8: {  	[tilespmem:$0x1F0C0] =	vst v43;
	v43 =	vnsel vm7, $0x0, v15;
	v61 =	vmul.f32 v58, v60;
	v62 =	vmul.f32 v59, v1  }
0xb9: {  	vm8 =	vge.f32 v59, $1.250000000e-01;
	v9 =	vadd.f32 v9, v43  }
0xba: {  	[tilespmem:$0x1F0E0] =	vst v42;
	v40 =	vmul.f32 v58, v40;
	v44 =	vmul.f32 v61, v1;
	v42 =	vnsel vm8, $0x0, v62  }
0xbb: {  	vm9 =	vge.f32 v61, $1.250000000e-01;
	v9 =	vadd.f32 v42, v9  }
0xbc: {  	[tilespmem:$0x1F0B0] =	vst v45;
	v46 =	vmul.f32 v58, v53;
	v47 =	vmul.f32 v40, v1;
	v45 =	vnsel vm9, $0x0, v44  }
0xbd: {  	vm10 =	vge.f32 v40, $1.250000000e-01;
	v9 =	vadd.f32 v9, v45  }
0xbe: {  	v49 =	vmul.f32 v58, v49;
	v50 =	vmul.f32 v46, v1;
	v48 =	vnsel vm10, $0x0, v47  }
0xbf: {  	vm11 =	vge.f32 v46, $1.250000000e-01;
	v9 =	vadd.f32 v9, v48  }
0xc0: {  	v52 =	vmul.f32 v58, v35;
	v53 =	vmul.f32 v49, v1;
	v41 =	vnsel vm11, $0x0, v50  }
0xc1: {  	vm12 =	vge.f32 v49, $1.250000000e-01;
	v9 =	vadd.f32 v9, v41  }
0xc2: {  	v55 =	vmul.f32 v58, v51;
	v56 =	vmul.f32 v52, v1;
	v54 =	vnsel vm12, $0x0, v53  }
0xc3: {  	vm13 =	vge.f32 v52, $1.250000000e-01;
	v9 =	vadd.f32 v9, v54  }
0xc4: {  	[tilespmem:$0x1F0D0] =	vst v57;
	v12 =	vmul.f32 v58, v12;
	v58 =	vmul.f32 v55, v1;
	v57 =	vnsel vm13, $0x0, v56  }
0xc5: {  	vm14 =	vge.f32 v55, $1.250000000e-01;
	v9 =	vadd.f32 v9, v57  }
0xc6: {  	v1 =	vmul.f32 v12, v1;
	v15 =	vnsel vm14, $0x0, v58  }
0xc7: {  	vm15 =	vge.f32 v12, $1.250000000e-01;
	v9 =	vadd.f32 v9, v15  }
0xc8: {  	v1 =	vnsel vm15, $0x0, v1  }
0xc9: {  	[tilespmem:$0x1F170] =	vst v1;
	v1 =	vadd.f32 v9, v1;
	_ =	sdelay $0x1  }
0xca: {  	v1 =	vmax.f32 v1, $9.999999710e-10  }
0xcb: {  	(erf) = vrcp.f32 v1;
	_ =	sdelay $0x3  }
0xcc: {  	[tilespmem:$0x1F0F0] =	vst v43  }
0xcd: {  	[tilespmem:$0x1F100] =	vst v42  }
0xce: {  	[tilespmem:$0x1F110] =	vst v45  }
0xcf: {  	[tilespmem:$0x1F120] =	vst v48;
	v45 =	vshll.u32 v0, $0x6  }
0xd0: {  	[tilespmem:$0x1F130] =	vst v41;
	v0 =	vor.u32 $0x1, v45  }
0xd1: {  	[tilespmem:$0x1F140] =	vst v54;
	v59 =	vor.u32 $0x2, v45;
	v35 =	vpop (erf)  }
0xd2: {  	[tilespmem:$0x1F150] =	vst v57;
	v60 =	vor.u32 $0x3, v45;
	v2 =	vmul.f32 v35, v2  }
0xd3: {  	[tilespmem:$0x1F160] =	vst v15;
	v61 =	vor.u32 $0x4, v45;
	v3 =	vmul.f32 v35, v3  }
0xd4: {  	v28 =	vor.u32 $0x5, v45;
	v62 =	vmul.f32 v35, v4;
	[tilespmem:v45+s7+$0x0] =	vst.idx.msk $0xffff, v2  }
0xd5: {  	v41 =	vor.u32 $0x6, v45;
	v40 =	vmul.f32 v35, v5;
	[tilespmem:v0+s7+$0x0] =	vst.idx.msk $0xffff, v3  }
0xd6: {  	v43 =	vor.u32 $0x7, v45;
	v42 =	vmul.f32 v35, v6;
	[tilespmem:v59+s7+$0x0] =	vst.idx.msk $0xffff, v62  }
0xd7: {  	v46 =	vor.u32 $0x8, v45;
	v44 =	vmul.f32 v35, v7;
	[tilespmem:v60+s7+$0x0] =	vst.idx.msk $0xffff, v40  }
0xd8: {  	v48 =	vor.u32 $0x9, v45;
	v47 =	vmul.f32 v35, v8;
	[tilespmem:v61+s7+$0x0] =	vst.idx.msk $0xffff, v42  }
0xd9: {  	v49 =	vmul.f32 v35, v10;
	[tilespmem:v28+s7+$0x0] =	vst.idx.msk $0xffff, v44  }
0xda: {  	v50 =	vor.u32 $0xA, v45;
	v51 =	vmul.f32 v35, v11;
	[tilespmem:v41+s7+$0x0] =	vst.idx.msk $0xffff, v47  }
0xdb: {  	v52 =	vor.u32 $0xB, v45;
	v53 =	vmul.f32 v35, v13;
	[tilespmem:v43+s7+$0x0] =	vst.idx.msk $0xffff, v49  }
0xdc: {  	s30 =	sadd.s32 $0xFFFFFFE0, s10;
	v54 =	vor.u32 $0xC, v45;
	[tilespmem:v46+s7+$0x0] =	vst.idx.msk $0xffff, v51  }
0xdd: {  	v56 =	vor.u32 $0xD, v45;
	v55 =	vmul.f32 v35, v14;
	v46 =	vor.u32 s30, v63;
	[tilespmem:v48+s7+$0x0] =	vst.idx.msk $0xffff, v53  }
0xde: {  	v58 =	vor.u32 $0xE, v45;
	v57 =	vmul.f32 v35, v16;
	[tilespmem:$0x1F610] =	vst v46  }
0xdf: {  	v59 =	vmul.f32 v35, v17;
	v60 =	vor.u32 $0xF, v45;
	[tilespmem:v50+s7+$0x0] =	vst.idx.msk $0xffff, v55  }
0xe0: {  	v62 =	vor.u32 $0x10, v45;
	v61 =	vmul.f32 v35, v18;
	[tilespmem:v52+s7+$0x0] =	vst.idx.msk $0xffff, v57  }
0xe1: {  	v9 =	vmul.f32 v35, v19;
	v10 =	vor.u32 $0x11, v45;
	[tilespmem:v54+s7+$0x0] =	vst.idx.msk $0xffff, v59  }
0xe2: {  	v12 =	vor.u32 $0x12, v45;
	v11 =	vmul.f32 v35, v20;
	[tilespmem:v56+s7+$0x0] =	vst.idx.msk $0xffff, v61  }
0xe3: {  	v13 =	vmul.f32 v35, v21;
	v14 =	vor.u32 $0x13, v45;
	[tilespmem:v58+s7+$0x0] =	vst.idx.msk $0xffff, v9  }
0xe4: {  	v15 =	vmul.f32 v35, v22;
	v16 =	vor.u32 $0x14, v45;
	[tilespmem:v60+s7+$0x0] =	vst.idx.msk $0xffff, v11  }
0xe5: {  	v17 =	vmul.f32 v35, v23;
	v18 =	vor.u32 $0x15, v45;
	[tilespmem:v62+s7+$0x0] =	vst.idx.msk $0xffff, v13  }
0xe6: {  	v19 =	vmul.f32 v35, v24;
	v20 =	vor.u32 $0x16, v45;
	[tilespmem:v10+s7+$0x0] =	vst.idx.msk $0xffff, v15  }
0xe7: {  	v21 =	vmul.f32 v35, v25;
	v22 =	vor.u32 $0x17, v45;
	[tilespmem:v12+s7+$0x0] =	vst.idx.msk $0xffff, v17  }
0xe8: {  	v24 =	vor.u32 $0x18, v45;
	v23 =	vmul.f32 v35, v26;
	[tilespmem:v14+s7+$0x0] =	vst.idx.msk $0xffff, v19  }
0xe9: {  	v25 =	vmul.f32 v35, v27;
	v26 =	vor.u32 $0x19, v45;
	v2 =	vmul.u32 $0x48, v46;
	[tilespmem:v16+s7+$0x0] =	vst.idx.msk $0xffff, v21  }
0xea: {  	v27 =	vmul.f32 v35, v29;
	v28 =	vor.u32 $0x1A, v45;
	[tilespmem:v18+s7+$0x0] =	vst.idx.msk $0xffff, v23  }
0xeb: {  	v29 =	vmul.f32 v35, v30;
	v52 =	vadd.s32 $0x40, v2;
	[tilespmem:v20+s7+$0x0] =	vst.idx.msk $0xffff, v25  }
0xec: {  	v31 =	vmul.f32 v35, v31;
	v54 =	vadd.s32 $0x41, v2;
	[tilespmem:v22+s7+$0x0] =	vst.idx.msk $0xffff, v27  }
0xed: {  	v41 =	vmul.f32 v35, v32;
	v56 =	vadd.s32 $0x42, v2;
	[tilespmem:v24+s7+$0x0] =	vst.idx.msk $0xffff, v29  }
0xee: {  	v30 =	vor.u32 $0x1B, v45;
	[tilespmem:v26+s7+$0x0] =	vst.idx.msk $0xffff, v31  }
0xef: {  	v57 =	vor.u32 $0x1, v2;
	[tilespmem:v28+s7+$0x0] =	vst.idx.msk $0xffff, v41  }
0xf0: {  	v59 =	vadd.s32 $0x43, v2;
	v58 =	vld.idx.msk [tilespmem:v52+s2+$0x0], $0xffff  }
0xf1: {  	v43 =	vmul.f32 v35, v33;
	v60 =	vor.u32 $0x2, v2;
	v10 =	vld.idx.msk [tilespmem:v54+s2+$0x0], $0xffff  }
0xf2: {  	v61 =	vadd.s32 $0x44, v2;
	v8 =	vld.idx.msk [tilespmem:v56+s2+$0x0], $0xffff  }
0xf3: {  	v40 =	vor.u32 $0x1C, v45;
	[tilespmem:v30+s7+$0x0] =	vst.idx.msk $0xffff, v43;
	v30 =	vor.u32 $0x3, v2;
	v62 =	vld.idx.msk [tilespmem:v2+s2+$0x0], $0xffff  }
0xf4: {  	v42 =	vor.u32 $0x1D, v45;
	v44 =	vor.u32 $0x1E, v45;
	v31 =	vadd.s32 $0x45, v2;
	v32 =	vld.idx.msk [tilespmem:v57+s2+$0x0], $0xffff  }
0xf5: {  	v47 =	vmul.f32 v35, v34;
	v49 =	vmul.f32 v35, v36;
	v33 =	vor.u32 $0x4, v2;
	v7 =	vld.idx.msk [tilespmem:v59+s2+$0x0], $0xffff  }
0xf6: {  	v51 =	vmul.f32 v35, v37;
	v34 =	vadd.s32 $0x46, v2;
	v36 =	vld.idx.msk [tilespmem:v60+s2+$0x0], $0xffff;
	v37 =	vadd.f32 v10, v58  }
0xf7: {  	v53 =	vmul.f32 v35, v38;
	v55 =	vmul.f32 v35, v39;
	v38 =	vor.u32 $0x5, v2;
	v6 =	vld.idx.msk [tilespmem:v61+s2+$0x0], $0xffff  }
0xf8: {  	v39 =	vadd.s32 $0x47, v2;
	[tilespmem:v40+s7+$0x0] =	vst.idx.msk $0xffff, v47;
	v12 =	vld.idx.msk [tilespmem:v30+s2+$0x0], $0xffff;
	v40 =	vadd.f32 v8, v37  }
0xf9: {  	v48 =	vor.u32 $0x1F, v45;
	v41 =	vor.u32 $0x6, v2;
	[tilespmem:v42+s7+$0x0] =	vst.idx.msk $0xffff, v49;
	v5 =	vld.idx.msk [tilespmem:v31+s2+$0x0], $0xffff  }
0xfa: {  	v43 =	vld.idx.msk [tilespmem:v33+s2+$0x0], $0xffff;
	[tilespmem:v44+s7+$0x0] =	vst.idx.msk $0xffff, v51;
	v42 =	vadd.f32 v32, v62;
	v44 =	vadd.f32 v7, v40  }
0xfb: {  	v4 =	vld.idx.msk [tilespmem:v34+s2+$0x0], $0xffff  }
0xfc: {  	v46 =	vor.u32 $0x7, v2;
	v16 =	vld.idx.msk [tilespmem:v38+s2+$0x0], $0xffff;
	v19 =	vadd.f32 v36, v42;
	v3 =	vadd.f32 v6, v44  }
0xfd: {  	v0 =	vld.idx.msk [tilespmem:v39+s2+$0x0], $0xffff  }
0xfe: {  	v49 =	vadd.s32 $0x9, v2;
	v47 =	vadd.f32 v12, v19;
	v3 =	vadd.f32 v5, v3  }
0xff: {  	[tilespmem:v48+s7+$0x0] =	vst.idx.msk $0xffff, v53;
	v48 =	vadd.s32 $0x8, v2;
	v18 =	vld.idx.msk [tilespmem:v41+s2+$0x0], $0xffff  }
0x100: {  	v17 =	vadd.f32 v43, v47;
	v3 =	vadd.f32 v4, v3  }
0x101: {  	v50 =	vor.u32 $0x20, v45;
	v13 =	vld.idx.msk [tilespmem:v46+s2+$0x0], $0xffff;
	v51 =	vadd.s32 $0xA, v2  }
0x102: {  	v17 =	vadd.f32 v16, v17;
	v3 =	vadd.f32 v0, v3  }
0x103: {  	v52 =	vadd.s32 $0xB, v2;
	v21 =	vld.idx.msk [tilespmem:v49+s2+$0x0], $0xffff  }
0x104: {  	v19 =	vld.idx.msk [tilespmem:v48+s2+$0x0], $0xffff;
	v17 =	vadd.f32 v18, v17;
	(erf) = vrcp.f32 v3  }
0x105: {  	v53 =	vadd.s32 $0xC, v2  }
0x106: {  	[tilespmem:v50+s7+$0x0] =	vst.idx.msk $0xffff, v55;
	v50 =	vadd.f32 v13, v17;
	v17 =	vld.idx.msk [tilespmem:v51+s2+$0x0], $0xffff  }
0x107: {  	v54 =	vadd.s32 $0xD, v2  }
0x108: {  	v24 =	vld.idx.msk [tilespmem:v52+s2+$0x0], $0xffff;
	(erf) = vrcp.f32 v50  }
0x109: {  	v55 =	vadd.s32 $0xE, v2;
	v56 =	vadd.f32 v21, v19  }
0x10a: {  	v22 =	vld.idx.msk [tilespmem:v53+s2+$0x0], $0xffff  }
0x10b: {  	v26 =	vadd.f32 v17, v56  }
0x10c: {  	v57 =	vadd.s32 $0xF, v2;
	v34 =	vadd.s32 $0x10, v2;
	v46 =	vadd.s32 $0x13, v2;
	v23 =	vld.idx.msk [tilespmem:v54+s2+$0x0], $0xffff  }
0x10d: {  	v41 =	vadd.s32 $0x12, v2;
	v56 =	vadd.s32 $0x17, v2;
	v26 =	vadd.f32 v24, v26;
	v3 =	vpop (erf)  }
0x10e: {  	v52 =	vadd.s32 $0x16, v2;
	v25 =	vld.idx.msk [tilespmem:v55+s2+$0x0], $0xffff;
	v47 =	vadd.s32 $0x14, v2;
	v9 =	vmul.f32 v3, v58  }
0x10f: {  	v26 =	vadd.f32 v22, v26;
	v10 =	vmul.f32 v3, v10;
	v8 =	vmul.f32 v3, v8  }
0x110: {  	v50 =	vadd.s32 $0x15, v2;
	v7 =	vmul.f32 v3, v7;
	v6 =	vmul.f32 v3, v6  }
0x111: {  	v26 =	vadd.f32 v23, v26;
	v58 =	vpop (erf);
	v5 =	vmul.f32 v3, v5;
	v4 =	vmul.f32 v3, v4  }
0x112: {  	v29 =	vld.idx.msk [tilespmem:v56+s2+$0x0], $0xffff;
	v56 =	vadd.s32 $0x22, v2;
	v0 =	vmul.f32 v3, v0;
	v11 =	vmul.f32 v58, v62  }
0x113: {  	v14 =	vld.idx.msk [tilespmem:v57+s2+$0x0], $0xffff;
	v60 =	vmul.f32 v58, v32;
	v30 =	vmul.f32 v58, v36;
	v31 =	vadd.f32 v25, v26  }
0x114: {  	v12 =	vmul.f32 v58, v12;
	v20 =	vmul.f32 v58, v43;
	v36 =	vadd.s32 $0x11, v2  }
0x115: {  	v43 =	vmul.f32 v58, v16;
	v18 =	vmul.f32 v58, v18;
	vm4 =	vge.f32 v9, $1.250000000e-01  }
0x116: {  	v13 =	vmul.f32 v58, v13;
	vm13 =	vge.f32 v10, $1.250000000e-01;
	v9 =	vnsel vm4, $0x0, v9  }
0x117: {  	vm5 =	vge.f32 v11, $1.250000000e-01;
	vm6 =	vge.f32 v60, $1.250000000e-01;
	vm7 =	vge.f32 v30, $1.250000000e-01  }
0x118: {  	v15 =	vadd.f32 v14, v31;
	vm8 =	vge.f32 v12, $1.250000000e-01;
	vm9 =	vge.f32 v20, $1.250000000e-01  }
0x119: {  	vm10 =	vge.f32 v43, $1.250000000e-01;
	vm11 =	vge.f32 v18, $1.250000000e-01;
	v59 =	vmul.f32 v11, v9  }
0x11a: {  	vm12 =	vge.f32 v13, $1.250000000e-01;
	v10 =	vnsel vm13, $0x0, v10;
	(erf) = vrcp.f32 v15  }
0x11b: {  	v16 =	vld.idx.msk [tilespmem:v34+s2+$0x0], $0xffff;
	v1 =	vmul.f32 v60, v9;
	v11 =	vmul.f32 v30, v9;
	v61 =	vnsel vm5, $0x0, v59  }
0x11c: {  	v38 =	vmul.f32 v12, v9;
	v40 =	vmul.f32 v20, v9;
	v15 =	vld.idx.msk [tilespmem:v36+s2+$0x0], $0xffff;
	v62 =	vadd.f32 $0.0e+00, v61  }
0x11d: {  	v27 =	vld.idx.msk [tilespmem:v41+s2+$0x0], $0xffff;
	v49 =	vmul.f32 v18, v9;
	v60 =	vadd.s32 $0x18, v2;
	v32 =	vnsel vm6, $0x0, v1  }
0x11e: {  	v18 =	vld.idx.msk [tilespmem:v50+s2+$0x0], $0xffff;
	v50 =	vadd.s32 $0x1F, v2;
	v37 =	vnsel vm7, $0x0, v11;
	v33 =	vadd.f32 v62, v32  }
0x11f: {  	v42 =	vnsel vm8, $0x0, v38;
	v44 =	vnsel vm9, $0x0, v40;
	v11 =	vmul.f32 v43, v9  }
0x120: {  	v20 =	vld.idx.msk [tilespmem:v46+s2+$0x0], $0xffff;
	v51 =	vnsel vm11, $0x0, v49;
	v9 =	vmul.f32 v13, v9;
	v39 =	vadd.f32 v33, v37  }
0x121: {  	v36 =	vadd.s32 $0x1A, v2;
	v40 =	vadd.s32 $0x1C, v2;
	v53 =	vadd.f32 v15, v16  }
0x122: {  	[tilespmem:$0x1F180] =	vst v61;
	v61 =	vadd.s32 $0x19, v2;
	v48 =	vnsel vm10, $0x0, v11;
	v12 =	vadd.f32 v39, v42  }
0x123: {  	v57 =	vnsel vm12, $0x0, v9;
	v54 =	vadd.f32 v27, v53;
	v39 =	vadd.s32 $0x1B, v2;
	v11 =	vpop (erf)  }
0x124: {  	v26 =	vld.idx.msk [tilespmem:v47+s2+$0x0], $0xffff;
	v12 =	vadd.f32 v12, v44;
	v19 =	vmul.f32 v11, v19;
	v58 =	vmul.f32 v11, v21  }
0x125: {  	[tilespmem:$0x1F1A0] =	vst v37;
	v13 =	vadd.f32 v20, v54;
	v17 =	vmul.f32 v11, v17;
	v37 =	vmul.f32 v11, v24  }
0x126: {  	[tilespmem:$0x1F1C0] =	vst v44;
	v22 =	vmul.f32 v11, v22;
	v44 =	vadd.s32 $0x1D, v2;
	v47 =	vmul.f32 v11, v23  }
0x127: {  	v21 =	vld.idx.msk [tilespmem:v60+s2+$0x0], $0xffff;
	v25 =	vmul.f32 v11, v25;
	v11 =	vmul.f32 v11, v14;
	v12 =	vadd.f32 v12, v48  }
0x128: {  	v24 =	vld.idx.msk [tilespmem:v61+s2+$0x0], $0xffff;
	v55 =	vmul.f32 v19, v10;
	vm14 =	vge.f32 v19, $1.250000000e-01;
	vm15 =	vge.f32 v58, $1.250000000e-01  }
0x129: {  	v9 =	vmul.f32 v58, v10;
	v19 =	vld.idx.msk [tilespmem:v52+s2+$0x0], $0xffff;
	v13 =	vadd.f32 v26, v13;
	v34 =	vmul.f32 v17, v10  }
0x12a: {  	[tilespmem:$0x1F1B0] =	vst v42;
	vm4 =	vge.f32 v17, $1.250000000e-01;
	vm6 =	vge.f32 v22, $1.250000000e-01;
	v42 =	vmul.f32 v22, v10;
	v22 =	vld.idx.msk [tilespmem:v36+s2+$0x0], $0xffff  }
0x12b: {  	[tilespmem:$0x1F1D0] =	vst v48;
	vm5 =	vge.f32 v37, $1.250000000e-01;
	v17 =	vmul.f32 v37, v10;
	v48 =	vadd.s32 $0x1E, v2  }
0x12c: {  	vm7 =	vge.f32 v47, $1.250000000e-01;
	vm8 =	vge.f32 v25, $1.250000000e-01;
	v23 =	vld.idx.msk [tilespmem:v39+s2+$0x0], $0xffff;
	v33 =	vadd.f32 v18, v13  }
0x12d: {  	v52 =	vadd.s32 $0x21, v2;
	v12 =	vadd.f32 v12, v51;
	v49 =	vadd.f32 v24, v21  }
0x12e: {  	v28 =	vld.idx.msk [tilespmem:v40+s2+$0x0], $0xffff;
	v59 =	vnsel vm14, $0x0, v55;
	v62 =	vnsel vm15, $0x0, v9;
	v9 =	vadd.f32 v19, v33  }
0x12f: {  	v41 =	vnsel vm5, $0x0, v17;
	v12 =	vadd.f32 v12, v57;
	v30 =	vadd.f32 v22, v49  }
0x130: {  	[tilespmem:$0x1F1E0] =	vst v51;
	v17 =	vmul.f32 v47, v10;
	v51 =	vadd.s32 $0x20, v2;
	v33 =	vld.idx.msk [tilespmem:v44+s2+$0x0], $0xffff;
	v9 =	vadd.f32 v29, v9  }
0x131: {  	v25 =	vmul.f32 v25, v10;
	v12 =	vadd.f32 v59, v12;
	v54 =	vadd.f32 v23, v30  }
0x132: {  	vm9 =	vge.f32 v11, $1.250000000e-01;
	v53 =	vnsel vm7, $0x0, v17;
	v17 =	vld.idx.msk [tilespmem:v48+s2+$0x0], $0xffff;
	(erf) = vrcp.f32 v9  }
0x133: {  	v11 =	vmul.f32 v11, v10;
	v10 =	vld.idx.msk [tilespmem:v52+s2+$0x0], $0xffff;
	v12 =	vadd.f32 v12, v62;
	v14 =	vadd.f32 v28, v54  }
0x134: {  	[tilespmem:$0x1F190] =	vst v32;
	vm10 =	vge.f32 v8, $1.250000000e-01;
	v32 =	vadd.s32 $0x2B, v2;
	v38 =	vnsel vm4, $0x0, v34;
	v30 =	vld.idx.msk [tilespmem:v50+s2+$0x0], $0xffff  }
0x135: {  	v60 =	vnsel vm10, $0x0, v8;
	v13 =	vld.idx.msk [tilespmem:v51+s2+$0x0], $0xffff;
	v12 =	vadd.f32 v12, v38;
	v14 =	vadd.f32 v33, v14  }
0x136: {  	v61 =	vadd.s32 $0x24, v2;
	v58 =	vadd.s32 $0x23, v2;
	v36 =	vadd.s32 $0x25, v2  }
0x137: {  	v8 =	vld.idx.msk [tilespmem:v56+s2+$0x0], $0xffff;
	v39 =	vadd.s32 $0x26, v2;
	[tilespmem:$0x1F210] =	vst v62;
	v43 =	vadd.f32 v12, v41;
	v62 =	vadd.f32 v17, v14  }
0x138: {  	v46 =	vnsel vm6, $0x0, v42;
	v55 =	vnsel vm8, $0x0, v25;
	vm7 =	vge.f32 v7, $1.250000000e-01  }
0x139: {  	[tilespmem:$0x1F220] =	vst v38;
	v44 =	vadd.s32 $0x27, v2;
	v9 =	vadd.f32 v43, v46;
	v38 =	vadd.f32 v30, v62  }
0x13a: {  	[tilespmem:$0x1F200] =	vst v59;
	v7 =	vnsel vm7, $0x0, v7;
	v59 =	vnsel vm9, $0x0, v11;
	v40 =	vadd.f32 v10, v13  }
0x13b: {  	[tilespmem:$0x1F1F0] =	vst v57;
	v12 =	vld.idx.msk [tilespmem:v36+s2+$0x0], $0xffff;
	v36 =	vadd.s32 $0x2C, v2;
	v9 =	vadd.f32 v9, v53;
	(erf) = vrcp.f32 v38;
	v57 =	vpop (erf)  }
0x13c: {  	v43 =	vadd.f32 v8, v40;
	v16 =	vmul.f32 v57, v16;
	v15 =	vmul.f32 v57, v15  }
0x13d: {  	v9 =	vadd.f32 v9, v55;
	v27 =	vmul.f32 v57, v27;
	v20 =	vmul.f32 v57, v20  }
0x13e: {  	[tilespmem:$0x1F240] =	vst v46;
	v62 =	vadd.s32 $0x2A, v2;
	v46 =	vmul.f32 v57, v26;
	v49 =	vmul.f32 v57, v18  }
0x13f: {  	v19 =	vmul.f32 v57, v19;
	v51 =	vmul.f32 v57, v29;
	v9 =	vadd.f32 v9, v59  }
0x140: {  	[tilespmem:$0x1F270] =	vst v59;
	v59 =	vadd.s32 $0x28, v2;
	v25 =	vmul.f32 v16, v60;
	vm11 =	vge.f32 v16, $1.250000000e-01  }
0x141: {  	v11 =	vld.idx.msk [tilespmem:v58+s2+$0x0], $0xffff;
	vm12 =	vge.f32 v15, $1.250000000e-01;
	v15 =	vmul.f32 v15, v60;
	vm13 =	vge.f32 v27, $1.250000000e-01  }
0x142: {  	v27 =	vmul.f32 v27, v60;
	vm14 =	vge.f32 v20, $1.250000000e-01;
	v20 =	vmul.f32 v20, v60  }
0x143: {  	v26 =	vmul.f32 v46, v60;
	vm15 =	vge.f32 v46, $1.250000000e-01;
	vm4 =	vge.f32 v49, $1.250000000e-01  }
0x144: {  	[tilespmem:$0x1F230] =	vst v41;
	v16 =	vmul.f32 v49, v60;
	vm5 =	vge.f32 v19, $1.250000000e-01;
	v37 =	vnsel vm11, $0x0, v25  }
0x145: {  	[tilespmem:$0x1F250] =	vst v53;
	v53 =	vmul.f32 v19, v60;
	v54 =	vmul.f32 v51, v60;
	v41 =	vadd.f32 v37, v9  }
0x146: {  	vm6 =	vge.f32 v51, $1.250000000e-01;
	v42 =	vnsel vm12, $0x0, v15;
	v15 =	vadd.f32 v11, v43  }
0x147: {  	v47 =	vnsel vm13, $0x0, v27;
	v48 =	vnsel vm14, $0x0, v20;
	v14 =	vadd.f32 v41, v42  }
0x148: {  	[tilespmem:$0x1F260] =	vst v55;
	v25 =	vld.idx.msk [tilespmem:v39+s2+$0x0], $0xffff;
	v50 =	vnsel vm15, $0x0, v26;
	v52 =	vnsel vm4, $0x0, v16;
	v55 =	vnsel vm5, $0x0, v53  }
0x149: {  	v56 =	vnsel vm6, $0x0, v54;
	v39 =	vadd.s32 $0x2D, v2;
	v9 =	vld.idx.msk [tilespmem:v61+s2+$0x0], $0xffff;
	v14 =	vadd.f32 v14, v47  }
0x14a: {  	vm4 =	vge.f32 v6, $1.250000000e-01;
	v53 =	vadd.s32 $0x30, v2;
	v54 =	vadd.s32 $0x31, v2  }
0x14b: {  	v61 =	vadd.s32 $0x29, v2;
	v6 =	vnsel vm4, $0x0, v6;
	v57 =	vpop (erf);
	v14 =	vadd.f32 v14, v48  }
0x14c: {  	[tilespmem:$0x1F290] =	vst v42;
	v42 =	vadd.s32 $0x2E, v2;
	v58 =	vmul.f32 v57, v21;
	v60 =	vmul.f32 v57, v24  }
0x14d: {  	v18 =	vld.idx.msk [tilespmem:v44+s2+$0x0], $0xffff;
	v27 =	vmul.f32 v57, v22;
	v29 =	vmul.f32 v57, v23;
	v14 =	vadd.f32 v14, v50  }
0x14e: {  	[tilespmem:$0x1F280] =	vst v37;
	v34 =	vmul.f32 v57, v28;
	v37 =	vmul.f32 v57, v33;
	v15 =	vadd.f32 v9, v15  }
0x14f: {  	v17 =	vmul.f32 v57, v17;
	v24 =	vld.idx.msk [tilespmem:v62+s2+$0x0], $0xffff;
	v62 =	vadd.s32 $0x34, v2;
	v14 =	vadd.f32 v14, v52  }
0x150: {  	[tilespmem:$0x1F2A0] =	vst v47;
	v47 =	vadd.s32 $0x2F, v2;
	vm8 =	vge.f32 v58, $1.250000000e-01;
	v15 =	vadd.f32 v12, v15  }
0x151: {  	v16 =	vmul.f32 v58, v7;
	vm9 =	vge.f32 v60, $1.250000000e-01;
	v14 =	vadd.f32 v14, v55  }
0x152: {  	v19 =	vld.idx.msk [tilespmem:v59+s2+$0x0], $0xffff;
	v20 =	vmul.f32 v60, v7;
	vm10 =	vge.f32 v27, $1.250000000e-01;
	v15 =	vadd.f32 v25, v15  }
0x153: {  	vm11 =	vge.f32 v29, $1.250000000e-01;
	v21 =	vld.idx.msk [tilespmem:v61+s2+$0x0], $0xffff;
	v22 =	vmul.f32 v29, v7;
	v14 =	vadd.f32 v14, v56  }
0x154: {  	vm12 =	vge.f32 v34, $1.250000000e-01;
	v26 =	vnsel vm8, $0x0, v16;
	v15 =	vadd.f32 v18, v15  }
0x155: {  	v41 =	vmul.f32 v34, v7;
	vm13 =	vge.f32 v37, $1.250000000e-01;
	v14 =	vadd.f32 v26, v14  }
0x156: {  	v31 =	vnsel vm9, $0x0, v20;
	v16 =	vmul.f32 v27, v7;
	(erf) = vrcp.f32 v15  }
0x157: {  	vm14 =	vge.f32 v17, $1.250000000e-01;
	v17 =	vmul.f32 v17, v7;
	v20 =	vld.idx.msk [tilespmem:v32+s2+$0x0], $0xffff;
	v14 =	vadd.f32 v14, v31  }
0x158: {  	v61 =	vadd.s32 $0x33, v2;
	v38 =	vnsel vm10, $0x0, v16;
	v43 =	vadd.f32 v21, v19  }
0x159: {  	v34 =	vadd.s32 $0x35, v2;
	v40 =	vnsel vm11, $0x0, v22;
	[tilespmem:$0x1F300] =	vst v26;
	v26 =	vld.idx.msk [tilespmem:v36+s2+$0x0], $0xffff;
	v14 =	vadd.f32 v14, v38  }
0x15a: {  	v27 =	vmul.f32 v37, v7;
	v44 =	vnsel vm12, $0x0, v41;
	v46 =	vadd.f32 v24, v43  }
0x15b: {  	v37 =	vadd.s32 $0x36, v2;
	vm12 =	vge.f32 v5, $1.250000000e-01;
	v16 =	vld.idx.msk [tilespmem:v39+s2+$0x0], $0xffff;
	v14 =	vadd.f32 v14, v40  }
0x15c: {  	[tilespmem:$0x1F2C0] =	vst v50;
	v50 =	vnsel vm14, $0x0, v17;
	v15 =	vmul.f32 v57, v30;
	v22 =	vadd.f32 v20, v46  }
0x15d: {  	[tilespmem:$0x1F2B0] =	vst v48;
	v5 =	vnsel vm12, $0x0, v5;
	v48 =	vnsel vm13, $0x0, v27;
	v14 =	vadd.f32 v14, v44  }
0x15e: {  	v39 =	vadd.s32 $0x37, v2;
	v7 =	vmul.f32 v15, v7;
	v51 =	vadd.f32 v26, v22  }
0x15f: {  	v57 =	vadd.s32 $0x32, v2;
	vm15 =	vge.f32 v15, $1.250000000e-01;
	v49 =	vpop (erf);
	v14 =	vadd.f32 v14, v48  }
0x160: {  	[tilespmem:$0x1F2D0] =	vst v52;
	v15 =	vld.idx.msk [tilespmem:v42+s2+$0x0], $0xffff;
	v52 =	vnsel vm15, $0x0, v7;
	v13 =	vmul.f32 v49, v13;
	v17 =	vadd.f32 v16, v51  }
0x161: {  	v10 =	vmul.f32 v49, v10;
	v8 =	vmul.f32 v49, v8;
	v14 =	vadd.f32 v14, v50  }
0x162: {  	v7 =	vld.idx.msk [tilespmem:v47+s2+$0x0], $0xffff;
	v59 =	vmul.f32 v49, v11;
	vm5 =	vge.f32 v13, $1.250000000e-01;
	v13 =	vmul.f32 v13, v6  }
0x163: {  	v9 =	vmul.f32 v49, v9;
	v32 =	vmul.f32 v49, v12;
	v14 =	vadd.f32 v14, v52  }
0x164: {  	[tilespmem:$0x1F2E0] =	vst v55;
	vm6 =	vge.f32 v10, $1.250000000e-01;
	v10 =	vmul.f32 v10, v6;
	v55 =	vnsel vm5, $0x0, v13  }
0x165: {  	v33 =	vmul.f32 v49, v25;
	v17 =	vadd.f32 v15, v17;
	v13 =	vadd.f32 v55, v14  }
0x166: {  	v22 =	vld.idx.msk [tilespmem:v54+s2+$0x0], $0xffff;
	v18 =	vmul.f32 v49, v18;
	v49 =	vadd.s32 $0x39, v2;
	v58 =	vnsel vm6, $0x0, v10  }
0x167: {  	[tilespmem:$0x1F2F0] =	vst v56;
	vm7 =	vge.f32 v8, $1.250000000e-01;
	v56 =	vadd.f32 v7, v17;
	v60 =	vadd.f32 v13, v58;
	v13 =	vld.idx.msk [tilespmem:v53+s2+$0x0], $0xffff  }
0x168: {  	v8 =	vmul.f32 v8, v6;
	vm9 =	vge.f32 v9, $1.250000000e-01;
	v9 =	vmul.f32 v9, v6  }
0x169: {  	vm8 =	vge.f32 v59, $1.250000000e-01;
	v10 =	vmul.f32 v59, v6;
	v17 =	vld.idx.msk [tilespmem:v57+s2+$0x0], $0xffff;
	(erf) = vrcp.f32 v56  }
0x16a: {  	[tilespmem:$0x1F310] =	vst v31;
	vm10 =	vge.f32 v32, $1.250000000e-01;
	vm11 =	vge.f32 v33, $1.250000000e-01;
	v12 =	vmul.f32 v33, v6  }
0x16b: {  	[tilespmem:$0x1F350] =	vst v48;
	vm3 =	vge.f32 v18, $1.250000000e-01;
	v48 =	vadd.s32 $0x38, v2;
	v36 =	vnsel vm8, $0x0, v10;
	v10 =	vld.idx.msk [tilespmem:v61+s2+$0x0], $0xffff  }
0x16c: {  	[tilespmem:$0x1F320] =	vst v38;
	v31 =	vnsel vm7, $0x0, v8;
	v8 =	vmul.f32 v32, v6;
	v38 =	vadd.f32 v22, v13  }
0x16d: {  	[tilespmem:$0x1F330] =	vst v40;
	v27 =	vld.idx.msk [tilespmem:v62+s2+$0x0], $0xffff;
	v6 =	vmul.f32 v18, v6;
	v40 =	vnsel vm9, $0x0, v9;
	v11 =	vadd.f32 v60, v31  }
0x16e: {  	v46 =	vnsel vm11, $0x0, v12;
	v57 =	vadd.s32 $0x3C, v2;
	v25 =	vadd.f32 v17, v38  }
0x16f: {  	[tilespmem:$0x1F340] =	vst v44;
	v32 =	vadd.s32 $0x3E, v2;
	vm9 =	vge.f32 v4, $1.250000000e-01;
	v41 =	vadd.f32 v11, v36;
	v11 =	vld.idx.msk [tilespmem:v34+s2+$0x0], $0xffff  }
0x170: {  	[tilespmem:$0x1F360] =	vst v50;
	v4 =	vnsel vm9, $0x0, v4;
	v42 =	vnsel vm10, $0x0, v8;
	v43 =	vadd.f32 v10, v25  }
0x171: {  	[tilespmem:$0x1F370] =	vst v52;
	v50 =	vnsel vm3, $0x0, v6;
	v56 =	vadd.s32 $0x3B, v2;
	v14 =	vld.idx.msk [tilespmem:v37+s2+$0x0], $0xffff;
	v9 =	vadd.f32 v41, v40  }
0x172: {  	[tilespmem:$0x1F380] =	vst v55;
	v61 =	vadd.s32 $0x3D, v2;
	v52 =	vadd.s32 $0x3A, v2;
	v44 =	vpop (erf);
	v8 =	vadd.f32 v27, v43  }
0x173: {  	v23 =	vld.idx.msk [tilespmem:v39+s2+$0x0], $0xffff;
	[tilespmem:$0x1F390] =	vst v58;
	v2 =	vadd.s32 $0x3F, v2;
	v47 =	vmul.f32 v44, v19;
	v9 =	vadd.f32 v9, v42  }
0x174: {  	v54 =	vmul.f32 v44, v21;
	v55 =	vmul.f32 v44, v24;
	v19 =	vld.idx.msk [tilespmem:v48+s2+$0x0], $0xffff;
	v8 =	vadd.f32 v11, v8  }
0x175: {  	v58 =	vmul.f32 v44, v20;
	v62 =	vmul.f32 v44, v26;
	v25 =	vld.idx.msk [tilespmem:v49+s2+$0x0], $0xffff;
	v51 =	vadd.f32 v9, v46  }
0x176: {  	[tilespmem:$0x1F3B0] =	vst v36;
	v36 =	vmul.f32 v44, v16;
	v12 =	vmul.f32 v47, v5;
	v8 =	vadd.f32 v14, v8  }
0x177: {  	v7 =	vmul.f32 v44, v7;
	vm13 =	vge.f32 v47, $1.250000000e-01;
	v9 =	vld.idx.msk [tilespmem:v52+s2+$0x0], $0xffff;
	v6 =	vadd.f32 v51, v50  }
0x178: {  	v53 =	vnsel vm13, $0x0, v12;
	v12 =	vmul.f32 v54, v5;
	v8 =	vadd.f32 v23, v8  }
0x179: {  	v20 =	vld.idx.msk [tilespmem:v56+s2+$0x0], $0xffff;
	vm14 =	vge.f32 v54, $1.250000000e-01;
	v21 =	vmul.f32 v55, v5;
	v6 =	vadd.f32 v53, v6  }
0x17a: {  	v59 =	vnsel vm14, $0x0, v12;
	v33 =	vadd.f32 v25, v19;
	(erf) = vrcp.f32 v8  }
0x17b: {  	v28 =	vld.idx.msk [tilespmem:v57+s2+$0x0], $0xffff;
	vm15 =	vge.f32 v55, $1.250000000e-01;
	vm4 =	vge.f32 v58, $1.250000000e-01;
	v6 =	vadd.f32 v6, v59  }
0x17c: {  	v60 =	vnsel vm15, $0x0, v21;
	v37 =	vadd.f32 v9, v33;
	v8 =	vmul.f32 v58, v5  }
0x17d: {  	v26 =	vld.idx.msk [tilespmem:v61+s2+$0x0], $0xffff;
	vm5 =	vge.f32 v62, $1.250000000e-01;
	vm6 =	vge.f32 v36, $1.250000000e-01;
	v6 =	vadd.f32 v6, v60  }
0x17e: {  	v21 =	vmul.f32 v62, v5;
	v39 =	vadd.f32 v20, v37;
	v34 =	vnsel vm4, $0x0, v8  }
0x17f: {  	[tilespmem:$0x1F3C0] =	vst v40;
	v29 =	vld.idx.msk [tilespmem:v32+s2+$0x0], $0xffff;
	v38 =	vmul.f32 v44, v15;
	vm8 =	vge.f32 v7, $1.250000000e-01;
	v6 =	vadd.f32 v6, v34  }
0x180: {  	[tilespmem:$0x1F3D0] =	vst v42;
	v40 =	vnsel vm5, $0x0, v21;
	v42 =	vadd.f32 v28, v39;
	v8 =	vmul.f32 v36, v5  }
0x181: {  	v30 =	vld.idx.msk [tilespmem:v2+s2+$0x0], $0xffff;
	v12 =	vmul.f32 v38, v5;
	v43 =	vmul.f32 v7, v5;
	v6 =	vadd.f32 v6, v40  }
0x182: {  	[tilespmem:$0x1F3E0] =	vst v46;
	vm7 =	vge.f32 v38, $1.250000000e-01;
	v46 =	vadd.f32 v26, v42;
	v41 =	vnsel vm6, $0x0, v8  }
0x183: {  	v54 =	vnsel vm7, $0x0, v12;
	v56 =	vnsel vm8, $0x0, v43;
	v44 =	vadd.f32 v6, v41;
	v47 =	vpop (erf)  }
0x184: {  	s31 =	sadd.s32 $0xFFFFFFF0, s10;
	vm6 =	vge.f32 v0, $1.250000000e-01;
	v6 =	vadd.f32 v29, v46;
	v55 =	vmul.f32 v47, v13  }
0x185: {  	[tilespmem:$0x1F430] =	vst v34;
	v34 =	vor.u32 s31, v63;
	v0 =	vnsel vm6, $0x0, v0;
	v5 =	vadd.f32 v44, v54  }
0x186: {  	v6 =	vadd.f32 v30, v6;
	v57 =	vmul.f32 v47, v22;
	v58 =	vmul.f32 v55, v4  }
0x187: {  	[tilespmem:$0x1F420] =	vst v60;
	v60 =	vmul.f32 v47, v17;
	v5 =	vadd.f32 v5, v56;
	vm10 =	vge.f32 v55, $1.250000000e-01  }
0x188: {  	[tilespmem:$0x1F410] =	vst v59;
	(erf) = vrcp.f32 v6;
	v61 =	vmul.f32 v57, v4;
	v59 =	vnsel vm10, $0x0, v58  }
0x189: {  	v15 =	vmul.f32 v47, v10;
	vm11 =	vge.f32 v57, $1.250000000e-01;
	v62 =	vadd.f32 v59, v5  }
0x18a: {  	v17 =	vmul.f32 v47, v27;
	v16 =	vmul.f32 v60, v4;
	v13 =	vnsel vm11, $0x0, v61  }
0x18b: {  	v22 =	vmul.f32 v47, v11;
	vm12 =	vge.f32 v60, $1.250000000e-01;
	v2 =	vadd.f32 v62, v13  }
0x18c: {  	v27 =	vmul.f32 v47, v14;
	v18 =	vmul.f32 v15, v4;
	v52 =	vnsel vm12, $0x0, v16  }
0x18d: {  	v7 =	vmul.f32 v47, v23;
	vm13 =	vge.f32 v15, $1.250000000e-01;
	v2 =	vadd.f32 v2, v52  }
0x18e: {  	v21 =	vmul.f32 v17, v4;
	vm14 =	vge.f32 v17, $1.250000000e-01;
	v51 =	vnsel vm13, $0x0, v18  }
0x18f: {  	vm15 =	vge.f32 v22, $1.250000000e-01;
	v24 =	vmul.f32 v22, v4;
	v2 =	vadd.f32 v2, v51  }
0x190: {  	[tilespmem:$0x1F3A0] =	vst v31;
	vm4 =	vge.f32 v27, $1.250000000e-01;
	v31 =	vmul.f32 v27, v4;
	v12 =	vnsel vm14, $0x0, v21  }
0x191: {  	vm5 =	vge.f32 v7, $1.250000000e-01;
	v4 =	vmul.f32 v7, v4;
	v32 =	vpop (erf);
	v2 =	vadd.f32 v2, v12  }
0x192: {  	v11 =	vnsel vm15, $0x0, v24;
	v21 =	vnsel vm4, $0x0, v31;
	v33 =	vmul.f32 v32, v19  }
0x193: {  	v37 =	vmul.f32 v32, v25;
	v5 =	vadd.f32 v2, v11;
	v2 =	vmul.u32 $0x48, v34  }
0x194: {  	[tilespmem:$0x1F400] =	vst v53;
	v18 =	vnsel vm5, $0x0, v4;
	v9 =	vmul.f32 v32, v9;
	v42 =	vmul.f32 v32, v20  }
0x195: {  	[tilespmem:$0x1F460] =	vst v54;
	v46 =	vmul.f32 v32, v28;
	v53 =	vmul.f32 v32, v26;
	v38 =	vadd.s32 $0x40, v2  }
0x196: {  	[tilespmem:$0x1F470] =	vst v56;
	v54 =	vmul.f32 v32, v29;
	v56 =	vmul.f32 v32, v30;
	v39 =	vadd.s32 $0x41, v2  }
0x197: {  	[tilespmem:$0x1F440] =	vst v40;
	vm7 =	vge.f32 v33, $1.250000000e-01;
	v36 =	vmul.f32 v33, v0;
	v40 =	vadd.s32 $0x42, v2  }
0x198: {  	[tilespmem:$0x1F450] =	vst v41;
	vm8 =	vge.f32 v37, $1.250000000e-01;
	v4 =	vmul.f32 v37, v0;
	v41 =	vadd.s32 $0x43, v2  }
0x199: {  	vm9 =	vge.f32 v9, $1.250000000e-01;
	v3 =	vadd.f32 v5, v21;
	v43 =	vor.u32 $0x1, v2;
	v28 =	vld.idx.msk [tilespmem:v2+s2+$0x0], $0xffff  }
0x19a: {  	v9 =	vmul.f32 v9, v0;
	vm10 =	vge.f32 v42, $1.250000000e-01;
	v44 =	vadd.s32 $0x44, v2;
	v20 =	vld.idx.msk [tilespmem:v38+s2+$0x0], $0xffff  }
0x19b: {  	vm11 =	vge.f32 v46, $1.250000000e-01;
	v47 =	vor.u32 $0x2, v2;
	v3 =	vadd.f32 v3, v18;
	v16 =	vld.idx.msk [tilespmem:v39+s2+$0x0], $0xffff  }
0x19c: {  	v14 =	vnsel vm7, $0x0, v36;
	v23 =	vnsel vm9, $0x0, v9;
	v48 =	vadd.s32 $0x45, v2;
	v9 =	vld.idx.msk [tilespmem:v40+s2+$0x0], $0xffff  }
0x19d: {  	[tilespmem:$0x1F3F0] =	vst v50;
	v49 =	vmul.f32 v46, v0;
	v50 =	vor.u32 $0x3, v2;
	v3 =	vadd.f32 v14, v3;
	v8 =	vld.idx.msk [tilespmem:v41+s2+$0x0], $0xffff  }
0x19e: {  	vm12 =	vge.f32 v53, $1.250000000e-01;
	v15 =	vnsel vm8, $0x0, v4;
	v55 =	vadd.s32 $0x46, v2;
	v22 =	vld.idx.msk [tilespmem:v43+s2+$0x0], $0xffff  }
0x19f: {  	v62 =	vmul.f32 v53, v0;
	v57 =	vor.u32 $0x4, v2;
	v7 =	vld.idx.msk [tilespmem:v44+s2+$0x0], $0xffff;
	v3 =	vadd.f32 v3, v15  }
0x1a0: {  	vm13 =	vge.f32 v54, $1.250000000e-01;
	v4 =	vmul.f32 v42, v0;
	v61 =	vor.u32 $0x5, v2;
	v30 =	vld.idx.msk [tilespmem:v47+s2+$0x0], $0xffff  }
0x1a1: {  	v26 =	vmul.f32 v54, v0;
	v46 =	vadd.s32 $0x9, v2;
	v6 =	vld.idx.msk [tilespmem:v48+s2+$0x0], $0xffff;
	v3 =	vadd.f32 v3, v23  }
0x1a2: {  	[tilespmem:$0x1F480] =	vst v59;
	v19 =	vnsel vm10, $0x0, v4;
	v31 =	vld.idx.msk [tilespmem:v50+s2+$0x0], $0xffff;
	v41 =	vor.u32 $0x6, v2;
	v59 =	vadd.f32 v16, v20  }
0x1a3: {  	v10 =	vnsel vm11, $0x0, v49;
	v4 =	vld.idx.msk [tilespmem:v55+s2+$0x0], $0xffff;
	v44 =	vadd.s32 $0x8, v2;
	v3 =	vadd.f32 v3, v19  }
0x1a4: {  	v58 =	vadd.s32 $0x47, v2;
	v37 =	vld.idx.msk [tilespmem:v57+s2+$0x0], $0xffff;
	v43 =	vadd.f32 v22, v28;
	v40 =	vadd.f32 v9, v59  }
0x1a5: {  	[tilespmem:$0x1F490] =	vst v13;
	v13 =	vnsel vm12, $0x0, v62;
	v42 =	vor.u32 $0x7, v2;
	v32 =	vld.idx.msk [tilespmem:v61+s2+$0x0], $0xffff;
	v60 =	vadd.f32 v3, v10  }
0x1a6: {  	[tilespmem:$0x1FA50] =	vst v34;
	v49 =	vadd.s32 $0xA, v2;
	v34 =	vld.idx.msk [tilespmem:v46+s2+$0x0], $0xffff;
	v36 =	vadd.f32 v30, v43;
	v25 =	vadd.f32 v8, v40  }
0x1a7: {  	v17 =	vnsel vm13, $0x0, v26;
	v0 =	vmul.f32 v56, v0;
	v33 =	vld.idx.msk [tilespmem:v41+s2+$0x0], $0xffff;
	v47 =	vadd.f32 v60, v13  }
0x1a8: {  	v53 =	vadd.s32 $0xB, v2;
	v29 =	vld.idx.msk [tilespmem:v44+s2+$0x0], $0xffff;
	v48 =	vadd.f32 v31, v36;
	v25 =	vadd.f32 v7, v25  }
0x1a9: {  	vm14 =	vge.f32 v56, $1.250000000e-01;
	v54 =	vadd.s32 $0xC, v2;
	v3 =	vld.idx.msk [tilespmem:v58+s2+$0x0], $0xffff;
	v26 =	vadd.f32 v47, v17  }
0x1aa: {  	v27 =	vld.idx.msk [tilespmem:v42+s2+$0x0], $0xffff;
	v61 =	vnsel vm14, $0x0, v0;
	v50 =	vadd.f32 v37, v48;
	v25 =	vadd.f32 v6, v25  }
0x1ab: {  	v36 =	vld.idx.msk [tilespmem:v49+s2+$0x0], $0xffff;
	v26 =	vadd.f32 v26, v61  }
0x1ac: {  	v0 =	vadd.f32 v32, v50;
	v25 =	vadd.f32 v4, v25  }
0x1ad: {  	v55 =	vadd.s32 $0xD, v2;
	v39 =	vld.idx.msk [tilespmem:v53+s2+$0x0], $0xffff;
	v57 =	vadd.f32 v34, v29  }
0x1ae: {  	v26 =	vmax.f32 v26, $9.999999710e-10;
	v0 =	vadd.f32 v33, v0;
	v25 =	vadd.f32 v3, v25  }
0x1af: {  	v38 =	vld.idx.msk [tilespmem:v54+s2+$0x0], $0xffff;
	(erf) = vrcp.f32 v26  }
0x1b0: {  	v58 =	vadd.f32 v36, v57;
	v0 =	vadd.f32 v27, v0;
	(erf) = vrcp.f32 v25  }
0x1b1: {  	v56 =	vadd.s32 $0xE, v2  }
0x1b2: {  	(erf) = vrcp.f32 v0;
	v0 =	vadd.f32 v39, v58  }
0x1b3: {  	v59 =	vadd.s32 $0xF, v2;
	v40 =	vld.idx.msk [tilespmem:v55+s2+$0x0], $0xffff  }
0x1b4: {  	v0 =	vadd.f32 v38, v0;
	_ =	sdelay $0x1  }
0x1b5: {  	v41 =	vld.idx.msk [tilespmem:v56+s2+$0x0], $0xffff;
	_ =	sdelay $0x1  }
0x1b6: {  	v42 =	vld.idx.msk [tilespmem:v59+s2+$0x0], $0xffff;
	v60 =	vadd.f32 v40, v0;
	v0 =	vpop (erf)  }
0x1b7: {  	v5 =	vpop (erf)  }
0x1b8: {  	v53 =	vadd.s32 $0x11, v2;
	v20 =	vmul.f32 v5, v20;
	v16 =	vmul.f32 v5, v16  }
0x1b9: {  	v25 =	vadd.f32 v41, v60;
	v9 =	vmul.f32 v5, v9;
	v8 =	vmul.f32 v5, v8  }
0x1ba: {  	v49 =	vadd.s32 $0x10, v2;
	v7 =	vmul.f32 v5, v7;
	v6 =	vmul.f32 v5, v6  }
0x1bb: {  	v25 =	vadd.f32 v42, v25;
	v62 =	vpop (erf);
	v4 =	vmul.f32 v5, v4;
	v3 =	vmul.f32 v5, v3  }
0x1bc: {  	v55 =	vadd.s32 $0x12, v2;
	v28 =	vmul.f32 v62, v28;
	v22 =	vmul.f32 v62, v22  }
0x1bd: {  	v57 =	vadd.s32 $0x13, v2;
	(erf) = vrcp.f32 v25;
	v46 =	vmul.f32 v62, v30  }
0x1be: {  	v48 =	vmul.f32 v62, v31;
	v37 =	vmul.f32 v62, v37;
	vm15 =	vge.f32 v20, $1.250000000e-01  }
0x1bf: {  	v32 =	vmul.f32 v62, v32;
	v33 =	vmul.f32 v62, v33;
	v20 =	vnsel vm15, $0x0, v20  }
0x1c0: {  	v26 =	vmul.f32 v62, v27;
	v62 =	vadd.s32 $0x14, v2;
	v44 =	vmul.f32 v28, v20  }
0x1c1: {  	v30 =	vld.idx.msk [tilespmem:v53+s2+$0x0], $0xffff;
	v53 =	vadd.s32 $0x15, v2;
	vm12 =	vge.f32 v16, $1.250000000e-01;
	vm4 =	vge.f32 v28, $1.250000000e-01  }
0x1c2: {  	vm5 =	vge.f32 v22, $1.250000000e-01;
	v22 =	vmul.f32 v22, v20;
	v47 =	vnsel vm4, $0x0, v44  }
0x1c3: {  	vm6 =	vge.f32 v46, $1.250000000e-01;
	vm7 =	vge.f32 v48, $1.250000000e-01;
	v54 =	vadd.f32 $0.0e+00, v47  }
0x1c4: {  	vm8 =	vge.f32 v37, $1.250000000e-01;
	v28 =	vmul.f32 v46, v20;
	v50 =	vnsel vm5, $0x0, v22  }
0x1c5: {  	vm9 =	vge.f32 v32, $1.250000000e-01;
	vm10 =	vge.f32 v33, $1.250000000e-01;
	v31 =	vadd.f32 v54, v50  }
0x1c6: {  	vm11 =	vge.f32 v26, $1.250000000e-01;
	v25 =	vmul.f32 v48, v20;
	v56 =	vnsel vm6, $0x0, v28;
	v28 =	vld.idx.msk [tilespmem:v49+s2+$0x0], $0xffff  }
0x1c7: {  	v60 =	vmul.f32 v37, v20;
	v32 =	vmul.f32 v32, v20;
	v59 =	vadd.f32 v31, v56  }
0x1c8: {  	v37 =	vld.idx.msk [tilespmem:v55+s2+$0x0], $0xffff;
	v33 =	vmul.f32 v33, v20;
	v55 =	vadd.s32 $0x18, v2;
	v58 =	vnsel vm7, $0x0, v25  }
0x1c9: {  	v20 =	vmul.f32 v26, v20;
	[tilespmem:$0x1FAA0] =	vst v56;
	v54 =	vadd.s32 $0x16, v2;
	v25 =	vadd.f32 v59, v58  }
0x1ca: {  	v1 =	vld.idx.msk [tilespmem:v57+s2+$0x0], $0xffff;
	v48 =	vnsel vm12, $0x0, v16;
	[tilespmem:$0x1FAC0] =	vst v58;
	v56 =	vnsel vm8, $0x0, v60;
	v58 =	vadd.s32 $0x19, v2  }
0x1cb: {  	v43 =	vld.idx.msk [tilespmem:v53+s2+$0x0], $0xffff;
	v53 =	vnsel vm10, $0x0, v33;
	v57 =	vadd.f32 v30, v28;
	v25 =	vadd.f32 v25, v56  }
0x1cc: {  	v46 =	vpop (erf);
	v31 =	vld.idx.msk [tilespmem:v62+s2+$0x0], $0xffff;
	v60 =	vadd.s32 $0x17, v2;
	v62 =	vadd.s32 $0x1A, v2;
	v59 =	vnsel vm9, $0x0, v32  }
0x1cd: {  	v26 =	vld.idx.msk [tilespmem:v55+s2+$0x0], $0xffff;
	v29 =	vmul.f32 v46, v29;
	v22 =	vadd.f32 v37, v57;
	v25 =	vadd.f32 v25, v59  }
0x1ce: {  	v34 =	vmul.f32 v46, v34;
	v36 =	vmul.f32 v46, v36;
	v33 =	vld.idx.msk [tilespmem:v54+s2+$0x0], $0xffff;
	v54 =	vadd.s32 $0x1B, v2  }
0x1cf: {  	v55 =	vnsel vm11, $0x0, v20;
	[tilespmem:$0x1FAE0] =	vst v56;
	v22 =	vadd.f32 v1, v22;
	v20 =	vld.idx.msk [tilespmem:v58+s2+$0x0], $0xffff;
	v56 =	vadd.f32 v25, v53  }
0x1d0: {  	v38 =	vmul.f32 v46, v38;
	v57 =	vmul.f32 v29, v48;
	v58 =	vadd.s32 $0x1C, v2  }
0x1d1: {  	vm13 =	vge.f32 v29, $1.250000000e-01;
	v22 =	vadd.f32 v31, v22;
	v25 =	vld.idx.msk [tilespmem:v62+s2+$0x0], $0xffff;
	v16 =	vadd.f32 v56, v55  }
0x1d2: {  	v40 =	vmul.f32 v46, v40;
	[tilespmem:$0x1FAF0] =	vst v59;
	v32 =	vld.idx.msk [tilespmem:v60+s2+$0x0], $0xffff;
	v60 =	vadd.s32 $0x1D, v2;
	v59 =	vnsel vm13, $0x0, v57  }
0x1d3: {  	v41 =	vmul.f32 v46, v41;
	v22 =	vadd.f32 v43, v22;
	v62 =	vadd.f32 v59, v16;
	v16 =	vld.idx.msk [tilespmem:v54+s2+$0x0], $0xffff  }
0x1d4: {  	[tilespmem:$0x1FB10] =	vst v55;
	v42 =	vmul.f32 v46, v42;
	v54 =	vadd.s32 $0x1E, v2;
	v55 =	vadd.f32 v20, v26  }
0x1d5: {  	[tilespmem:$0x1FB00] =	vst v53;
	vm14 =	vge.f32 v34, $1.250000000e-01;
	v34 =	vmul.f32 v34, v48;
	v53 =	vadd.f32 v33, v22;
	v22 =	vld.idx.msk [tilespmem:v58+s2+$0x0], $0xffff  }
0x1d6: {  	vm15 =	vge.f32 v36, $1.250000000e-01;
	v57 =	vadd.s32 $0x1F, v2;
	v56 =	vadd.f32 v25, v55  }
0x1d7: {  	vm5 =	vge.f32 v38, $1.250000000e-01;
	v38 =	vmul.f32 v38, v48;
	v27 =	vld.idx.msk [tilespmem:v60+s2+$0x0], $0xffff;
	v44 =	vadd.f32 v32, v53  }
0x1d8: {  	vm6 =	vge.f32 v40, $1.250000000e-01;
	[tilespmem:$0x1FB20] =	vst v59;
	v59 =	vmul.f32 v36, v48;
	v60 =	vadd.f32 v16, v56  }
0x1d9: {  	v58 =	vnsel vm14, $0x0, v34;
	(erf) = vrcp.f32 v44;
	v44 =	vmul.f32 v46, v39;
	v39 =	vld.idx.msk [tilespmem:v54+s2+$0x0], $0xffff  }
0x1da: {  	[tilespmem:$0x1FA90] =	vst v50;
	v50 =	vmul.f32 v40, v48;
	v29 =	vadd.f32 v62, v58;
	v36 =	vadd.f32 v22, v60  }
0x1db: {  	v62 =	vnsel vm15, $0x0, v59;
	vm4 =	vge.f32 v44, $1.250000000e-01;
	v34 =	vmul.f32 v44, v48;
	v44 =	vld.idx.msk [tilespmem:v57+s2+$0x0], $0xffff  }
0x1dc: {  	vm7 =	vge.f32 v41, $1.250000000e-01;
	v29 =	vadd.f32 v29, v62;
	v36 =	vadd.f32 v27, v36  }
0x1dd: {  	vm8 =	vge.f32 v42, $1.250000000e-01;
	vm9 =	vge.f32 v9, $1.250000000e-01;
	v34 =	vnsel vm4, $0x0, v34  }
0x1de: {  	v9 =	vnsel vm9, $0x0, v9;
	v29 =	vadd.f32 v29, v34;
	v49 =	vadd.f32 v39, v36  }
0x1df: {  	[tilespmem:$0x1FA70] =	vst v47;
	v47 =	vnsel vm5, $0x0, v38;
	vm5 =	vge.f32 v8, $1.250000000e-01;
	v53 =	vmul.f32 v41, v48  }
0x1e0: {  	v8 =	vnsel vm5, $0x0, v8;
	[tilespmem:$0x1FB50] =	vst v34;
	v29 =	vadd.f32 v29, v47;
	v34 =	vadd.f32 v44, v49  }
0x1e1: {  	v55 =	vnsel vm6, $0x0, v50;
	v38 =	vnsel vm7, $0x0, v53;
	v59 =	vadd.s32 $0x22, v2  }
0x1e2: {  	v50 =	vadd.s32 $0x23, v2;
	v54 =	vmul.f32 v42, v48;
	v29 =	vadd.f32 v29, v55  }
0x1e3: {  	[tilespmem:$0x1FB60] =	vst v47;
	v57 =	vadd.s32 $0x21, v2;
	v56 =	vadd.s32 $0x20, v2;
	v42 =	vadd.s32 $0x2A, v2  }
0x1e4: {  	[tilespmem:$0x1FB30] =	vst v58;
	v58 =	vnsel vm8, $0x0, v54;
	v29 =	vadd.f32 v29, v38;
	(erf) = vrcp.f32 v34;
	v34 =	vpop (erf)  }
0x1e5: {  	[tilespmem:$0x1FB70] =	vst v55;
	v47 =	vadd.s32 $0x27, v2;
	v55 =	vadd.s32 $0x24, v2;
	v30 =	vmul.f32 v34, v30  }
0x1e6: {  	v48 =	vadd.f32 v29, v58;
	v28 =	vmul.f32 v34, v28;
	v37 =	vmul.f32 v34, v37  }
0x1e7: {  	[tilespmem:$0x1FB80] =	vst v38;
	v53 =	vmul.f32 v34, v1;
	vm11 =	vge.f32 v30, $1.250000000e-01;
	v30 =	vmul.f32 v30, v9  }
0x1e8: {  	[tilespmem:$0x1FB90] =	vst v58;
	v38 =	vld.idx.msk [tilespmem:v57+s2+$0x0], $0xffff;
	v58 =	vadd.s32 $0x25, v2;
	v31 =	vmul.f32 v34, v31;
	v54 =	vmul.f32 v34, v43  }
0x1e9: {  	[tilespmem:$0x1FB40] =	vst v62;
	vm10 =	vge.f32 v28, $1.250000000e-01;
	v28 =	vmul.f32 v28, v9;
	v62 =	vnsel vm11, $0x0, v30;
	v30 =	vld.idx.msk [tilespmem:v56+s2+$0x0], $0xffff  }
0x1ea: {  	v33 =	vmul.f32 v34, v33;
	v32 =	vmul.f32 v34, v32;
	vm12 =	vge.f32 v37, $1.250000000e-01  }
0x1eb: {  	v29 =	vld.idx.msk [tilespmem:v59+s2+$0x0], $0xffff;
	v49 =	vmul.f32 v37, v9;
	vm13 =	vge.f32 v53, $1.250000000e-01;
	v60 =	vnsel vm10, $0x0, v28  }
0x1ec: {  	v57 =	vmul.f32 v53, v9;
	vm14 =	vge.f32 v31, $1.250000000e-01;
	v28 =	vadd.f32 v60, v48  }
0x1ed: {  	v36 =	vld.idx.msk [tilespmem:v50+s2+$0x0], $0xffff;
	v31 =	vmul.f32 v31, v9;
	vm15 =	vge.f32 v54, $1.250000000e-01;
	v41 =	vmul.f32 v54, v9;
	[tilespmem:$0x1FBA0] =	vst v60  }
0x1ee: {  	[tilespmem:$0x1FBB0] =	vst v62;
	v60 =	vadd.s32 $0x26, v2;
	v28 =	vadd.f32 v28, v62;
	v62 =	vadd.f32 v38, v30  }
0x1ef: {  	vm4 =	vge.f32 v33, $1.250000000e-01;
	v33 =	vmul.f32 v33, v9;
	v46 =	vnsel vm14, $0x0, v31;
	v31 =	vld.idx.msk [tilespmem:v55+s2+$0x0], $0xffff  }
0x1f0: {  	v37 =	vld.idx.msk [tilespmem:v58+s2+$0x0], $0xffff;
	v9 =	vmul.f32 v32, v9;
	vm6 =	vge.f32 v32, $1.250000000e-01;
	v40 =	vadd.f32 v29, v62  }
0x1f1: {  	v32 =	vld.idx.msk [tilespmem:v47+s2+$0x0], $0xffff;
	v58 =	vadd.s32 $0x28, v2;
	v47 =	vadd.s32 $0x2B, v2;
	v56 =	vnsel vm12, $0x0, v49  }
0x1f2: {  	v59 =	vnsel vm13, $0x0, v57;
	v28 =	vadd.f32 v28, v56;
	v40 =	vadd.f32 v36, v40  }
0x1f3: {  	v49 =	vnsel vm4, $0x0, v33;
	v53 =	vnsel vm6, $0x0, v9;
	vm4 =	vge.f32 v7, $1.250000000e-01;
	v50 =	vpop (erf);
	v33 =	vld.idx.msk [tilespmem:v60+s2+$0x0], $0xffff  }
0x1f4: {  	v26 =	vmul.f32 v50, v26;
	v28 =	vadd.f32 v28, v59;
	v40 =	vadd.f32 v31, v40  }
0x1f5: {  	v48 =	vnsel vm15, $0x0, v41;
	v20 =	vmul.f32 v50, v20;
	v25 =	vmul.f32 v50, v25  }
0x1f6: {  	v22 =	vmul.f32 v50, v22;
	v28 =	vadd.f32 v28, v46;
	v54 =	vadd.f32 v37, v40  }
0x1f7: {  	v7 =	vnsel vm4, $0x0, v7;
	v43 =	vmul.f32 v50, v27;
	v34 =	vmul.f32 v50, v44  }
0x1f8: {  	v55 =	vmul.f32 v26, v8;
	v28 =	vadd.f32 v28, v48;
	v9 =	vadd.f32 v33, v54  }
0x1f9: {  	vm7 =	vge.f32 v26, $1.250000000e-01;
	vm8 =	vge.f32 v20, $1.250000000e-01;
	v20 =	vmul.f32 v20, v8  }
0x1fa: {  	[tilespmem:$0x1FBD0] =	vst v59;
	v59 =	vadd.s32 $0x29, v2;
	v28 =	vadd.f32 v28, v49;
	v9 =	vadd.f32 v32, v9  }
0x1fb: {  	vm9 =	vge.f32 v25, $1.250000000e-01;
	v25 =	vmul.f32 v25, v8;
	vm11 =	vge.f32 v22, $1.250000000e-01  }
0x1fc: {  	[tilespmem:$0x1FBC0] =	vst v56;
	v22 =	vmul.f32 v22, v8;
	v56 =	vadd.f32 v28, v53;
	(erf) = vrcp.f32 v9  }
0x1fd: {  	vm12 =	vge.f32 v43, $1.250000000e-01;
	vm14 =	vge.f32 v34, $1.250000000e-01;
	v57 =	vnsel vm7, $0x0, v55  }
0x1fe: {  	v27 =	vld.idx.msk [tilespmem:v58+s2+$0x0], $0xffff;
	v60 =	vmul.f32 v50, v16;
	v20 =	vnsel vm8, $0x0, v20;
	v26 =	vadd.f32 v57, v56  }
0x1ff: {  	[tilespmem:$0x1FBE0] =	vst v46;
	v62 =	vnsel vm9, $0x0, v25;
	v25 =	vmul.f32 v43, v8;
	v46 =	vmul.f32 v50, v39;
	v16 =	vld.idx.msk [tilespmem:v59+s2+$0x0], $0xffff  }
0x200: {  	[tilespmem:$0x1FC10] =	vst v53;
	vm10 =	vge.f32 v60, $1.250000000e-01;
	v53 =	vadd.s32 $0x2D, v2;
	v41 =	vadd.f32 v26, v20  }
0x201: {  	[tilespmem:$0x1FC00] =	vst v49;
	v50 =	vadd.s32 $0x2C, v2;
	vm13 =	vge.f32 v46, $1.250000000e-01;
	v9 =	vmul.f32 v60, v8  }
0x202: {  	[tilespmem:$0x1FC30] =	vst v20;
	v59 =	vadd.s32 $0x2F, v2;
	v54 =	vadd.s32 $0x2E, v2;
	v20 =	vld.idx.msk [tilespmem:v42+s2+$0x0], $0xffff;
	v49 =	vadd.f32 v41, v62  }
0x203: {  	[tilespmem:$0x1FBF0] =	vst v48;
	v56 =	vnsel vm11, $0x0, v22;
	vm11 =	vge.f32 v6, $1.250000000e-01;
	v48 =	vnsel vm10, $0x0, v9  }
0x204: {  	v28 =	vld.idx.msk [tilespmem:v47+s2+$0x0], $0xffff;
	v55 =	vadd.f32 v16, v27;
	v6 =	vnsel vm11, $0x0, v6;
	v9 =	vadd.f32 v49, v48  }
0x205: {  	v26 =	vmul.f32 v46, v8;
	v8 =	vmul.f32 v34, v8;
	v60 =	vnsel vm12, $0x0, v25;
	v25 =	vld.idx.msk [tilespmem:v53+s2+$0x0], $0xffff;
	v34 =	vpop (erf)  }
0x206: {  	[tilespmem:$0x1FC20] =	vst v57;
	v53 =	vadd.s32 $0x31, v2;
	v9 =	vadd.f32 v9, v56;
	v57 =	vmul.f32 v34, v30;
	v30 =	vld.idx.msk [tilespmem:v50+s2+$0x0], $0xffff  }
0x207: {  	[tilespmem:$0x1FC40] =	vst v62;
	v62 =	vnsel vm13, $0x0, v26;
	v47 =	vnsel vm14, $0x0, v8;
	v58 =	vadd.f32 v20, v55  }
0x208: {  	[tilespmem:$0x1FC60] =	vst v56;
	v56 =	vadd.s32 $0x32, v2;
	v9 =	vadd.f32 v9, v60;
	v22 =	vmul.f32 v57, v7  }
0x209: {  	v46 =	vadd.f32 v28, v58;
	v58 =	vadd.s32 $0x34, v2;
	vm15 =	vge.f32 v57, $1.250000000e-01  }
0x20a: {  	[tilespmem:$0x1FC50] =	vst v48;
	v49 =	vmul.f32 v34, v38;
	v9 =	vadd.f32 v9, v62;
	v48 =	vnsel vm15, $0x0, v22;
	v22 =	vld.idx.msk [tilespmem:v54+s2+$0x0], $0xffff  }
0x20b: {  	v29 =	vmul.f32 v34, v29;
	v55 =	vmul.f32 v34, v36;
	v26 =	vadd.f32 v30, v46  }
0x20c: {  	v39 =	vld.idx.msk [tilespmem:v59+s2+$0x0], $0xffff;
	v50 =	vadd.s32 $0x30, v2;
	v31 =	vmul.f32 v34, v31;
	v37 =	vmul.f32 v34, v37  }
0x20d: {  	v33 =	vmul.f32 v34, v33;
	v32 =	vmul.f32 v34, v32;
	v26 =	vadd.f32 v25, v26  }
0x20e: {  	[tilespmem:$0x1FC80] =	vst v62;
	v62 =	vadd.s32 $0x35, v2;
	vm4 =	vge.f32 v49, $1.250000000e-01;
	v9 =	vadd.f32 v9, v47  }
0x20f: {  	v8 =	vmul.f32 v49, v7;
	vm5 =	vge.f32 v29, $1.250000000e-01;
	v26 =	vadd.f32 v22, v26  }
0x210: {  	v40 =	vld.idx.msk [tilespmem:v53+s2+$0x0], $0xffff;
	v29 =	vmul.f32 v29, v7;
	v57 =	vadd.s32 $0x33, v2;
	v9 =	vadd.f32 v48, v9  }
0x211: {  	vm6 =	vge.f32 v55, $1.250000000e-01;
	v54 =	vnsel vm4, $0x0, v8;
	v38 =	vld.idx.msk [tilespmem:v50+s2+$0x0], $0xffff;
	v26 =	vadd.f32 v39, v26  }
0x212: {  	vm7 =	vge.f32 v31, $1.250000000e-01;
	v24 =	vmul.f32 v31, v7;
	v9 =	vadd.f32 v9, v54  }
0x213: {  	v8 =	vmul.f32 v55, v7;
	v59 =	vnsel vm5, $0x0, v29;
	(erf) = vrcp.f32 v26;
	v26 =	vld.idx.msk [tilespmem:v56+s2+$0x0], $0xffff  }
0x214: {  	vm8 =	vge.f32 v37, $1.250000000e-01;
	v37 =	vmul.f32 v37, v7;
	v9 =	vadd.f32 v9, v59  }
0x215: {  	[tilespmem:$0x1FC70] =	vst v60;
	vm9 =	vge.f32 v33, $1.250000000e-01;
	v33 =	vmul.f32 v33, v7;
	v60 =	vnsel vm6, $0x0, v8;
	v31 =	vld.idx.msk [tilespmem:v57+s2+$0x0], $0xffff  }
0x216: {  	[tilespmem:$0x1FC90] =	vst v47;
	v46 =	vadd.s32 $0x36, v2;
	v47 =	vadd.f32 v40, v38;
	v9 =	vadd.f32 v9, v60  }
0x217: {  	v41 =	vld.idx.msk [tilespmem:v58+s2+$0x0], $0xffff;
	vm10 =	vge.f32 v32, $1.250000000e-01;
	v58 =	vadd.s32 $0x3A, v2;
	v49 =	vnsel vm7, $0x0, v24  }
0x218: {  	[tilespmem:$0x1FCA0] =	vst v48;
	v48 =	vadd.s32 $0x37, v2;
	v9 =	vadd.f32 v9, v49;
	v36 =	vadd.f32 v26, v47  }
0x219: {  	v7 =	vmul.f32 v32, v7;
	v37 =	vnsel vm8, $0x0, v37;
	vm8 =	vge.f32 v4, $1.250000000e-01;
	v8 =	vld.idx.msk [tilespmem:v62+s2+$0x0], $0xffff  }
0x21a: {  	v50 =	vnsel vm9, $0x0, v33;
	v9 =	vadd.f32 v9, v37;
	v53 =	vadd.f32 v31, v36  }
0x21b: {  	[tilespmem:$0x1FCB0] =	vst v54;
	v4 =	vnsel vm8, $0x0, v4;
	v55 =	vnsel vm10, $0x0, v7;
	v54 =	vadd.s32 $0x38, v2;
	v32 =	vld.idx.msk [tilespmem:v46+s2+$0x0], $0xffff  }
0x21c: {  	v57 =	vadd.s32 $0x39, v2;
	v9 =	vadd.f32 v9, v50;
	v56 =	vadd.f32 v41, v53;
	v29 =	vpop (erf)  }
0x21d: {  	[tilespmem:$0x1FCC0] =	vst v59;
	v62 =	vadd.s32 $0x3C, v2;
	v59 =	vadd.s32 $0x3B, v2;
	v36 =	vld.idx.msk [tilespmem:v48+s2+$0x0], $0xffff;
	v27 =	vmul.f32 v29, v27  }
0x21e: {  	v47 =	vadd.s32 $0x3D, v2;
	v9 =	vadd.f32 v9, v55;
	v7 =	vadd.f32 v8, v56  }
0x21f: {  	v53 =	vadd.s32 $0x3E, v2;
	vm12 =	vge.f32 v27, $1.250000000e-01;
	v27 =	vmul.f32 v27, v6  }
0x220: {  	[tilespmem:$0x1FD00] =	vst v50;
	v33 =	vld.idx.msk [tilespmem:v54+s2+$0x0], $0xffff;
	v2 =	vadd.s32 $0x3F, v2;
	v16 =	vmul.f32 v29, v16;
	v7 =	vadd.f32 v32, v7  }
0x221: {  	[tilespmem:$0x1FCD0] =	vst v60;
	v20 =	vmul.f32 v29, v20;
	v50 =	vmul.f32 v29, v28;
	v60 =	vnsel vm12, $0x0, v27;
	v27 =	vld.idx.msk [tilespmem:v57+s2+$0x0], $0xffff  }
0x222: {  	vm13 =	vge.f32 v16, $1.250000000e-01;
	v16 =	vmul.f32 v16, v6;
	v7 =	vadd.f32 v36, v7  }
0x223: {  	[tilespmem:$0x1FCF0] =	vst v37;
	v37 =	vld.idx.msk [tilespmem:v58+s2+$0x0], $0xffff;
	vm14 =	vge.f32 v20, $1.250000000e-01;
	v20 =	vmul.f32 v20, v6;
	v46 =	vadd.f32 v60, v9  }
0x224: {  	v30 =	vmul.f32 v29, v30;
	v48 =	vnsel vm13, $0x0, v16;
	(erf) = vrcp.f32 v7  }
0x225: {  	[tilespmem:$0x1FCE0] =	vst v49;
	v22 =	vmul.f32 v29, v22;
	v49 =	vnsel vm14, $0x0, v20;
	v20 =	vld.idx.msk [tilespmem:v59+s2+$0x0], $0xffff;
	v7 =	vadd.f32 v46, v48  }
0x226: {  	v28 =	vor.u32 s10, v63;
	v16 =	vmul.f32 v50, v6;
	v54 =	vadd.f32 v27, v33  }
0x227: {  	v34 =	vld.idx.msk [tilespmem:v62+s2+$0x0], $0xffff;
	vm15 =	vge.f32 v50, $1.250000000e-01;
	v56 =	vmul.f32 v30, v6;
	v7 =	vadd.f32 v7, v49  }
0x228: {  	[tilespmem:$0x1FD10] =	vst v55;
	v59 =	vmul.f32 v29, v25;
	v55 =	vnsel vm15, $0x0, v16;
	v42 =	vadd.f32 v37, v54  }
0x229: {  	vm4 =	vge.f32 v30, $1.250000000e-01;
	vm6 =	vge.f32 v22, $1.250000000e-01;
	v9 =	vld.idx.msk [tilespmem:v47+s2+$0x0], $0xffff;
	v7 =	vadd.f32 v7, v55  }
0x22a: {  	v58 =	vnsel vm4, $0x0, v56;
	v16 =	vmul.f32 v59, v6;
	v57 =	vadd.f32 v20, v42  }
0x22b: {  	v25 =	vld.idx.msk [tilespmem:v53+s2+$0x0], $0xffff;
	[tilespmem:$0x1FD20] =	vst v60;
	v60 =	vmul.f32 v29, v39;
	vm5 =	vge.f32 v59, $1.250000000e-01;
	v7 =	vadd.f32 v7, v58  }
0x22c: {  	v24 =	vmul.f32 v22, v6;
	v16 =	vnsel vm5, $0x0, v16;
	v62 =	vadd.f32 v34, v57  }
0x22d: {  	v30 =	vld.idx.msk [tilespmem:v2+s2+$0x0], $0xffff;
	vm7 =	vge.f32 v60, $1.250000000e-01;
	v6 =	vmul.f32 v60, v6;
	v43 =	vadd.f32 v7, v16;
	v46 =	vpop (erf)  }
0x22e: {  	[tilespmem:$0x1FD30] =	vst v48;
	v42 =	vnsel vm6, $0x0, v24;
	v39 =	vadd.f32 v9, v62;
	v48 =	vmul.f32 v46, v38  }
0x22f: {  	vm5 =	vge.f32 v3, $1.250000000e-01;
	v47 =	vnsel vm7, $0x0, v6;
	v2 =	vadd.f32 v43, v42  }
0x230: {  	[tilespmem:$0x1FD40] =	vst v49;
	v49 =	vmul.f32 v46, v40;
	v44 =	vadd.f32 v25, v39;
	v6 =	vmul.f32 v48, v4  }
0x231: {  	v50 =	vmul.f32 v46, v26;
	vm9 =	vge.f32 v48, $1.250000000e-01;
	v2 =	vadd.f32 v2, v47  }
0x232: {  	v54 =	vmul.f32 v49, v4;
	v7 =	vadd.f32 v30, v44;
	v53 =	vnsel vm9, $0x0, v6  }
0x233: {  	[tilespmem:$0x1FD50] =	vst v55;
	v55 =	vmul.f32 v46, v31;
	vm10 =	vge.f32 v49, $1.250000000e-01;
	v2 =	vadd.f32 v53, v2  }
0x234: {  	v26 =	vmul.f32 v50, v4;
	v56 =	vnsel vm10, $0x0, v54;
	(erf) = vrcp.f32 v7  }
0x235: {  	v22 =	vnsel vm5, $0x0, v3;
	vm11 =	vge.f32 v50, $1.250000000e-01;
	v2 =	vadd.f32 v2, v56  }
0x236: {  	[tilespmem:$0x1FD60] =	vst v58;
	v57 =	vmul.f32 v46, v41;
	v59 =	vmul.f32 v55, v4;
	v58 =	vnsel vm11, $0x0, v26  }
0x237: {  	v8 =	vmul.f32 v46, v8;
	vm12 =	vge.f32 v55, $1.250000000e-01;
	v2 =	vadd.f32 v2, v58  }
0x238: {  	v60 =	vmul.f32 v46, v32;
	v6 =	vmul.f32 v57, v4;
	v62 =	vnsel vm12, $0x0, v59  }
0x239: {  	[tilespmem:$0x1FD70] =	vst v16;
	v16 =	vmul.f32 v46, v36;
	vm13 =	vge.f32 v57, $1.250000000e-01;
	v2 =	vadd.f32 v2, v62  }
0x23a: {  	vm14 =	vge.f32 v8, $1.250000000e-01;
	v26 =	vmul.f32 v8, v4;
	v24 =	vnsel vm13, $0x0, v6  }
0x23b: {  	vm15 =	vge.f32 v60, $1.250000000e-01;
	v29 =	vmul.f32 v60, v4;
	v2 =	vadd.f32 v2, v24  }
0x23c: {  	v4 =	vmul.f32 v16, v4;
	[tilespmem:$0x1FDA0] =	vst v53;
	v53 =	vmul.u32 $0x48, v28;
	v31 =	vnsel vm14, $0x0, v26  }
0x23d: {  	vm4 =	vge.f32 v16, $1.250000000e-01;
	v38 =	vnsel vm15, $0x0, v29;
	v5 =	vpop (erf);
	v2 =	vadd.f32 v2, v31  }
0x23e: {  	v41 =	vnsel vm4, $0x0, v4;
	v36 =	vadd.s32 $0x41, v53;
	v32 =	vmul.f32 v5, v33  }
0x23f: {  	v40 =	vadd.s32 $0x42, v53;
	v33 =	vadd.s32 $0x40, v53;
	v2 =	vadd.f32 v2, v38  }
0x240: {  	[tilespmem:$0x1FD90] =	vst v47;
	v46 =	vadd.s32 $0x43, v53;
	v39 =	vmul.f32 v5, v27;
	v3 =	vmul.f32 v32, v22  }
0x241: {  	[tilespmem:$0x1FD80] =	vst v42;
	v48 =	vadd.s32 $0x44, v53;
	vm6 =	vge.f32 v32, $1.250000000e-01;
	v44 =	vadd.f32 v2, v41  }
0x242: {  	[tilespmem:$0x1FDD0] =	vst v62;
	v43 =	vmul.f32 v5, v37;
	v6 =	vmul.f32 v39, v22;
	v42 =	vnsel vm6, $0x0, v3  }
0x243: {  	[tilespmem:$0x1FDE0] =	vst v24;
	v62 =	vadd.s32 $0x45, v53;
	v24 =	vld.idx.msk [tilespmem:v36+s2+$0x0], $0xffff;
	vm7 =	vge.f32 v39, $1.250000000e-01;
	v47 =	vadd.f32 v42, v44  }
0x244: {  	v20 =	vmul.f32 v5, v20;
	v4 =	vmul.f32 v43, v22;
	v49 =	vnsel vm7, $0x0, v6;
	v3 =	vld.idx.msk [tilespmem:v33+s2+$0x0], $0xffff  }
0x245: {  	v60 =	vmul.f32 v5, v34;
	vm8 =	vge.f32 v43, $1.250000000e-01;
	v6 =	vadd.f32 v47, v49  }
0x246: {  	[tilespmem:$0x1FDB0] =	vst v56;
	v56 =	vld.idx.msk [tilespmem:v40+s2+$0x0], $0xffff;
	vm9 =	vge.f32 v20, $1.250000000e-01;
	v20 =	vmul.f32 v20, v22;
	v50 =	vnsel vm8, $0x0, v4  }
0x247: {  	v63 =	vadd.s32 $0x46, v53;
	v39 =	vor.u32 $0x1, v53;
	v6 =	vadd.f32 v6, v50  }
0x248: {  	v57 =	vld.idx.msk [tilespmem:v46+s2+$0x0], $0xffff;
	v29 =	vmul.f32 v5, v9;
	v4 =	vmul.f32 v60, v22;
	v20 =	vnsel vm9, $0x0, v20  }
0x249: {  	[tilespmem:$0x1FE80] =	vst v28;
	v59 =	vld.idx.msk [tilespmem:v48+s2+$0x0], $0xffff;
	vm10 =	vge.f32 v60, $1.250000000e-01;
	v16 =	vadd.f32 v24, v3;
	v6 =	vadd.f32 v6, v20  }
0x24a: {  	[tilespmem:$0x1FDF0] =	vst v31;
	v25 =	vmul.f32 v5, v25;
	v33 =	vld.idx.msk [tilespmem:v62+s2+$0x0], $0xffff;
	v28 =	vnsel vm10, $0x0, v4;
	v4 =	vmul.f32 v29, v22  }
0x24b: {  	vm11 =	vge.f32 v29, $1.250000000e-01;
	[tilespmem:$0x1FE40] =	vst v50;
	v50 =	vld [tilespmem:$0x1EF90];
	v31 =	vadd.f32 v56, v16;
	v6 =	vadd.f32 v6, v28  }
0x24c: {  	v5 =	vmul.f32 v5, v30;
	v37 =	vmul.f32 v25, v22;
	v36 =	vnsel vm11, $0x0, v4;
	v4 =	vld.idx.msk [tilespmem:v39+s2+$0x0], $0xffff  }
0x24d: {  	[tilespmem:$0x1FE00] =	vst v38;
	vm12 =	vge.f32 v25, $1.250000000e-01;
	v39 =	vld [tilespmem:$0x1EFE0];
	v34 =	vadd.f32 v57, v31;
	v6 =	vadd.f32 v6, v36  }
0x24e: {  	[tilespmem:$0x1FE10] =	vst v41;
	v48 =	vor.u32 $0x3, v53;
	v38 =	vld.idx.msk [tilespmem:v63+s2+$0x0], $0xffff;
	v40 =	vnsel vm12, $0x0, v37  }
0x24f: {  	v41 =	vmul.f32 v5, v22;
	[tilespmem:$0x1FE90] =	vst v40;
	v7 =	vadd.f32 v59, v34;
	v43 =	vadd.f32 v6, v40;
	v40 =	vld [tilespmem:$0x1EFF0]  }
0x250: {  	vm13 =	vge.f32 v5, $1.250000000e-01;
	v1 =	vmul.f32 v35, v50  }
0x251: {  	v46 =	vnsel vm13, $0x0, v41;
	v41 =	vld [tilespmem:$0x1F000];
	v47 =	vor.u32 $0x2, v53;
	v44 =	vadd.f32 v33, v7  }
0x252: {  	v54 =	vld [tilespmem:$0x1EFA0];
	[tilespmem:$0x1F4A0] =	vst v1;
	v1 =	vmul.f32 v35, v39  }
0x253: {  	[tilespmem:$0x1FE30] =	vst v49;
	v6 =	vadd.f32 v38, v44;
	v44 =	vld [tilespmem:$0x1F010]  }
0x254: {  	v26 =	vld.idx.msk [tilespmem:v48+s2+$0x0], $0xffff;
	v32 =	vadd.s32 $0x47, v53;
	[tilespmem:$0x1F4B0] =	vst v1;
	v1 =	vmul.f32 v35, v40  }
0x255: {  	[tilespmem:$0x1FEA0] =	vst v46;
	v49 =	vor.u32 $0x4, v53;
	v5 =	vadd.f32 v43, v46;
	v46 =	vld [tilespmem:$0x1F020]  }
0x256: {  	v25 =	vld.idx.msk [tilespmem:v47+s2+$0x0], $0xffff;
	[tilespmem:$0x1F4C0] =	vst v1;
	v1 =	vmul.f32 v35, v41  }
0x257: {  	v47 =	vld [tilespmem:$0x1F030]  }
0x258: {  	v48 =	vld [tilespmem:$0x1F040];
	[tilespmem:$0x1F4D0] =	vst v1;
	v1 =	vmul.f32 v35, v44  }
0x259: {  	[tilespmem:$0x1FE20] =	vst v42;
	v42 =	vld.idx.msk [tilespmem:v32+s2+$0x0], $0xffff  }
0x25a: {  	v31 =	vld.idx.msk [tilespmem:v49+s2+$0x0], $0xffff;
	[tilespmem:$0x1F4E0] =	vst v1;
	v1 =	vmul.f32 v35, v46  }
0x25b: {  	v55 =	vor.u32 $0x5, v53;
	v49 =	vld [tilespmem:$0x1F050]  }
0x25c: {  	[tilespmem:$0x1F4F0] =	vst v1;
	v1 =	vmul.f32 v35, v47  }
0x25d: {  	[tilespmem:$0x1FDC0] =	vst v58;
	v50 =	vld [tilespmem:$0x1F060]  }
0x25e: {  	v7 =	vld [tilespmem:$0x1EFB0];
	[tilespmem:$0x1F500] =	vst v1;
	v1 =	vmul.f32 v35, v48  }
0x25f: {  	v58 =	vmul.f32 v35, v54;
	v54 =	vld [tilespmem:$0x1F070];
	[tilespmem:$0x1F770] =	vst v33  }
0x260: {  	v33 =	vld.idx.msk [tilespmem:v55+s2+$0x0], $0xffff;
	v5 =	vmax.f32 v5, $9.999999710e-10;
	v9 =	vadd.f32 v42, v6;
	[tilespmem:$0x1F510] =	vst v1;
	v1 =	vmul.f32 v35, v49  }
0x261: {  	v55 =	vld [tilespmem:$0x1F080];
	(erf) = vrcp.f32 v5  }
0x262: {  	(erf) = vrcp.f32 v9;
	v9 =	vld [tilespmem:$0x1EFC0];
	[tilespmem:$0x1F520] =	vst v1;
	v1 =	vmul.f32 v35, v50  }
0x263: {  	v60 =	vmul.f32 v35, v7;
	v7 =	vld [tilespmem:$0x1F090]  }
0x264: {  	v16 =	vld [tilespmem:$0x1EFD0];
	[tilespmem:$0x1F530] =	vst v1;
	v1 =	vmul.f32 v35, v54  }
0x265: {  	v8 =	vld [tilespmem:$0x1F0A0]  }
0x266: {  	[tilespmem:$0x1F540] =	vst v1;
	v1 =	vmul.f32 v35, v55  }
0x267: {  	v22 =	vor.u32 $0x6, v53;
	v62 =	vmul.f32 v35, v9;
	v9 =	vld [tilespmem:$0x1F0B0]  }
0x268: {  	[tilespmem:$0x1F550] =	vst v1;
	v1 =	vmul.f32 v35, v7  }
0x269: {  	v63 =	vmul.f32 v35, v16;
	v16 =	vld [tilespmem:$0x1F0C0]  }
0x26a: {  	[tilespmem:$0x1F560] =	vst v1;
	v1 =	vmul.f32 v35, v8  }
0x26b: {  	[tilespmem:$0x1FE50] =	vst v20;
	v20 =	vld [tilespmem:$0x1F0D0]  }
0x26c: {  	v34 =	vld.idx.msk [tilespmem:v22+s2+$0x0], $0xffff;
	[tilespmem:$0x1F570] =	vst v1;
	v1 =	vmul.f32 v35, v9  }
0x26d: {  	v22 =	vld [tilespmem:$0x1F0E0]  }
0x26e: {  	[tilespmem:$0x1F580] =	vst v1;
	v1 =	vmul.f32 v35, v16  }
0x26f: {  	v27 =	vld [tilespmem:$0x1F0F0]  }
0x270: {  	[tilespmem:$0x1F590] =	vst v1;
	v1 =	vmul.f32 v35, v20  }
0x271: {  	[tilespmem:$0x1FE60] =	vst v28;
	v28 =	vld [tilespmem:$0x1F100]  }
0x272: {  	[tilespmem:$0x1F5A0] =	vst v1;
	v1 =	vmul.f32 v35, v22  }
0x273: {  	v29 =	vld [tilespmem:$0x1F110]  }
0x274: {  	[tilespmem:$0x1F5B0] =	vst v1;
	v1 =	vmul.f32 v35, v27  }
0x275: {  	v30 =	vld [tilespmem:$0x1F120]  }
0x276: {  	[tilespmem:$0x1F5C0] =	vst v1;
	v1 =	vmul.f32 v35, v28  }
0x277: {  	v32 =	vld [tilespmem:$0x1F130]  }
0x278: {  	[tilespmem:$0x1F5D0] =	vst v1;
	v1 =	vmul.f32 v35, v29  }
0x279: {  	[tilespmem:$0x1FE70] =	vst v36;
	v36 =	vld [tilespmem:$0x1F140]  }
0x27a: {  	v6 =	vld.idx.msk [tilespmem:v53+s2+$0x0], $0xffff;
	[tilespmem:$0x1F5E0] =	vst v1;
	v1 =	vmul.f32 v35, v30  }
0x27b: {  	v37 =	vld [tilespmem:$0x1F150]  }
0x27c: {  	[tilespmem:$0x1F5F0] =	vst v1;
	v1 =	vmul.f32 v35, v32  }
0x27d: {  	v39 =	vld [tilespmem:$0x1F160]  }
0x27e: {  	[tilespmem:$0x1F600] =	vst v1;
	v1 =	vmul.f32 v35, v36  }
0x27f: {  	[tilespmem:$0x1F880] =	vst v38;
	v43 =	vor.u32 $0x7, v53;
	v40 =	vld [tilespmem:$0x1F170];
	v38 =	vadd.f32 v4, v6  }
0x280: {  	[tilespmem:$0x1F620] =	vst v1;
	v1 =	vmul.f32 v35, v37  }
0x281: {  	[tilespmem:$0x1F8A0] =	vst v42;
	v41 =	vld [tilespmem:$0x1F180];
	v42 =	vadd.f32 v25, v38  }
0x282: {  	[tilespmem:$0x1F630] =	vst v1;
	v1 =	vmul.f32 v35, v39  }
0x283: {  	v5 =	vadd.f32 v26, v42;
	v42 =	vld [tilespmem:$0x1F190]  }
0x284: {  	v38 =	vld.idx.msk [tilespmem:v43+s2+$0x0], $0xffff;
	[tilespmem:$0x1F640] =	vst v1;
	v1 =	vmul.f32 v35, v40  }
0x285: {  	v43 =	vld [tilespmem:$0x1F1A0]  }
0x286: {  	[tilespmem:$0x1F650] =	vst v1;
	v1 =	vmul.f32 v0, v41  }
0x287: {  	v44 =	vld [tilespmem:$0x1F1B0]  }
0x288: {  	[tilespmem:$0x1F660] =	vst v1;
	v1 =	vmul.f32 v0, v42  }
0x289: {  	v46 =	vld [tilespmem:$0x1F1C0]  }
0x28a: {  	[tilespmem:$0x1F670] =	vst v1;
	v1 =	vmul.f32 v0, v43  }
0x28b: {  	v47 =	vld [tilespmem:$0x1F1D0]  }
0x28c: {  	[tilespmem:$0x1F680] =	vst v1;
	v1 =	vmul.f32 v0, v44  }
0x28d: {  	v48 =	vld [tilespmem:$0x1F1E0]  }
0x28e: {  	[tilespmem:$0x1F690] =	vst v1;
	v1 =	vmul.f32 v0, v46  }
0x28f: {  	v5 =	vadd.f32 v31, v5;
	v49 =	vld [tilespmem:$0x1F1F0]  }
0x290: {  	[tilespmem:$0x1F6A0] =	vst v1;
	v1 =	vmul.f32 v0, v47  }
0x291: {  	v5 =	vadd.f32 v33, v5;
	v50 =	vld [tilespmem:$0x1F200]  }
0x292: {  	[tilespmem:$0x1F6B0] =	vst v1;
	v1 =	vmul.f32 v0, v48  }
0x293: {  	v5 =	vadd.f32 v34, v5;
	v54 =	vld [tilespmem:$0x1F210]  }
0x294: {  	[tilespmem:$0x1F6C0] =	vst v1;
	v1 =	vmul.f32 v0, v49  }
0x295: {  	v5 =	vadd.f32 v38, v5;
	v55 =	vld [tilespmem:$0x1F220]  }
0x296: {  	[tilespmem:$0x1F6D0] =	vst v1;
	v1 =	vmul.f32 v0, v50  }
0x297: {  	(erf) = vrcp.f32 v5;
	v5 =	vld [tilespmem:$0x1F230]  }
0x298: {  	[tilespmem:$0x1F6E0] =	vst v1;
	v1 =	vmul.f32 v0, v54  }
0x299: {  	v7 =	vld [tilespmem:$0x1F240]  }
0x29a: {  	[tilespmem:$0x1F6F0] =	vst v1;
	v1 =	vmul.f32 v0, v55  }
0x29b: {  	v8 =	vld [tilespmem:$0x1F250]  }
0x29c: {  	[tilespmem:$0x1F700] =	vst v1;
	v1 =	vmul.f32 v0, v5  }
0x29d: {  	v9 =	vld [tilespmem:$0x1F260]  }
0x29e: {  	[tilespmem:$0x1F710] =	vst v1;
	v1 =	vmul.f32 v0, v7  }
0x29f: {  	v16 =	vld [tilespmem:$0x1F270]  }
0x2a0: {  	[tilespmem:$0x1F720] =	vst v1;
	v1 =	vmul.f32 v0, v8  }
0x2a1: {  	v20 =	vld [tilespmem:$0x1F280]  }
0x2a2: {  	[tilespmem:$0x1F730] =	vst v1;
	v1 =	vmul.f32 v0, v9  }
0x2a3: {  	v22 =	vld [tilespmem:$0x1F290]  }
0x2a4: {  	[tilespmem:$0x1F740] =	vst v1;
	v1 =	vmul.f32 v0, v16  }
0x2a5: {  	v27 =	vld [tilespmem:$0x1F2A0]  }
0x2a6: {  	[tilespmem:$0x1F750] =	vst v1;
	v1 =	vmul.f32 v0, v20  }
0x2a7: {  	v28 =	vld [tilespmem:$0x1F2B0]  }
0x2a8: {  	[tilespmem:$0x1F760] =	vst v1;
	v1 =	vmul.f32 v0, v22  }
0x2a9: {  	v29 =	vld [tilespmem:$0x1F2C0]  }
0x2aa: {  	[tilespmem:$0x1F780] =	vst v1;
	v1 =	vmul.f32 v0, v27  }
0x2ab: {  	v30 =	vld [tilespmem:$0x1F2D0]  }
0x2ac: {  	[tilespmem:$0x1F790] =	vst v1;
	v1 =	vmul.f32 v0, v28  }
0x2ad: {  	v32 =	vld [tilespmem:$0x1F2E0]  }
0x2ae: {  	[tilespmem:$0x1F7A0] =	vst v1;
	v1 =	vmul.f32 v0, v29  }
0x2af: {  	v35 =	vld [tilespmem:$0x1F2F0]  }
0x2b0: {  	[tilespmem:$0x1F7B0] =	vst v1;
	v1 =	vmul.f32 v0, v30  }
0x2b1: {  	v36 =	vld [tilespmem:$0x1F300]  }
0x2b2: {  	[tilespmem:$0x1F7C0] =	vst v1;
	v1 =	vmul.f32 v0, v32  }
0x2b3: {  	v37 =	vld [tilespmem:$0x1F310]  }
0x2b4: {  	[tilespmem:$0x1F7D0] =	vst v1;
	v1 =	vmul.f32 v0, v35  }
0x2b5: {  	v39 =	vld [tilespmem:$0x1F320]  }
0x2b6: {  	[tilespmem:$0x1F7E0] =	vst v1;
	v1 =	vmul.f32 v0, v36  }
0x2b7: {  	v40 =	vld [tilespmem:$0x1F330]  }
0x2b8: {  	[tilespmem:$0x1F7F0] =	vst v1;
	v1 =	vmul.f32 v0, v37  }
0x2b9: {  	v41 =	vld [tilespmem:$0x1F340]  }
0x2ba: {  	[tilespmem:$0x1F800] =	vst v1;
	v1 =	vmul.f32 v0, v39  }
0x2bb: {  	v42 =	vld [tilespmem:$0x1F350]  }
0x2bc: {  	[tilespmem:$0x1F810] =	vst v1;
	v1 =	vmul.f32 v0, v40  }
0x2bd: {  	v44 =	vld [tilespmem:$0x1F360]  }
0x2be: {  	[tilespmem:$0x1F820] =	vst v1;
	v1 =	vmul.f32 v0, v41  }
0x2bf: {  	v46 =	vld [tilespmem:$0x1F370]  }
0x2c0: {  	[tilespmem:$0x1F830] =	vst v1;
	v1 =	vmul.f32 v0, v42  }
0x2c1: {  	v48 =	vld [tilespmem:$0x1F380]  }
0x2c2: {  	[tilespmem:$0x1F840] =	vst v1;
	v1 =	vmul.f32 v0, v44  }
0x2c3: {  	v49 =	vld [tilespmem:$0x1F390]  }
0x2c4: {  	[tilespmem:$0x1F850] =	vst v1;
	v1 =	vmul.f32 v0, v46  }
0x2c5: {  	v50 =	vld [tilespmem:$0x1F3A0]  }
0x2c6: {  	[tilespmem:$0x1F860] =	vst v1;
	v1 =	vmul.f32 v0, v48  }
0x2c7: {  	v54 =	vld [tilespmem:$0x1F3B0]  }
0x2c8: {  	[tilespmem:$0x1F870] =	vst v1;
	v1 =	vmul.f32 v0, v49  }
0x2c9: {  	v7 =	vld [tilespmem:$0x1F3C0]  }
0x2ca: {  	[tilespmem:$0x1F890] =	vst v1;
	v1 =	vmul.f32 v0, v50  }
0x2cb: {  	v9 =	vld [tilespmem:$0x1F3D0]  }
0x2cc: {  	[tilespmem:$0x1F8B0] =	vst v1;
	v1 =	vmul.f32 v0, v54  }
0x2cd: {  	v16 =	vld [tilespmem:$0x1F3E0]  }
0x2ce: {  	[tilespmem:$0x1F8C0] =	vst v1;
	v1 =	vmul.f32 v0, v7  }
0x2cf: {  	v20 =	vld [tilespmem:$0x1F3F0]  }
0x2d0: {  	[tilespmem:$0x1F8D0] =	vst v1;
	v1 =	vmul.f32 v0, v9  }
0x2d1: {  	v27 =	vld [tilespmem:$0x1F400]  }
0x2d2: {  	[tilespmem:$0x1F8E0] =	vst v1;
	v1 =	vmul.f32 v0, v16  }
0x2d3: {  	v43 =	vadd.s32 $0x8, v53;
	v28 =	vld [tilespmem:$0x1F410]  }
0x2d4: {  	[tilespmem:$0x1F8F0] =	vst v1;
	v1 =	vmul.f32 v0, v20  }
0x2d5: {  	v29 =	vld [tilespmem:$0x1F420]  }
0x2d6: {  	[tilespmem:$0x1F900] =	vst v1;
	v1 =	vmul.f32 v0, v27  }
0x2d7: {  	v30 =	vld [tilespmem:$0x1F430];
	v36 =	vmul.f32 v0, v21  }
0x2d8: {  	v35 =	vld.idx.msk [tilespmem:v43+s2+$0x0], $0xffff;
	[tilespmem:$0x1F910] =	vst v1;
	v1 =	vmul.f32 v0, v28  }
0x2d9: {  	v47 =	vadd.s32 $0x9, v53;
	v43 =	vld [tilespmem:$0x1F440];
	[tilespmem:$0x1F9F0] =	vst v36;
	v37 =	vmul.f32 v0, v18  }
0x2da: {  	[tilespmem:$0x1F920] =	vst v1;
	v1 =	vmul.f32 v0, v29  }
0x2db: {  	[tilespmem:$0x1FA00] =	vst v37;
	v44 =	vld [tilespmem:$0x1F450];
	v54 =	vmul.f32 v0, v52  }
0x2dc: {  	[tilespmem:$0x1F930] =	vst v1;
	v1 =	vmul.f32 v0, v30  }
0x2dd: {  	v46 =	vld [tilespmem:$0x1F460];
	[tilespmem:$0x1F9B0] =	vst v54;
	v27 =	vmul.f32 v0, v51  }
0x2de: {  	v41 =	vld.idx.msk [tilespmem:v47+s2+$0x0], $0xffff;
	[tilespmem:$0x1F940] =	vst v1;
	v1 =	vmul.f32 v0, v43  }
0x2df: {  	v47 =	vld [tilespmem:$0x1F470];
	[tilespmem:$0x1F9C0] =	vst v27;
	v28 =	vmul.f32 v0, v12  }
0x2e0: {  	[tilespmem:$0x1F950] =	vst v1;
	v1 =	vmul.f32 v0, v44  }
0x2e1: {  	v49 =	vld [tilespmem:$0x1F480];
	[tilespmem:$0x1F9D0] =	vst v28;
	v30 =	vmul.f32 v0, v11  }
0x2e2: {  	v55 =	vadd.s32 $0xA, v53;
	[tilespmem:$0x1F960] =	vst v1;
	v1 =	vmul.f32 v0, v46  }
0x2e3: {  	v32 =	vadd.s32 $0xC, v53;
	v50 =	vld [tilespmem:$0x1F490];
	[tilespmem:$0x1F9E0] =	vst v30;
	v44 =	vmul.f32 v0, v14  }
0x2e4: {  	v48 =	vadd.s32 $0xD, v53;
	[tilespmem:$0x1F970] =	vst v1;
	v1 =	vmul.f32 v0, v47  }
0x2e5: {  	[tilespmem:$0x1FA10] =	vst v44;
	v46 =	vmul.f32 v0, v15  }
0x2e6: {  	v22 =	vadd.s32 $0xB, v53;
	[tilespmem:$0x1F980] =	vst v1;
	v1 =	vmul.f32 v0, v49  }
0x2e7: {  	v39 =	vld.idx.msk [tilespmem:v55+s2+$0x0], $0xffff;
	v55 =	vadd.s32 $0xE, v53;
	[tilespmem:$0x1FA20] =	vst v46;
	v47 =	vmul.f32 v0, v23  }
0x2e8: {  	v8 =	vld.idx.msk [tilespmem:v32+s2+$0x0], $0xffff;
	v32 =	vadd.s32 $0x10, v53;
	[tilespmem:$0x1F990] =	vst v1;
	v1 =	vmul.f32 v0, v50  }
0x2e9: {  	v2 =	vadd.s32 $0x2E, v53;
	v42 =	vld.idx.msk [tilespmem:v48+s2+$0x0], $0xffff;
	v48 =	vmul.f32 v0, v19;
	v54 =	vadd.s32 $0x13, v53;
	[tilespmem:$0x1FA30] =	vst v47  }
0x2ea: {  	v40 =	vadd.s32 $0x11, v53;
	v52 =	vmul.f32 v0, v17;
	v11 =	vadd.s32 $0x14, v53;
	[tilespmem:$0x1F9A0] =	vst v1  }
0x2eb: {  	v17 =	vadd.s32 $0x22, v53;
	v7 =	vld.idx.msk [tilespmem:v22+s2+$0x0], $0xffff;
	v22 =	vadd.f32 v41, v35;
	v51 =	vmul.f32 v0, v13;
	[tilespmem:$0x1FA40] =	vst v48  }
0x2ec: {  	v12 =	vadd.s32 $0x21, v53;
	v29 =	vadd.s32 $0xF, v53;
	v28 =	vadd.s32 $0x1C, v53;
	v9 =	vld.idx.msk [tilespmem:v55+s2+$0x0], $0xffff  }
0x2ed: {  	v46 =	vadd.s32 $0x18, v53;
	v50 =	vmul.f32 v0, v10;
	v0 =	vmul.f32 v0, v61;
	v19 =	vpop (erf);
	v61 =	vld.idx.msk [tilespmem:v32+s2+$0x0], $0xffff  }
0x2ee: {  	v49 =	vadd.s32 $0x12, v53;
	v47 =	vadd.s32 $0x19, v53;
	v1 =	vadd.f32 v39, v22;
	v32 =	vld.idx.msk [tilespmem:v54+s2+$0x0], $0xffff;
	v44 =	vpop (erf)  }
0x2ef: {  	[tilespmem:$0x1FAB0] =	vst v52;
	v52 =	vadd.s32 $0x15, v53;
	v54 =	vadd.s32 $0x1A, v53;
	v30 =	vld.idx.msk [tilespmem:v11+s2+$0x0], $0xffff;
	v11 =	vadd.s32 $0x17, v53;
	v10 =	vpop (erf)  }
0x2f0: {  	v43 =	vld.idx.msk [tilespmem:v40+s2+$0x0], $0xffff;
	v1 =	vadd.f32 v7, v1;
	v15 =	vmul.f32 v44, v3;
	v6 =	vmul.f32 v10, v6  }
0x2f1: {  	v13 =	vld.idx.msk [tilespmem:v29+s2+$0x0], $0xffff;
	v29 =	vadd.s32 $0x1D, v53;
	v40 =	vmul.f32 v10, v4;
	v25 =	vmul.f32 v10, v25  }
0x2f2: {  	v1 =	vadd.f32 v8, v1;
	v31 =	vmul.f32 v10, v31;
	v33 =	vmul.f32 v10, v33  }
0x2f3: {  	v37 =	vld.idx.msk [tilespmem:v49+s2+$0x0], $0xffff;
	v34 =	vmul.f32 v10, v34;
	v38 =	vmul.f32 v10, v38;
	vm14 =	vge.f32 v15, $1.250000000e-01  }
0x2f4: {  	v48 =	vld.idx.msk [tilespmem:v46+s2+$0x0], $0xffff;
	v55 =	vadd.f32 v42, v1;
	v1 =	vmul.f32 v10, v26;
	v10 =	vadd.s32 $0x1B, v53  }
0x2f5: {  	v47 =	vld.idx.msk [tilespmem:v47+s2+$0x0], $0xffff;
	v4 =	vadd.s32 $0x2F, v53;
	v5 =	vadd.f32 v43, v61;
	v15 =	vnsel vm14, $0x0, v15  }
0x2f6: {  	v36 =	vld.idx.msk [tilespmem:v28+s2+$0x0], $0xffff;
	vm15 =	vge.f32 v6, $1.250000000e-01;
	v3 =	vadd.f32 v9, v55;
	v55 =	vadd.s32 $0x16, v53  }
0x2f7: {  	v46 =	vld.idx.msk [tilespmem:v54+s2+$0x0], $0xffff;
	vm4 =	vge.f32 v40, $1.250000000e-01;
	vm5 =	vge.f32 v25, $1.250000000e-01;
	vm2 =	vge.f32 v31, $1.250000000e-01  }
0x2f8: {  	[tilespmem:$0x1FA60] =	vst v50;
	v16 =	vld.idx.msk [tilespmem:v11+s2+$0x0], $0xffff;
	v11 =	vadd.s32 $0x20, v53;
	vm6 =	vge.f32 v33, $1.250000000e-01;
	vm9 =	vge.f32 v34, $1.250000000e-01  }
0x2f9: {  	[tilespmem:$0x1FAD0] =	vst v0;
	vm0 =	vge.f32 v38, $1.250000000e-01;
	v50 =	vmul.f32 v40, v15;
	v3 =	vadd.f32 v13, v3;
	v40 =	vld.idx.msk [tilespmem:v10+s2+$0x0], $0xffff  }
0x2fa: {  	v26 =	vld.idx.msk [tilespmem:v52+s2+$0x0], $0xffff;
	v14 =	vmul.f32 v6, v15;
	v6 =	vadd.f32 v47, v48;
	v0 =	vadd.f32 v37, v5  }
0x2fb: {  	v54 =	vadd.s32 $0x28, v53;
	(erf) = vrcp.f32 v3;
	v20 =	vld.idx.msk [tilespmem:v55+s2+$0x0], $0xffff;
	v55 =	vadd.s32 $0x1E, v53  }
0x2fc: {  	v49 =	vmul.f32 v25, v15;
	v0 =	vadd.f32 v32, v0;
	v23 =	vadd.f32 v46, v6  }
0x2fd: {  	[tilespmem:$0x1FA80] =	vst v51;
	v51 =	vmul.f32 v31, v15;
	v33 =	vmul.f32 v33, v15;
	v10 =	vadd.s32 $0x1F, v53  }
0x2fe: {  	v31 =	vld.idx.msk [tilespmem:v29+s2+$0x0], $0xffff;
	v34 =	vmul.f32 v34, v15;
	v0 =	vadd.f32 v30, v0;
	v23 =	vadd.f32 v40, v23  }
0x2ff: {  	vm1 =	vge.f32 v1, $1.250000000e-01;
	v52 =	vmul.f32 v1, v15;
	v5 =	vadd.s32 $0x25, v53;
	v27 =	vld.idx.msk [tilespmem:v11+s2+$0x0], $0xffff  }
0x300: {  	v0 =	vadd.f32 v26, v0;
	v29 =	vld.idx.msk [tilespmem:v55+s2+$0x0], $0xffff;
	v18 =	vadd.f32 v36, v23;
	v23 =	vadd.s32 $0x23, v53  }
0x301: {  	v55 =	vmul.f32 v38, v15;
	v38 =	vmul.f32 v44, v24;
	v24 =	vld.idx.msk [tilespmem:v12+s2+$0x0], $0xffff;
	v12 =	vadd.s32 $0x29, v53  }
0x302: {  	v50 =	vnsel vm4, $0x0, v50;
	v28 =	vld.idx.msk [tilespmem:v10+s2+$0x0], $0xffff;
	v0 =	vadd.f32 v20, v0;
	v15 =	vadd.s32 $0x24, v53  }
0x303: {  	v33 =	vnsel vm6, $0x0, v33;
	v3 =	vadd.f32 v31, v18;
	v18 =	vld.idx.msk [tilespmem:v17+s2+$0x0], $0xffff;
	v17 =	vadd.s32 $0x2A, v53  }
0x304: {  	v25 =	vld.idx.msk [tilespmem:v54+s2+$0x0], $0xffff;
	v54 =	vadd.s32 $0x26, v53;
	v6 =	vadd.s32 $0x27, v53;
	v0 =	vadd.f32 v16, v0;
	v1 =	vpop (erf)  }
0x305: {  	v10 =	vmul.f32 v1, v8;
	v8 =	vadd.s32 $0x2B, v53;
	v3 =	vadd.f32 v29, v3;
	v23 =	vld.idx.msk [tilespmem:v23+s2+$0x0], $0xffff  }
0x306: {  	vm7 =	vge.f32 v38, $1.250000000e-01;
	(erf) = vrcp.f32 v0;
	v22 =	vld.idx.msk [tilespmem:v12+s2+$0x0], $0xffff;
	v21 =	vadd.f32 v24, v27  }
0x307: {  	v11 =	vmul.f32 v1, v13;
	v13 =	vld.idx.msk [tilespmem:v15+s2+$0x0], $0xffff;
	v12 =	vadd.s32 $0x2C, v53;
	v3 =	vadd.f32 v28, v3  }
0x308: {  	v35 =	vmul.f32 v1, v35;
	v41 =	vmul.f32 v1, v41;
	v0 =	vadd.f32 v18, v21;
	v17 =	vld.idx.msk [tilespmem:v17+s2+$0x0], $0xffff  }
0x309: {  	(erf) = vrcp.f32 v3;
	v3 =	vnsel vm15, $0x0, v14;
	v14 =	vnsel vm7, $0x0, v38;
	v38 =	vld.idx.msk [tilespmem:v5+s2+$0x0], $0xffff  }
0x30a: {  	v39 =	vmul.f32 v1, v39;
	v7 =	vmul.f32 v1, v7;
	v21 =	vld.idx.msk [tilespmem:v8+s2+$0x0], $0xffff;
	v0 =	vadd.f32 v23, v0  }
0x30b: {  	v42 =	vmul.f32 v1, v42;
	v5 =	vadd.s32 $0x2D, v53;
	v8 =	vld.idx.msk [tilespmem:v54+s2+$0x0], $0xffff;
	v54 =	vadd.f32 v22, v25  }
0x30c: {  	v9 =	vmul.f32 v1, v9;
	vm12 =	vge.f32 v35, $1.250000000e-01;
	v15 =	vld.idx.msk [tilespmem:v12+s2+$0x0], $0xffff;
	v0 =	vadd.f32 v13, v0  }
0x30d: {  	vm11 =	vge.f32 v39, $1.250000000e-01;
	vm13 =	vge.f32 v7, $1.250000000e-01;
	v1 =	vadd.f32 v17, v54  }
0x30e: {  	v6 =	vld.idx.msk [tilespmem:v6+s2+$0x0], $0xffff;
	vm8 =	vge.f32 v10, $1.250000000e-01;
	vm10 =	vge.f32 v42, $1.250000000e-01;
	v0 =	vadd.f32 v38, v0  }
0x30f: {  	vm3 =	vge.f32 v11, $1.250000000e-01;
	vm15 =	vge.f32 v41, $1.250000000e-01;
	v1 =	vadd.f32 v21, v1  }
0x310: {  	v35 =	vmul.f32 v35, v14;
	v41 =	vmul.f32 v41, v14;
	v12 =	vld.idx.msk [tilespmem:v5+s2+$0x0], $0xffff;
	v0 =	vadd.f32 v8, v0  }
0x311: {  	v39 =	vmul.f32 v39, v14;
	v5 =	vld.idx.msk [tilespmem:v2+s2+$0x0], $0xffff;
	v2 =	vadd.f32 v15, v1;
	v1 =	vadd.f32 $0.0e+00, v3  }
0x312: {  	vm7 =	vge.f32 v9, $1.250000000e-01;
	v7 =	vmul.f32 v7, v14;
	v10 =	vmul.f32 v10, v14  }
0x313: {  	v42 =	vmul.f32 v42, v14;
	v54 =	vmul.f32 v9, v14;
	v0 =	vadd.f32 v6, v0  }
0x314: {  	v14 =	vmul.f32 v11, v14;
	v9 =	vld.idx.msk [tilespmem:v4+s2+$0x0], $0xffff;
	v4 =	vnsel vm5, $0x0, v49;
	v11 =	vmul.f32 v44, v56  }
0x315: {  	v56 =	vnsel vm1, $0x0, v52;
	(erf) = vrcp.f32 v0;
	v0 =	vadd.f32 v1, v50;
	v1 =	vpop (erf)  }
0x316: {  	vm6 =	vge.f32 v11, $1.250000000e-01;
	v49 =	vmul.f32 v1, v61;
	v43 =	vmul.f32 v1, v43  }
0x317: {  	v2 =	vadd.f32 v12, v2;
	v37 =	vmul.f32 v1, v37;
	v32 =	vmul.f32 v1, v32  }
0x318: {  	v11 =	vnsel vm6, $0x0, v11;
	v30 =	vmul.f32 v1, v30;
	v26 =	vmul.f32 v1, v26  }
0x319: {  	v2 =	vadd.f32 v5, v2;
	v20 =	vmul.f32 v1, v20;
	v16 =	vmul.f32 v1, v16;
	v52 =	vpop (erf)  }
0x31a: {  	v61 =	vnsel vm2, $0x0, v51;
	v0 =	vadd.f32 v0, v4;
	v1 =	vmul.f32 v52, v48  }
0x31b: {  	[tilespmem:$0x1FED0] =	vst v4;
	v4 =	vnsel vm9, $0x0, v34;
	v48 =	vmul.f32 v52, v46;
	v34 =	vmul.f32 v52, v29  }
0x31c: {  	v46 =	vnsel vm15, $0x0, v41;
	v2 =	vadd.f32 v9, v2;
	vm14 =	vge.f32 v49, $1.250000000e-01  }
0x31d: {  	[tilespmem:$0x1FEB0] =	vst v3;
	v3 =	vmul.f32 v49, v11;
	vm6 =	vge.f32 v43, $1.250000000e-01;
	v49 =	vmul.f32 v43, v11  }
0x31e: {  	vm9 =	vge.f32 v37, $1.250000000e-01;
	v51 =	vmul.f32 v37, v11;
	v0 =	vadd.f32 v0, v56  }
0x31f: {  	vm4 =	vge.f32 v32, $1.250000000e-01;
	v32 =	vmul.f32 v32, v11;
	vm5 =	vge.f32 v30, $1.250000000e-01  }
0x320: {  	v30 =	vmul.f32 v30, v11;
	(erf) = vrcp.f32 v2;
	v2 =	vadd.f32 v0, v61  }
0x321: {  	vm2 =	vge.f32 v26, $1.250000000e-01;
	vm1 =	vge.f32 v20, $1.250000000e-01;
	v37 =	vmul.f32 v52, v40  }
0x322: {  	v43 =	vmul.f32 v52, v36;
	v36 =	vmul.f32 v52, v31;
	v2 =	vadd.f32 v2, v33  }
0x323: {  	[tilespmem:$0x1FEE0] =	vst v56;
	v31 =	vnsel vm12, $0x0, v35;
	v56 =	vnsel vm0, $0x0, v55;
	v0 =	vmul.f32 v26, v11  }
0x324: {  	[tilespmem:$0x1FF00] =	vst v33;
	v26 =	vmul.f32 v20, v11;
	v20 =	vmul.f32 v16, v11;
	v2 =	vadd.f32 v2, v4  }
0x325: {  	[tilespmem:$0x1FEF0] =	vst v61;
	vm0 =	vge.f32 v16, $1.250000000e-01;
	v61 =	vmul.f32 v52, v47;
	v47 =	vmul.f32 v52, v28;
	v16 =	vpop (erf)  }
0x326: {  	v41 =	vld [tilespmem:$0x1F4A0];
	[tilespmem:$0x1FF20] =	vst v56;
	v33 =	vmul.f32 v16, v27;
	v2 =	vadd.f32 v2, v56;
	v56 =	vor.u32 $0x21, v45  }
0x327: {  	v11 =	vmul.f32 v16, v18;
	v52 =	vmul.f32 v16, v13;
	v13 =	vor.u32 $0x22, v45  }
0x328: {  	[tilespmem:$0x1FF40] =	vst v46;
	v35 =	vmul.f32 v16, v23;
	v27 =	vnsel vm13, $0x0, v7;
	v7 =	vor.u32 $0x23, v45  }
0x329: {  	[tilespmem:$0x1FF30] =	vst v31;
	v23 =	vnsel vm11, $0x0, v39;
	v18 =	vor.u32 $0x24, v45;
	v2 =	vadd.f32 v31, v2  }
0x32a: {  	v40 =	vmul.f32 v16, v24;
	v29 =	vmul.f32 v16, v38;
	[tilespmem:$0x1FF50] =	vst v23;
	v28 =	vpop (erf);
	v31 =	vor.u32 $0x25, v45  }
0x32b: {  	v24 =	vmul.f32 v28, v22;
	v2 =	vadd.f32 v2, v46;
	[tilespmem:v56+s7+$0x0] =	vst.idx.msk $0xffff, v41  }
0x32c: {  	v38 =	vmul.f32 v28, v15;
	v39 =	vmul.f32 v28, v12;
	[tilespmem:v13+s7+$0x0] =	vst.idx.msk $0xffff, v58  }
0x32d: {  	v55 =	vmul.f32 v28, v9;
	v2 =	vadd.f32 v2, v23;
	[tilespmem:v7+s7+$0x0] =	vst.idx.msk $0xffff, v60  }
0x32e: {  	v46 =	vor.u32 $0x26, v45;
	v56 =	vmul.f32 v28, v21;
	v41 =	vmul.f32 v28, v5;
	[tilespmem:v18+s7+$0x0] =	vst.idx.msk $0xffff, v62  }
0x32f: {  	v23 =	vmul.f32 v28, v25;
	v58 =	vor.u32 $0x27, v45;
	v2 =	vadd.f32 v2, v27;
	[tilespmem:v31+s7+$0x0] =	vst.idx.msk $0xffff, v63;
	v31 =	vld [tilespmem:$0x1F4B0]  }
0x330: {  	v60 =	vnsel vm8, $0x0, v10;
	v62 =	vnsel vm10, $0x0, v42;
	v42 =	vnsel vm7, $0x0, v54;
	v54 =	vld [tilespmem:$0x1F4C0]  }
0x331: {  	v25 =	vmul.f32 v28, v17;
	v28 =	vor.u32 $0x28, v45;
	[tilespmem:$0x1FF70] =	vst v60;
	v2 =	vadd.f32 v2, v60;
	v60 =	vld [tilespmem:$0x1F4D0];
	_ =	sdelay $0x2  }
0x332: {  	[tilespmem:v46+s7+$0x0] =	vst.idx.msk $0xffff, v31  }
0x333: {  	[tilespmem:v58+s7+$0x0] =	vst.idx.msk $0xffff, v54  }
0x334: {  	v7 =	vor.u32 $0x29, v45;
	[tilespmem:v28+s7+$0x0] =	vst.idx.msk $0xffff, v60;
	v28 =	vld [tilespmem:$0x1F4E0]  }
0x335: {  	v22 =	vadd.s32 $0x30, v53;
	v21 =	vor.u32 $0x2A, v45;
	v31 =	vld [tilespmem:$0x1F4F0]  }
0x336: {  	v46 =	vadd.s32 $0x31, v53  }
0x337: {  	v2 =	vadd.f32 v2, v62  }
0x338: {  	[tilespmem:$0x1FF90] =	vst v42  }
0x339: {  	v2 =	vadd.f32 v2, v42;
	v42 =	vld [tilespmem:$0x1F500];
	[tilespmem:v7+s7+$0x0] =	vst.idx.msk $0xffff, v28  }
0x33a: {  	[tilespmem:v21+s7+$0x0] =	vst.idx.msk $0xffff, v31;
	v21 =	vld.idx.msk [tilespmem:v22+s2+$0x0], $0xffff  }
0x33b: {  	[tilespmem:$0x1FEC0] =	vst v50;
	v50 =	vmul.f32 v16, v8;
	v8 =	vor.u32 $0x2B, v45;
	v22 =	vld.idx.msk [tilespmem:v46+s2+$0x0], $0xffff  }
0x33c: {  	v58 =	vor.u32 $0x2C, v45;
	v46 =	vld [tilespmem:$0x1F510];
	_ =	sdelay $0x1  }
0x33d: {  	[tilespmem:$0x1FF80] =	vst v62;
	v62 =	vnsel vm3, $0x0, v14  }
0x33e: {  	v63 =	vor.u32 $0x2D, v45;
	v14 =	vadd.s32 $0x34, v53;
	[tilespmem:$0x1FFA0] =	vst v62;
	v2 =	vadd.f32 v2, v62;
	v62 =	vld [tilespmem:$0x1F520]  }
0x33f: {  	v12 =	vadd.s32 $0x3A, v53;
	v7 =	vor.u32 $0x2E, v45;
	[tilespmem:v8+s7+$0x0] =	vst.idx.msk $0xffff, v42;
	v42 =	vld [tilespmem:$0x1F530]  }
0x340: {  	v3 =	vnsel vm14, $0x0, v3;
	v10 =	vor.u32 $0x2F, v45;
	[tilespmem:v58+s7+$0x0] =	vst.idx.msk $0xffff, v46;
	v46 =	vld [tilespmem:$0x1F540]  }
0x341: {  	[tilespmem:$0x1FFB0] =	vst v3;
	v8 =	vor.u32 $0x30, v45;
	v58 =	vnsel vm9, $0x0, v51;
	v51 =	vld [tilespmem:$0x1F550]  }
0x342: {  	v6 =	vmul.f32 v16, v6;
	[tilespmem:$0x1FF60] =	vst v27;
	v15 =	vld [tilespmem:$0x1F590];
	v27 =	vadd.s32 $0x39, v53;
	v2 =	vadd.f32 v3, v2  }
0x343: {  	v13 =	vadd.s32 $0x38, v53;
	v54 =	vnsel vm6, $0x0, v49;
	v3 =	vnsel vm5, $0x0, v30;
	v30 =	vld.idx.msk [tilespmem:v14+s2+$0x0], $0xffff;
	[tilespmem:v63+s7+$0x0] =	vst.idx.msk $0xffff, v62  }
0x344: {  	v16 =	vadd.s32 $0x32, v53;
	v49 =	vadd.f32 v2, v54;
	v2 =	vld.idx.msk [tilespmem:v12+s2+$0x0], $0xffff;
	[tilespmem:v7+s7+$0x0] =	vst.idx.msk $0xffff, v42  }
0x345: {  	v60 =	vadd.s32 $0x3B, v53;
	v63 =	vor.u32 $0x31, v45;
	v62 =	vld [tilespmem:$0x1F560];
	[tilespmem:v10+s7+$0x0] =	vst.idx.msk $0xffff, v46  }
0x346: {  	v12 =	vor.u32 $0x32, v45;
	[tilespmem:v8+s7+$0x0] =	vst.idx.msk $0xffff, v51;
	v51 =	vld [tilespmem:$0x1F570]  }
0x347: {  	v9 =	vadd.s32 $0x33, v53;
	v28 =	vld.idx.msk [tilespmem:v27+s2+$0x0], $0xffff  }
0x348: {  	[tilespmem:$0x1FF10] =	vst v4;
	v4 =	vadd.s32 $0x36, v53;
	v31 =	vld.idx.msk [tilespmem:v13+s2+$0x0], $0xffff  }
0x349: {  	v5 =	vadd.s32 $0x3E, v53;
	v17 =	vadd.s32 $0x3D, v53;
	[tilespmem:$0x1FFC0] =	vst v54;
	v13 =	vld.idx.msk [tilespmem:v16+s2+$0x0], $0xffff;
	v7 =	vadd.s32 $0x3C, v53  }
0x34a: {  	v16 =	vadd.s32 $0x35, v53;
	v54 =	vadd.f32 v49, v58;
	v49 =	vld.idx.msk [tilespmem:v60+s2+$0x0], $0xffff;
	v60 =	vnsel vm1, $0x0, v26;
	[tilespmem:v63+s7+$0x0] =	vst.idx.msk $0xffff, v62  }
0x34b: {  	v26 =	vadd.s32 $0x37, v53;
	v8 =	vor.u32 $0x33, v45;
	[tilespmem:v12+s7+$0x0] =	vst.idx.msk $0xffff, v51;
	v12 =	vadd.s32 $0x3F, v53;
	v53 =	vld [tilespmem:$0x1F580]  }
0x34c: {  	v27 =	vld.idx.msk [tilespmem:v9+s2+$0x0], $0xffff  }
0x34d: {  	[tilespmem:$0x1FFD0] =	vst v58;
	v58 =	vadd.f32 v22, v21;
	v46 =	vnsel vm2, $0x0, v0;
	v0 =	vld.idx.msk [tilespmem:v4+s2+$0x0], $0xffff  }
0x34e: {  	v42 =	vnsel vm4, $0x0, v32;
	v9 =	vld.idx.msk [tilespmem:v7+s2+$0x0], $0xffff  }
0x34f: {  	v32 =	vadd.f32 v54, v42;
	v10 =	vadd.f32 v13, v58;
	v7 =	vld.idx.msk [tilespmem:v16+s2+$0x0], $0xffff;
	v16 =	vor.u32 $0x34, v45  }
0x350: {  	v62 =	vmul.f32 v44, v57;
	v51 =	vnsel vm0, $0x0, v20;
	v20 =	vld [tilespmem:$0x1F5A0];
	[tilespmem:v8+s7+$0x0] =	vst.idx.msk $0xffff, v53;
	v53 =	vor.u32 $0x35, v45  }
0x351: {  	v58 =	vor.u32 $0x36, v45;
	v63 =	vadd.f32 v28, v31;
	v57 =	vld [tilespmem:$0x1F5B0]  }
0x352: {  	v54 =	vadd.f32 v32, v3;
	v32 =	vld.idx.msk [tilespmem:v5+s2+$0x0], $0xffff;
	v10 =	vadd.f32 v27, v10;
	vm14 =	vge.f32 v62, $1.250000000e-01  }
0x353: {  	v14 =	vadd.f32 v2, v63;
	v18 =	vnsel vm14, $0x0, v62;
	v62 =	vld [tilespmem:$0x1F5C0]  }
0x354: {  	v10 =	vadd.f32 v30, v10;
	v63 =	vadd.f32 v54, v46;
	v8 =	vld.idx.msk [tilespmem:v17+s2+$0x0], $0xffff;
	[tilespmem:v16+s7+$0x0] =	vst.idx.msk $0xffff, v15  }
0x355: {  	v5 =	vor.u32 $0x37, v45;
	v17 =	vld.idx.msk [tilespmem:v26+s2+$0x0], $0xffff;
	[tilespmem:v53+s7+$0x0] =	vst.idx.msk $0xffff, v20  }
0x356: {  	v10 =	vadd.f32 v7, v10;
	v26 =	vor.u32 $0x38, v45;
	[tilespmem:v58+s7+$0x0] =	vst.idx.msk $0xffff, v57;
	v58 =	vadd.f32 v63, v60;
	v63 =	vld [tilespmem:$0x1F5D0]  }
0x357: {  	[tilespmem:$0x1FFF0] =	vst v46;
	v46 =	vld.idx.msk [tilespmem:v12+s2+$0x0], $0xffff  }
0x358: {  	v10 =	vadd.f32 v0, v10;
	v12 =	vor.u32 $0x39, v45;
	v15 =	vld [tilespmem:$0x1F5E0]  }
0x359: {  	v4 =	vadd.f32 v49, v14  }
0x35a: {  	v16 =	vor.u32 $0x3A, v45;
	v10 =	vadd.f32 v17, v10;
	[tilespmem:v5+s7+$0x0] =	vst.idx.msk $0xffff, v62;
	v20 =	vadd.f32 v58, v51;
	v58 =	vld [tilespmem:$0x1F5F0]  }
0x35b: {  	v54 =	vor.u32 $0x3B, v45;
	v4 =	vadd.f32 v9, v4;
	[tilespmem:v26+s7+$0x0] =	vst.idx.msk $0xffff, v63;
	v63 =	vld [tilespmem:$0x1F600]  }
0x35c: {  	(erf) = vrcp.f32 v10;
	v10 =	vld [tilespmem:$0x1F610]  }
0x35d: {  	v4 =	vadd.f32 v8, v4;
	v5 =	vor.u32 $0x3C, v45;
	[tilespmem:v12+s7+$0x0] =	vst.idx.msk $0xffff, v15;
	v15 =	vld [tilespmem:$0x1F620]  }
0x35e: {  	v57 =	vor.u32 $0x3E, v45  }
0x35f: {  	v4 =	vadd.f32 v32, v4;
	v62 =	vor.u32 $0x3F, v45;
	v26 =	vor.u32 $0x3D, v45;
	v45 =	vld [tilespmem:$0x1F630];
	[tilespmem:v16+s7+$0x0] =	vst.idx.msk $0xffff, v58  }
0x360: {  	vm15 =	vge.f32 v1, $1.250000000e-01;
	v1 =	vmul.f32 v1, v18;
	[tilespmem:v54+s7+$0x0] =	vst.idx.msk $0xffff, v63;
	v54 =	vld [tilespmem:$0x1F640]  }
0x361: {  	vm4 =	vge.f32 v61, $1.250000000e-01;
	v4 =	vadd.f32 v46, v4;
	v58 =	vld [tilespmem:$0x1F650]  }
0x362: {  	v53 =	vnsel vm15, $0x0, v1;
	v16 =	vshll.u32 v10, $0x6;
	[tilespmem:v5+s7+$0x0] =	vst.idx.msk $0xffff, v15;
	v5 =	vmul.f32 v61, v18;
	v61 =	vld [tilespmem:$0x1F660]  }
0x363: {  	(erf) = vrcp.f32 v4;
	v4 =	vadd.f32 v53, v20;
	v20 =	vor.u32 $0x1, v16;
	v63 =	vld [tilespmem:$0x1F670]  }
0x364: {  	[tilespmem:v26+s7+$0x0] =	vst.idx.msk $0xffff, v45  }
0x365: {  	[tilespmem:v57+s7+$0x0] =	vst.idx.msk $0xffff, v54  }
0x366: {  	vm5 =	vge.f32 v48, $1.250000000e-01;
	v12 =	vmul.f32 v48, v18;
	v48 =	vor.u32 $0x2, v16;
	v15 =	vld [tilespmem:$0x1F680];
	[tilespmem:v62+s7+$0x0] =	vst.idx.msk $0xffff, v58  }
0x367: {  	v57 =	vor.u32 $0x3, v16;
	[tilespmem:v16+s7+$0x0] =	vst.idx.msk $0xffff, v61;
	v58 =	vld [tilespmem:$0x1F690]  }
0x368: {  	vm9 =	vge.f32 v43, $1.250000000e-01;
	v1 =	vmul.f32 v43, v18;
	v43 =	vor.u32 $0x4, v16;
	[tilespmem:v20+s7+$0x0] =	vst.idx.msk $0xffff, v63;
	v63 =	vld [tilespmem:$0x1F6A0];
	_ =	sdelay $0x2  }
0x369: {  	vm12 =	vge.f32 v47, $1.250000000e-01;
	[tilespmem:v48+s7+$0x0] =	vst.idx.msk $0xffff, v15  }
0x36a: {  	vm11 =	vge.f32 v34, $1.250000000e-01;
	vm10 =	vge.f32 v36, $1.250000000e-01;
	v62 =	vor.u32 $0x5, v16;
	v15 =	vld [tilespmem:$0x1F6B0];
	[tilespmem:v57+s7+$0x0] =	vst.idx.msk $0xffff, v58  }
0x36b: {  	v14 =	vmul.f32 v37, v18;
	v10 =	vmul.f32 v34, v18;
	v34 =	vor.u32 $0x6, v16;
	[tilespmem:v43+s7+$0x0] =	vst.idx.msk $0xffff, v63;
	v43 =	vld [tilespmem:$0x1F6C0]  }
0x36c: {  	v36 =	vmul.f32 v36, v18;
	v18 =	vmul.f32 v47, v18;
	v47 =	vld [tilespmem:$0x1F6D0];
	v54 =	vor.u32 $0x7, v16  }
0x36d: {  	v20 =	vmul.f32 v44, v59  }
0x36e: {  	v59 =	vor.u32 $0x8, v16;
	v57 =	vld [tilespmem:$0x1F6E0]  }
0x36f: {  	vm8 =	vge.f32 v37, $1.250000000e-01;
	v37 =	vor.u32 $0x9, v16;
	v61 =	vld [tilespmem:$0x1F6F0];
	vm14 =	vge.f32 v20, $1.250000000e-01;
	[tilespmem:v62+s7+$0x0] =	vst.idx.msk $0xffff, v15  }
0x370: {  	v63 =	vnsel vm5, $0x0, v12;
	v12 =	vnsel vm14, $0x0, v20;
	v20 =	vor.u32 $0xA, v16;
	v15 =	vld [tilespmem:$0x1F700];
	[tilespmem:v34+s7+$0x0] =	vst.idx.msk $0xffff, v43  }
0x371: {  	v45 =	vor.u32 $0xB, v16;
	[tilespmem:v54+s7+$0x0] =	vst.idx.msk $0xffff, v47;
	v47 =	vld [tilespmem:$0x1F710]  }
0x372: {  	v48 =	vld [tilespmem:$0x1F720];
	v54 =	vor.u32 $0xC, v16  }
0x373: {  	[tilespmem:v59+s7+$0x0] =	vst.idx.msk $0xffff, v57  }
0x374: {  	[tilespmem:v37+s7+$0x0] =	vst.idx.msk $0xffff, v61  }
0x375: {  	[tilespmem:v20+s7+$0x0] =	vst.idx.msk $0xffff, v15  }
0x376: {  	vm2 =	vge.f32 v52, $1.250000000e-01;
	v59 =	vor.u32 $0xD, v16;
	[tilespmem:v45+s7+$0x0] =	vst.idx.msk $0xffff, v47;
	v45 =	vmul.f32 v52, v12;
	v52 =	vld [tilespmem:$0x1F730]  }
0x377: {  	v62 =	vor.u32 $0xE, v16;
	[tilespmem:v54+s7+$0x0] =	vst.idx.msk $0xffff, v48;
	v54 =	vld [tilespmem:$0x1F740]  }
0x378: {  	v57 =	vld [tilespmem:$0x1F750];
	v20 =	vor.u32 $0xF, v16;
	_ =	sdelay $0x1  }
0x379: {  	vm7 =	vge.f32 v40, $1.250000000e-01;
	vm3 =	vge.f32 v29, $1.250000000e-01;
	v58 =	vnsel vm4, $0x0, v5  }
0x37a: {  	vm6 =	vge.f32 v33, $1.250000000e-01;
	vm1 =	vge.f32 v35, $1.250000000e-01;
	v4 =	vadd.f32 v4, v58;
	[tilespmem:v59+s7+$0x0] =	vst.idx.msk $0xffff, v52  }
0x37b: {  	vm4 =	vge.f32 v50, $1.250000000e-01;
	v5 =	vmul.f32 v40, v12;
	v40 =	vmul.f32 v50, v12;
	v50 =	vld [tilespmem:$0x1F780];
	[tilespmem:v62+s7+$0x0] =	vst.idx.msk $0xffff, v54  }
0x37c: {  	vm0 =	vge.f32 v11, $1.250000000e-01;
	v11 =	vmul.f32 v11, v12;
	v34 =	vor.u32 $0x10, v16;
	[tilespmem:v20+s7+$0x0] =	vst.idx.msk $0xffff, v57;
	v20 =	vld [tilespmem:$0x1F760]  }
0x37d: {  	v4 =	vadd.f32 v4, v63;
	v43 =	vmul.f32 v33, v12;
	v33 =	vor.u32 $0x11, v16;
	v37 =	vld [tilespmem:$0x1F770]  }
0x37e: {  	v26 =	vmul.f32 v35, v12;
	v29 =	vmul.f32 v29, v12;
	v62 =	vnsel vm8, $0x0, v14  }
0x37f: {  	v47 =	vmul.f32 v6, v12;
	v12 =	vor.u32 $0x12, v16;
	v54 =	vld [tilespmem:$0x1F790];
	v59 =	vadd.f32 v4, v62  }
0x380: {  	vm5 =	vge.f32 v6, $1.250000000e-01;
	v35 =	vnsel vm9, $0x0, v1;
	v6 =	vor.u32 $0x13, v16;
	v57 =	vld [tilespmem:$0x1F7A0]  }
0x381: {  	v61 =	vor.u32 $0x14, v16;
	v52 =	vadd.f32 v59, v35;
	v59 =	vld [tilespmem:$0x1F7B0];
	[tilespmem:v34+s7+$0x0] =	vst.idx.msk $0xffff, v20  }
0x382: {  	v48 =	vmul.f32 v44, v37;
	v34 =	vnsel vm10, $0x0, v36;
	v36 =	vor.u32 $0x15, v16;
	[tilespmem:v33+s7+$0x0] =	vst.idx.msk $0xffff, v50;
	v50 =	vld [tilespmem:$0x1F7C0]  }
0x383: {  	v37 =	vor.u32 $0x16, v16;
	v33 =	vnsel vm11, $0x0, v10;
	v10 =	vadd.f32 v52, v34;
	v52 =	vld [tilespmem:$0x1F7D0]  }
0x384: {  	[tilespmem:v12+s7+$0x0] =	vst.idx.msk $0xffff, v54;
	v12 =	vor.u32 $0x17, v16;
	v54 =	vld [tilespmem:$0x1F7E0]  }
0x385: {  	vm15 =	vge.f32 v48, $1.250000000e-01;
	[tilespmem:v6+s7+$0x0] =	vst.idx.msk $0xffff, v57  }
0x386: {  	v1 =	vnsel vm12, $0x0, v18;
	v18 =	vnsel vm15, $0x0, v48;
	v48 =	vor.u32 $0x18, v16;
	v57 =	vld [tilespmem:$0x1F7F0];
	[tilespmem:v61+s7+$0x0] =	vst.idx.msk $0xffff, v59  }
0x387: {  	v61 =	vor.u32 $0x19, v16;
	v59 =	vld [tilespmem:$0x1F800];
	[tilespmem:v36+s7+$0x0] =	vst.idx.msk $0xffff, v50  }
0x388: {  	vm9 =	vge.f32 v24, $1.250000000e-01;
	v6 =	vmul.f32 v24, v18;
	v24 =	vor.u32 $0x1A, v16;
	v50 =	vld [tilespmem:$0x1F810];
	[tilespmem:v37+s7+$0x0] =	vst.idx.msk $0xffff, v52  }
0x389: {  	v14 =	vmul.f32 v25, v18;
	vm10 =	vge.f32 v25, $1.250000000e-01;
	v25 =	vor.u32 $0x1B, v16;
	[tilespmem:v12+s7+$0x0] =	vst.idx.msk $0xffff, v54;
	v54 =	vld [tilespmem:$0x1F820]  }
0x38a: {  	[tilespmem:$0x1FFE0] =	vst v3;
	v15 =	vmul.f32 v56, v18;
	vm11 =	vge.f32 v56, $1.250000000e-01;
	v56 =	vld [tilespmem:$0x1F830];
	v12 =	vor.u32 $0x1C, v16  }
0x38b: {  	v36 =	vor.u32 $0x1D, v16;
	[tilespmem:v48+s7+$0x0] =	vst.idx.msk $0xffff, v57;
	v57 =	vld [tilespmem:$0x1F840]  }
0x38c: {  	[tilespmem:v61+s7+$0x0] =	vst.idx.msk $0xffff, v59;
	v61 =	vor.u32 $0x1E, v16;
	v59 =	vld [tilespmem:$0x1F850]  }
0x38d: {  	[tilespmem:v24+s7+$0x0] =	vst.idx.msk $0xffff, v50  }
0x38e: {  	vm13 =	vge.f32 v39, $1.250000000e-01;
	[tilespmem:v25+s7+$0x0] =	vst.idx.msk $0xffff, v54  }
0x38f: {  	v3 =	vpop (erf);
	vm12 =	vge.f32 v38, $1.250000000e-01;
	vm15 =	vge.f32 v41, $1.250000000e-01;
	v4 =	vmul.f32 v23, v18;
	[tilespmem:v12+s7+$0x0] =	vst.idx.msk $0xffff, v56  }
0x390: {  	vm8 =	vge.f32 v23, $1.250000000e-01;
	v23 =	vmul.f32 v3, v27;
	v27 =	vmul.f32 v3, v30;
	v30 =	vld [tilespmem:$0x1F880];
	[tilespmem:v36+s7+$0x0] =	vst.idx.msk $0xffff, v57  }
0x391: {  	v38 =	vmul.f32 v38, v18;
	v39 =	vmul.f32 v39, v18;
	v52 =	vor.u32 $0x1F, v16;
	[tilespmem:v61+s7+$0x0] =	vst.idx.msk $0xffff, v59;
	v61 =	vld [tilespmem:$0x1F860]  }
0x392: {  	v37 =	vmul.f32 v41, v18;
	v41 =	vmul.f32 v55, v18;
	v18 =	vor.u32 $0x20, v16;
	v25 =	vld [tilespmem:$0x1F870]  }
0x393: {  	vm14 =	vge.f32 v55, $1.250000000e-01;
	v55 =	vmul.f32 v3, v17;
	v12 =	vor.u32 $0x21, v16;
	v56 =	vld [tilespmem:$0x1F890]  }
0x394: {  	v10 =	vadd.f32 v10, v33;
	v48 =	vmul.f32 v3, v21;
	v50 =	vmul.f32 v3, v13;
	v57 =	vld [tilespmem:$0x1F8A0]  }
0x395: {  	v13 =	vor.u32 $0x22, v16;
	v54 =	vmul.f32 v3, v0;
	v36 =	vmul.f32 v3, v22;
	v59 =	vld [tilespmem:$0x1F8B0]  }
0x396: {  	v21 =	vor.u32 $0x23, v16;
	[tilespmem:v52+s7+$0x0] =	vst.idx.msk $0xffff, v61;
	v52 =	vmul.f32 v3, v7;
	v3 =	vmul.f32 v44, v30;
	v30 =	vld [tilespmem:$0x1F8C0]  }
0x397: {  	v24 =	vor.u32 $0x24, v16;
	v7 =	vnsel vm6, $0x0, v43;
	v43 =	vld [tilespmem:$0x1F8D0];
	[tilespmem:v18+s7+$0x0] =	vst.idx.msk $0xffff, v25  }
0x398: {  	v10 =	vadd.f32 v10, v1;
	v17 =	vor.u32 $0x25, v16;
	[tilespmem:v12+s7+$0x0] =	vst.idx.msk $0xffff, v56;
	v56 =	vld [tilespmem:$0x1F8E0]  }
0x399: {  	v0 =	vnsel vm7, $0x0, v5;
	v44 =	vmul.f32 v44, v57;
	v61 =	vpop (erf);
	v57 =	vld [tilespmem:$0x1F8F0];
	v12 =	vor.u32 $0x26, v16  }
0x39a: {  	v5 =	vor.u32 $0x27, v16;
	v10 =	vadd.f32 v7, v10;
	v31 =	vmul.f32 v61, v31;
	[tilespmem:v13+s7+$0x0] =	vst.idx.msk $0xffff, v59;
	v59 =	vld [tilespmem:$0x1F900]  }
0x39b: {  	v28 =	vmul.f32 v61, v28;
	v25 =	vmul.f32 v61, v2;
	[tilespmem:v21+s7+$0x0] =	vst.idx.msk $0xffff, v30  }
0x39c: {  	v18 =	vor.u32 $0x28, v16;
	v22 =	vmul.f32 v61, v9;
	v13 =	vmul.f32 v61, v46;
	[tilespmem:v24+s7+$0x0] =	vst.idx.msk $0xffff, v43;
	v43 =	vld [tilespmem:$0x1F910]  }
0x39d: {  	v2 =	vor.u32 $0x29, v16;
	v46 =	vld [tilespmem:$0x1F920];
	v21 =	vmul.f32 v61, v8;
	v24 =	vmul.f32 v61, v49;
	[tilespmem:v17+s7+$0x0] =	vst.idx.msk $0xffff, v56  }
0x39e: {  	v20 =	vor.u32 $0x2A, v16;
	v17 =	vmul.f32 v61, v32;
	v61 =	vadd.f32 v10, v0;
	v56 =	vld [tilespmem:$0x1F930];
	[tilespmem:v12+s7+$0x0] =	vst.idx.msk $0xffff, v57  }
0x39f: {  	v30 =	vor.u32 $0x2B, v16;
	v12 =	vnsel vm0, $0x0, v11;
	[tilespmem:v5+s7+$0x0] =	vst.idx.msk $0xffff, v59;
	v59 =	vld [tilespmem:$0x1F940]  }
0x3a0: {  	v32 =	vor.u32 $0x2C, v16;
	v10 =	vnsel vm2, $0x0, v45;
	v45 =	vld [tilespmem:$0x1F950];
	v49 =	vadd.f32 v61, v12  }
0x3a1: {  	v9 =	vnsel vm1, $0x0, v26;
	v26 =	vor.u32 $0x2D, v16;
	[tilespmem:v18+s7+$0x0] =	vst.idx.msk $0xffff, v43;
	v18 =	vnsel vm5, $0x0, v47;
	v47 =	vld [tilespmem:$0x1F960]  }
0x3a2: {  	v5 =	vor.u32 $0x2E, v16;
	[tilespmem:v2+s7+$0x0] =	vst.idx.msk $0xffff, v46;
	v2 =	vadd.f32 v49, v9;
	v49 =	vld [tilespmem:$0x1F970]  }
0x3a3: {  	[tilespmem:v20+s7+$0x0] =	vst.idx.msk $0xffff, v56  }
0x3a4: {  	v57 =	vor.u32 $0x2F, v16;
	v56 =	vld [tilespmem:$0x1F980];
	[tilespmem:v30+s7+$0x0] =	vst.idx.msk $0xffff, v59  }
0x3a5: {  	v61 =	vor.u32 $0x30, v16;
	v59 =	vld [tilespmem:$0x1F990];
	[tilespmem:v32+s7+$0x0] =	vst.idx.msk $0xffff, v45  }
0x3a6: {  	vm7 =	vge.f32 v3, $1.250000000e-01;
	v8 =	vnsel vm4, $0x0, v40;
	v46 =	vor.u32 $0x31, v16;
	[tilespmem:v26+s7+$0x0] =	vst.idx.msk $0xffff, v47;
	v47 =	vld [tilespmem:$0x1F9A0]  }
0x3a7: {  	v40 =	vnsel vm7, $0x0, v3;
	v43 =	vadd.f32 v2, v10;
	v2 =	vor.u32 $0x32, v16;
	[tilespmem:v5+s7+$0x0] =	vst.idx.msk $0xffff, v49;
	v49 =	vld [tilespmem:$0x1F9B0]  }
0x3a8: {  	vm5 =	vge.f32 v50, $1.250000000e-01;
	v26 =	vmul.f32 v50, v40;
	v50 =	vld [tilespmem:$0x1F9C0];
	v5 =	vor.u32 $0x33, v16  }
0x3a9: {  	[tilespmem:v57+s7+$0x0] =	vst.idx.msk $0xffff, v56;
	v57 =	vor.u32 $0x34, v16;
	v56 =	vld [tilespmem:$0x1F9D0]  }
0x3aa: {  	[tilespmem:v61+s7+$0x0] =	vst.idx.msk $0xffff, v59  }
0x3ab: {  	[tilespmem:v46+s7+$0x0] =	vst.idx.msk $0xffff, v47  }
0x3ac: {  	[tilespmem:v2+s7+$0x0] =	vst.idx.msk $0xffff, v49  }
0x3ad: {  	[tilespmem:v5+s7+$0x0] =	vst.idx.msk $0xffff, v50  }
0x3ae: {  	vm7 =	vge.f32 v48, $1.250000000e-01;
	v61 =	vor.u32 $0x35, v16;
	[tilespmem:v57+s7+$0x0] =	vst.idx.msk $0xffff, v56;
	v57 =	vld [tilespmem:$0x1F9E0]  }
0x3af: {  	v11 =	vnsel vm3, $0x0, v29;
	v32 =	vmul.f32 v48, v40;
	v48 =	vor.u32 $0x36, v16;
	v59 =	vld [tilespmem:$0x1F9F0]  }
0x3b0: {  	vm3 =	vge.f32 v27, $1.250000000e-01;
	v20 =	vmul.f32 v27, v40;
	v27 =	vor.u32 $0x37, v16;
	v49 =	vld [tilespmem:$0x1FA00]  }
0x3b1: {  	vm2 =	vge.f32 v52, $1.250000000e-01;
	v46 =	vor.u32 $0x38, v16;
	v5 =	vmul.f32 v52, v40;
	v52 =	vld [tilespmem:$0x1FA10];
	_ =	sdelay $0x1  }
0x3b2: {  	vm4 =	vge.f32 v23, $1.250000000e-01;
	v23 =	vmul.f32 v23, v40;
	v3 =	vmul.f32 v54, v40;
	[tilespmem:v61+s7+$0x0] =	vst.idx.msk $0xffff, v57  }
0x3b3: {  	v30 =	vmul.f32 v36, v40;
	v2 =	vmul.f32 v55, v40;
	v40 =	vor.u32 $0x39, v16;
	v56 =	vld [tilespmem:$0x1FA20];
	[tilespmem:v48+s7+$0x0] =	vst.idx.msk $0xffff, v59  }
0x3b4: {  	v29 =	vnsel vm8, $0x0, v4;
	v4 =	vor.u32 $0x3A, v16;
	v61 =	vadd.f32 v43, v11;
	v59 =	vld [tilespmem:$0x1FA30];
	[tilespmem:v27+s7+$0x0] =	vst.idx.msk $0xffff, v49  }
0x3b5: {  	v48 =	vor.u32 $0x3B, v16;
	[tilespmem:v46+s7+$0x0] =	vst.idx.msk $0xffff, v52;
	v46 =	vld [tilespmem:$0x1FA40]  }
0x3b6: {  	vm1 =	vge.f32 v54, $1.250000000e-01;
	v50 =	vor.u32 $0x3C, v16;
	v54 =	vadd.f32 v61, v8;
	v49 =	vld [tilespmem:$0x1FA60]  }
0x3b7: {  	v52 =	vld [tilespmem:$0x1FA80]  }
0x3b8: {  	vm0 =	vge.f32 v55, $1.250000000e-01;
	v55 =	vor.u32 $0x3D, v16;
	[tilespmem:v40+s7+$0x0] =	vst.idx.msk $0xffff, v56;
	v61 =	vadd.f32 v54, v18;
	v54 =	vld [tilespmem:$0x1FA90]  }
0x3b9: {  	v56 =	vld [tilespmem:$0x1FAB0];
	[tilespmem:v4+s7+$0x0] =	vst.idx.msk $0xffff, v59  }
0x3ba: {  	v57 =	vor.u32 $0x3E, v16;
	[tilespmem:v48+s7+$0x0] =	vst.idx.msk $0xffff, v46;
	v48 =	vld [tilespmem:$0x1FA50]  }
0x3bb: {  	[tilespmem:v50+s7+$0x0] =	vst.idx.msk $0xffff, v49;
	v50 =	vld [tilespmem:$0x1FA70]  }
0x3bc: {  	v27 =	vnsel vm12, $0x0, v38;
	v38 =	vnsel vm13, $0x0, v39;
	v39 =	vadd.f32 v29, v61;
	v61 =	vld [tilespmem:$0x1FAD0]  }
0x3bd: {  	[tilespmem:v55+s7+$0x0] =	vst.idx.msk $0xffff, v52;
	v55 =	vld [tilespmem:$0x1FAA0]  }
0x3be: {  	vm6 =	vge.f32 v36, $1.250000000e-01;
	v36 =	vnsel vm9, $0x0, v6;
	v52 =	vld [tilespmem:$0x1FAF0]  }
0x3bf: {  	v6 =	vnsel vm15, $0x0, v37;
	vm15 =	vge.f32 v44, $1.250000000e-01;
	v16 =	vor.u32 $0x3F, v16;
	[tilespmem:v57+s7+$0x0] =	vst.idx.msk $0xffff, v56;
	v57 =	vld [tilespmem:$0x1FAC0]  }
0x3c0: {  	v40 =	vnsel vm14, $0x0, v41;
	v4 =	vshll.u32 v48, $0x6;
	v43 =	vmul.f32 v19, v50;
	v50 =	vld [tilespmem:$0x1FAE0]  }
0x3c1: {  	v41 =	vnsel vm15, $0x0, v44;
	v45 =	vmul.f32 v19, v54;
	v54 =	vld [tilespmem:$0x1FB00];
	v44 =	vor.u32 $0x1, v4  }
0x3c2: {  	v47 =	vor.u32 $0x2, v4  }
0x3c3: {  	v59 =	vor.u32 $0x3, v4  }
0x3c4: {  	[tilespmem:v16+s7+$0x0] =	vst.idx.msk $0xffff, v61;
	v46 =	vmul.f32 v19, v55;
	v37 =	vmul.f32 v19, v57;
	v57 =	vld [tilespmem:$0x1FB30]  }
0x3c5: {  	v56 =	vld [tilespmem:$0x1FB20];
	[tilespmem:v4+s7+$0x0] =	vst.idx.msk $0xffff, v43;
	v16 =	vmul.f32 v19, v50;
	v50 =	vmul.f32 v19, v52;
	v52 =	vor.u32 $0x4, v4  }
0x3c6: {  	v61 =	vld [tilespmem:$0x1FB50];
	v43 =	vmul.f32 v19, v54;
	v54 =	vor.u32 $0x5, v4;
	[tilespmem:v44+s7+$0x0] =	vst.idx.msk $0xffff, v45  }
0x3c7: {  	v55 =	vld [tilespmem:$0x1FB10];
	[tilespmem:v47+s7+$0x0] =	vst.idx.msk $0xffff, v46  }
0x3c8: {  	[tilespmem:v59+s7+$0x0] =	vst.idx.msk $0xffff, v37;
	v59 =	vld [tilespmem:$0x1FB40]  }
0x3c9: {  	v46 =	vmul.f32 v19, v57;
	v57 =	vld [tilespmem:$0x1FB80]  }
0x3ca: {  	[tilespmem:v52+s7+$0x0] =	vst.idx.msk $0xffff, v16;
	v52 =	vld [tilespmem:$0x1FB60]  }
0x3cb: {  	[tilespmem:v54+s7+$0x0] =	vst.idx.msk $0xffff, v50;
	v54 =	vld [tilespmem:$0x1FB70]  }
0x3cc: {  	v44 =	vmul.f32 v19, v55;
	v55 =	vor.u32 $0x6, v4  }
0x3cd: {  	v48 =	vmul.f32 v19, v61;
	v61 =	vld [tilespmem:$0x1FBA0];
	v47 =	vor.u32 $0x7, v4  }
0x3ce: {  	v45 =	vmul.f32 v19, v56;
	v56 =	vor.u32 $0x8, v4;
	v37 =	vmul.f32 v19, v59;
	v59 =	vld [tilespmem:$0x1FB90]  }
0x3cf: {  	v16 =	vmul.f32 v19, v52;
	v52 =	vor.u32 $0x9, v4  }
0x3d0: {  	v50 =	vmul.f32 v19, v54;
	v54 =	vmul.f32 v19, v57;
	v57 =	vor.u32 $0xA, v4  }
0x3d1: {  	[tilespmem:v55+s7+$0x0] =	vst.idx.msk $0xffff, v43;
	v55 =	vor.u32 $0xB, v4  }
0x3d2: {  	[tilespmem:v47+s7+$0x0] =	vst.idx.msk $0xffff, v44;
	v44 =	vmul.f32 v19, v61;
	v61 =	vor.u32 $0xC, v4  }
0x3d3: {  	[tilespmem:v56+s7+$0x0] =	vst.idx.msk $0xffff, v45;
	v43 =	vmul.f32 v19, v59;
	v59 =	vor.u32 $0xD, v4  }
0x3d4: {  	[tilespmem:v52+s7+$0x0] =	vst.idx.msk $0xffff, v46  }
0x3d5: {  	[tilespmem:v57+s7+$0x0] =	vst.idx.msk $0xffff, v37  }
0x3d6: {  	v56 =	vor.u32 $0xE, v4;
	[tilespmem:v55+s7+$0x0] =	vst.idx.msk $0xffff, v48  }
0x3d7: {  	v49 =	vld [tilespmem:$0x1FBB0];
	v37 =	vor.u32 $0xF, v4;
	[tilespmem:v61+s7+$0x0] =	vst.idx.msk $0xffff, v16  }
0x3d8: {  	v48 =	vor.u32 $0x10, v4;
	[tilespmem:v59+s7+$0x0] =	vst.idx.msk $0xffff, v50;
	v50 =	vld [tilespmem:$0x1FBC0]  }
0x3d9: {  	v57 =	vor.u32 $0x11, v4  }
0x3da: {  	v59 =	vor.u32 $0x12, v4  }
0x3db: {  	v14 =	vnsel vm10, $0x0, v14;
	[tilespmem:v56+s7+$0x0] =	vst.idx.msk $0xffff, v54  }
0x3dc: {  	vm10 =	vge.f32 v21, $1.250000000e-01;
	v47 =	vmul.f32 v19, v49;
	v54 =	vmul.f32 v21, v41;
	[tilespmem:v37+s7+$0x0] =	vst.idx.msk $0xffff, v43  }
0x3dd: {  	vm8 =	vge.f32 v13, $1.250000000e-01;
	v55 =	vld [tilespmem:$0x1FBD0];
	v21 =	vmul.f32 v13, v41;
	[tilespmem:v48+s7+$0x0] =	vst.idx.msk $0xffff, v44;
	v13 =	vmul.f32 v19, v50  }
0x3de: {  	v39 =	vadd.f32 v39, v36;
	[tilespmem:v57+s7+$0x0] =	vst.idx.msk $0xffff, v47;
	v57 =	vld [tilespmem:$0x1FBE0]  }
0x3df: {  	v61 =	vor.u32 $0x13, v4;
	[tilespmem:v59+s7+$0x0] =	vst.idx.msk $0xffff, v13;
	v59 =	vld [tilespmem:$0x1FBF0]  }
0x3e0: {  	v39 =	vadd.f32 v39, v14;
	v49 =	vor.u32 $0x14, v4;
	v48 =	vld [tilespmem:$0x1FC00]  }
0x3e1: {  	v15 =	vnsel vm11, $0x0, v15;
	v52 =	vor.u32 $0x15, v4  }
0x3e2: {  	v39 =	vadd.f32 v39, v15;
	v56 =	vor.u32 $0x16, v4;
	v16 =	vmul.f32 v19, v55  }
0x3e3: {  	v13 =	vnsel vm7, $0x0, v32;
	v32 =	vmul.f32 v19, v57  }
0x3e4: {  	v39 =	vadd.f32 v39, v27;
	[tilespmem:v61+s7+$0x0] =	vst.idx.msk $0xffff, v16;
	v61 =	vmul.f32 v19, v59  }
0x3e5: {  	vm9 =	vge.f32 v17, $1.250000000e-01;
	v43 =	vmul.f32 v17, v41;
	v17 =	vmul.f32 v19, v48;
	[tilespmem:v49+s7+$0x0] =	vst.idx.msk $0xffff, v32  }
0x3e6: {  	v39 =	vadd.f32 v39, v38;
	v50 =	vld [tilespmem:$0x1FC10];
	[tilespmem:v52+s7+$0x0] =	vst.idx.msk $0xffff, v61  }
0x3e7: {  	[tilespmem:v56+s7+$0x0] =	vst.idx.msk $0xffff, v17;
	v56 =	vld [tilespmem:$0x1FC20]  }
0x3e8: {  	v39 =	vadd.f32 v39, v6;
	v44 =	vor.u32 $0x17, v4  }
0x3e9: {  	v46 =	vor.u32 $0x18, v4  }
0x3ea: {  	v39 =	vadd.f32 v39, v40  }
0x3eb: {  	v32 =	vmul.f32 v19, v50  }
0x3ec: {  	v39 =	vadd.f32 v13, v39;
	v17 =	vnsel vm5, $0x0, v26;
	v26 =	vmul.f32 v19, v56  }
0x3ed: {  	vm11 =	vge.f32 v22, $1.250000000e-01;
	vm13 =	vge.f32 v25, $1.250000000e-01;
	v16 =	vnsel vm6, $0x0, v30;
	v59 =	vld [tilespmem:$0x1FC30];
	[tilespmem:v44+s7+$0x0] =	vst.idx.msk $0xffff, v32  }
0x3ee: {  	vm12 =	vge.f32 v24, $1.250000000e-01;
	vm15 =	vge.f32 v31, $1.250000000e-01;
	v52 =	vadd.f32 v39, v16;
	[tilespmem:v46+s7+$0x0] =	vst.idx.msk $0xffff, v26;
	v46 =	vld [tilespmem:$0x1FC40]  }
0x3ef: {  	vm14 =	vge.f32 v28, $1.250000000e-01;
	v31 =	vmul.f32 v31, v41;
	v48 =	vld [tilespmem:$0x1FC50];
	v49 =	vor.u32 $0x19, v4  }
0x3f0: {  	v28 =	vmul.f32 v28, v41;
	v55 =	vor.u32 $0x1A, v4;
	v37 =	vadd.f32 v52, v17;
	v52 =	vld [tilespmem:$0x1FC60]  }
0x3f1: {  	v25 =	vmul.f32 v25, v41;
	v24 =	vmul.f32 v24, v41;
	v57 =	vor.u32 $0x1B, v4;
	v56 =	vld [tilespmem:$0x1FC70]  }
0x3f2: {  	v22 =	vmul.f32 v22, v41;
	v61 =	vor.u32 $0x1C, v4;
	v32 =	vmul.f32 v19, v59;
	v59 =	vld [tilespmem:$0x1FC80]  }
0x3f3: {  	v41 =	vnsel vm4, $0x0, v23;
	v26 =	vor.u32 $0x1D, v4;
	v23 =	vmul.f32 v19, v46  }
0x3f4: {  	v50 =	vor.u32 $0x1E, v4;
	v30 =	vmul.f32 v19, v48;
	[tilespmem:v49+s7+$0x0] =	vst.idx.msk $0xffff, v32  }
0x3f5: {  	v44 =	vnsel vm3, $0x0, v20;
	v20 =	vmul.f32 v19, v52;
	[tilespmem:v55+s7+$0x0] =	vst.idx.msk $0xffff, v23  }
0x3f6: {  	[tilespmem:v57+s7+$0x0] =	vst.idx.msk $0xffff, v30;
	v30 =	vmul.f32 v19, v56  }
0x3f7: {  	v46 =	vnsel vm2, $0x0, v5;
	v5 =	vmul.f32 v19, v59;
	[tilespmem:v61+s7+$0x0] =	vst.idx.msk $0xffff, v20  }
0x3f8: {  	v48 =	vld [tilespmem:$0x1FC90];
	[tilespmem:v26+s7+$0x0] =	vst.idx.msk $0xffff, v30  }
0x3f9: {  	[tilespmem:v50+s7+$0x0] =	vst.idx.msk $0xffff, v5;
	v50 =	vld [tilespmem:$0x1FCA0]  }
0x3fa: {  	v55 =	vor.u32 $0x1F, v4  }
0x3fb: {  	v57 =	vor.u32 $0x20, v4;
	_ =	sdelay $0x1  }
0x3fc: {  	v26 =	vmul.f32 v19, v48  }
0x3fd: {  	v47 =	vnsel vm1, $0x0, v3;
	v49 =	vadd.f32 v37, v41;
	v3 =	vmul.f32 v19, v50  }
0x3fe: {  	[tilespmem:v55+s7+$0x0] =	vst.idx.msk $0xffff, v26;
	v55 =	vld [tilespmem:$0x1FCB0]  }
0x3ff: {  	v32 =	vadd.f32 v49, v44;
	[tilespmem:v57+s7+$0x0] =	vst.idx.msk $0xffff, v3;
	v57 =	vld [tilespmem:$0x1FCC0]  }
0x400: {  	v59 =	vld [tilespmem:$0x1FCD0];
	v61 =	vor.u32 $0x21, v4  }
0x401: {  	v49 =	vadd.f32 v32, v46;
	v32 =	vor.u32 $0x22, v4  }
0x402: {  	v52 =	vor.u32 $0x23, v4  }
0x403: {  	v23 =	vmul.f32 v19, v55  }
0x404: {  	v48 =	vnsel vm0, $0x0, v2;
	v2 =	vmul.f32 v19, v57  }
0x405: {  	v20 =	vmul.f32 v19, v59;
	[tilespmem:v61+s7+$0x0] =	vst.idx.msk $0xffff, v23  }
0x406: {  	v39 =	vld [tilespmem:$0x1FCE0];
	[tilespmem:v32+s7+$0x0] =	vst.idx.msk $0xffff, v2  }
0x407: {  	[tilespmem:v52+s7+$0x0] =	vst.idx.msk $0xffff, v20;
	v52 =	vld [tilespmem:$0x1FCF0]  }
0x408: {  	v30 =	vor.u32 $0x24, v4;
	v57 =	vld [tilespmem:$0x1FD00]  }
0x409: {  	v59 =	vld [tilespmem:$0x1FD10];
	v3 =	vor.u32 $0x25, v4  }
0x40a: {  	v26 =	vor.u32 $0x26, v4  }
0x40b: {  	v45 =	vor.u32 $0x27, v4;
	v56 =	vadd.f32 v49, v47;
	v2 =	vmul.f32 v19, v39  }
0x40c: {  	v5 =	vmul.f32 v19, v52  }
0x40d: {  	v61 =	vadd.f32 v56, v48;
	[tilespmem:v30+s7+$0x0] =	vst.idx.msk $0xffff, v2;
	v2 =	vmul.f32 v19, v57  }
0x40e: {  	v37 =	vnsel vm15, $0x0, v31;
	[tilespmem:v3+s7+$0x0] =	vst.idx.msk $0xffff, v5;
	v3 =	vmul.f32 v19, v59  }
0x40f: {  	v55 =	vadd.f32 v37, v61;
	v32 =	vld [tilespmem:$0x1FD20];
	[tilespmem:v26+s7+$0x0] =	vst.idx.msk $0xffff, v2  }
0x410: {  	v50 =	vnsel vm14, $0x0, v28;
	[tilespmem:v45+s7+$0x0] =	vst.idx.msk $0xffff, v3;
	v45 =	vld [tilespmem:$0x1FD30]  }
0x411: {  	v56 =	vor.u32 $0x28, v4;
	v61 =	vadd.f32 v55, v50;
	v55 =	vld [tilespmem:$0x1FD40]  }
0x412: {  	v28 =	vor.u32 $0x29, v4;
	v59 =	vld [tilespmem:$0x1FD50]  }
0x413: {  	v30 =	vor.u32 $0x2A, v4  }
0x414: {  	v39 =	vor.u32 $0x2B, v4;
	v2 =	vmul.f32 v19, v32  }
0x415: {  	v3 =	vmul.f32 v19, v45  }
0x416: {  	v31 =	vld [tilespmem:$0x1FD60];
	[tilespmem:v56+s7+$0x0] =	vst.idx.msk $0xffff, v2;
	v2 =	vmul.f32 v19, v55  }
0x417: {  	v32 =	vld [tilespmem:$0x1FD70];
	[tilespmem:v28+s7+$0x0] =	vst.idx.msk $0xffff, v3;
	v3 =	vmul.f32 v19, v59  }
0x418: {  	v49 =	vor.u32 $0x2C, v4;
	v45 =	vld [tilespmem:$0x1FD80];
	[tilespmem:v30+s7+$0x0] =	vst.idx.msk $0xffff, v2  }
0x419: {  	v52 =	vnsel vm13, $0x0, v25;
	v56 =	vor.u32 $0x2D, v4;
	[tilespmem:v39+s7+$0x0] =	vst.idx.msk $0xffff, v3;
	v3 =	vnsel vm10, $0x0, v54;
	v54 =	vld [tilespmem:$0x1FD90]  }
0x41a: {  	v5 =	vadd.f32 v61, v52;
	v61 =	vor.u32 $0x2E, v4;
	v59 =	vld [tilespmem:$0x1FDA0]  }
0x41b: {  	v20 =	vmul.f32 v19, v31;
	v31 =	vld [tilespmem:$0x1FDB0];
	v2 =	vnsel vm11, $0x0, v22;
	v22 =	vor.u32 $0x2F, v4  }
0x41c: {  	v57 =	vnsel vm12, $0x0, v24;
	v28 =	vor.u32 $0x30, v4;
	v39 =	vmul.f32 v19, v32  }
0x41d: {  	v5 =	vadd.f32 v5, v57;
	[tilespmem:v49+s7+$0x0] =	vst.idx.msk $0xffff, v20;
	v20 =	vmul.f32 v19, v45;
	v49 =	vor.u32 $0x31, v4  }
0x41e: {  	[tilespmem:v56+s7+$0x0] =	vst.idx.msk $0xffff, v39;
	v23 =	vmul.f32 v19, v54  }
0x41f: {  	v5 =	vadd.f32 v5, v2;
	[tilespmem:v61+s7+$0x0] =	vst.idx.msk $0xffff, v20;
	v20 =	vmul.f32 v19, v59  }
0x420: {  	[tilespmem:v22+s7+$0x0] =	vst.idx.msk $0xffff, v23;
	v22 =	vmul.f32 v19, v31  }
0x421: {  	v55 =	vadd.f32 v5, v3;
	v5 =	vnsel vm9, $0x0, v43;
	v43 =	vld [tilespmem:$0x1FDC0];
	[tilespmem:v28+s7+$0x0] =	vst.idx.msk $0xffff, v20  }
0x422: {  	[tilespmem:v49+s7+$0x0] =	vst.idx.msk $0xffff, v22;
	v49 =	vld [tilespmem:$0x1FDD0]  }
0x423: {  	v56 =	vor.u32 $0x32, v4;
	v32 =	vadd.f32 v55, v5;
	v55 =	vld [tilespmem:$0x1FDE0]  }
0x424: {  	v61 =	vor.u32 $0x33, v4;
	v59 =	vld [tilespmem:$0x1FDF0]  }
0x425: {  	v39 =	vor.u32 $0x34, v4  }
0x426: {  	v45 =	vor.u32 $0x35, v4;
	v20 =	vmul.f32 v19, v43  }
0x427: {  	v22 =	vmul.f32 v19, v49  }
0x428: {  	[tilespmem:v56+s7+$0x0] =	vst.idx.msk $0xffff, v20;
	v20 =	vmul.f32 v19, v55  }
0x429: {  	v31 =	vld [tilespmem:$0x1FE00];
	[tilespmem:v61+s7+$0x0] =	vst.idx.msk $0xffff, v22;
	v22 =	vmul.f32 v19, v59  }
0x42a: {  	[tilespmem:v39+s7+$0x0] =	vst.idx.msk $0xffff, v20;
	v39 =	vld [tilespmem:$0x1FE10]  }
0x42b: {  	v54 =	vor.u32 $0x36, v4;
	[tilespmem:v45+s7+$0x0] =	vst.idx.msk $0xffff, v22;
	v45 =	vld [tilespmem:$0x1FE20]  }
0x42c: {  	v56 =	vor.u32 $0x37, v4  }
0x42d: {  	v61 =	vor.u32 $0x38, v4  }
0x42e: {  	v20 =	vmul.f32 v19, v31  }
0x42f: {  	v22 =	vmul.f32 v19, v39  }
0x430: {  	[tilespmem:v54+s7+$0x0] =	vst.idx.msk $0xffff, v20;
	v54 =	vld [tilespmem:$0x1FE30];
	v20 =	vmul.f32 v19, v45  }
0x431: {  	v21 =	vnsel vm8, $0x0, v21;
	[tilespmem:v56+s7+$0x0] =	vst.idx.msk $0xffff, v22;
	v56 =	vld [tilespmem:$0x1FE40]  }
0x432: {  	v23 =	vadd.f32 v32, v21;
	v32 =	vor.u32 $0x39, v4;
	[tilespmem:v61+s7+$0x0] =	vst.idx.msk $0xffff, v20;
	v61 =	vld [tilespmem:$0x1FE50]  }
0x433: {  	v43 =	vor.u32 $0x3A, v4;
	v31 =	vld [tilespmem:$0x1FE60]  }
0x434: {  	v49 =	vor.u32 $0x3B, v4  }
0x435: {  	v55 =	vor.u32 $0x3C, v4;
	v22 =	vmul.f32 v19, v54  }
0x436: {  	v20 =	vmul.f32 v19, v56  }
0x437: {  	[tilespmem:v32+s7+$0x0] =	vst.idx.msk $0xffff, v22;
	v22 =	vmul.f32 v19, v61  }
0x438: {  	v39 =	vld [tilespmem:$0x1FE70];
	[tilespmem:v43+s7+$0x0] =	vst.idx.msk $0xffff, v20;
	v20 =	vmul.f32 v19, v31  }
0x439: {  	[tilespmem:v49+s7+$0x0] =	vst.idx.msk $0xffff, v22;
	v49 =	vld [tilespmem:$0x1FE90]  }
0x43a: {  	v23 =	vmax.f32 v23, $9.999999710e-10;
	v59 =	vor.u32 $0x3D, v4;
	[tilespmem:v55+s7+$0x0] =	vst.idx.msk $0xffff, v20;
	v55 =	vld [tilespmem:$0x1FEA0]  }
0x43b: {  	v30 =	vor.u32 $0x3E, v4;
	(erf) = vrcp.f32 v23  }
0x43c: {  	v32 =	vor.u32 $0x3F, v4  }
0x43d: {  	v45 =	vld [tilespmem:$0x1FE80];
	v43 =	vmul.f32 v19, v39  }
0x43e: {  	v20 =	vmul.f32 v19, v49  }
0x43f: {  	[tilespmem:v59+s7+$0x0] =	vst.idx.msk $0xffff, v43;
	v22 =	vmul.f32 v19, v55  }
0x440: {  	v59 =	vld [tilespmem:$0x1FEB0];
	[tilespmem:v30+s7+$0x0] =	vst.idx.msk $0xffff, v20  }
0x441: {  	[tilespmem:v32+s7+$0x0] =	vst.idx.msk $0xffff, v22;
	v32 =	vld [tilespmem:$0x1FEC0]  }
0x442: {  	v4 =	vshll.u32 v45, $0x6;
	v43 =	vld [tilespmem:$0x1FED0]  }
0x443: {  	v54 =	vor.u32 $0x1, v4;
	v49 =	vld [tilespmem:$0x1FEE0]  }
0x444: {  	v56 =	vor.u32 $0x2, v4;
	v19 =	vpop (erf);
	v55 =	vld [tilespmem:$0x1FEF0]  }
0x445: {  	v61 =	vor.u32 $0x3, v4;
	v20 =	vmul.f32 v19, v59;
	v59 =	vld [tilespmem:$0x1FF00]  }
0x446: {  	v39 =	vor.u32 $0x4, v4;
	v22 =	vmul.f32 v19, v32;
	v32 =	vld [tilespmem:$0x1FF10]  }
0x447: {  	v45 =	vor.u32 $0x5, v4;
	[tilespmem:v4+s7+$0x0] =	vst.idx.msk $0xffff, v20;
	v20 =	vmul.f32 v19, v43;
	v43 =	vld [tilespmem:$0x1FF20]  }
0x448: {  	[tilespmem:v54+s7+$0x0] =	vst.idx.msk $0xffff, v22;
	v22 =	vmul.f32 v19, v49;
	v54 =	vor.u32 $0x6, v4;
	v49 =	vld [tilespmem:$0x1FF30]  }
0x449: {  	[tilespmem:v56+s7+$0x0] =	vst.idx.msk $0xffff, v20;
	v20 =	vmul.f32 v19, v55;
	v56 =	vor.u32 $0x7, v4;
	v55 =	vld [tilespmem:$0x1FF40]  }
0x44a: {  	[tilespmem:v61+s7+$0x0] =	vst.idx.msk $0xffff, v22;
	v22 =	vmul.f32 v19, v59;
	v61 =	vor.u32 $0x8, v4;
	v59 =	vld [tilespmem:$0x1FF50]  }
0x44b: {  	[tilespmem:v39+s7+$0x0] =	vst.idx.msk $0xffff, v20;
	v20 =	vmul.f32 v19, v32;
	v39 =	vor.u32 $0x9, v4;
	v32 =	vld [tilespmem:$0x1FF60]  }
0x44c: {  	[tilespmem:v45+s7+$0x0] =	vst.idx.msk $0xffff, v22;
	v22 =	vmul.f32 v19, v43;
	v45 =	vor.u32 $0xA, v4;
	v43 =	vld [tilespmem:$0x1FF70]  }
0x44d: {  	[tilespmem:v54+s7+$0x0] =	vst.idx.msk $0xffff, v20;
	v20 =	vmul.f32 v19, v49;
	v54 =	vor.u32 $0xB, v4;
	v49 =	vld [tilespmem:$0x1FF80]  }
0x44e: {  	[tilespmem:v56+s7+$0x0] =	vst.idx.msk $0xffff, v22;
	v22 =	vmul.f32 v19, v55;
	v56 =	vor.u32 $0xC, v4;
	v55 =	vld [tilespmem:$0x1FF90]  }
0x44f: {  	[tilespmem:v61+s7+$0x0] =	vst.idx.msk $0xffff, v20;
	v20 =	vmul.f32 v19, v59;
	v61 =	vor.u32 $0xD, v4;
	v59 =	vld [tilespmem:$0x1FFA0]  }
0x450: {  	[tilespmem:v39+s7+$0x0] =	vst.idx.msk $0xffff, v22;
	v22 =	vmul.f32 v19, v32;
	v39 =	vor.u32 $0xE, v4;
	v32 =	vld [tilespmem:$0x1FFB0]  }
0x451: {  	[tilespmem:v45+s7+$0x0] =	vst.idx.msk $0xffff, v20;
	v20 =	vmul.f32 v19, v43;
	v45 =	vor.u32 $0xF, v4;
	v43 =	vld [tilespmem:$0x1FFC0]  }
0x452: {  	[tilespmem:v54+s7+$0x0] =	vst.idx.msk $0xffff, v22;
	v22 =	vmul.f32 v19, v49;
	v54 =	vor.u32 $0x10, v4;
	v49 =	vld [tilespmem:$0x1FFD0]  }
0x453: {  	[tilespmem:v56+s7+$0x0] =	vst.idx.msk $0xffff, v20;
	v20 =	vmul.f32 v19, v55;
	v56 =	vor.u32 $0x11, v4  }
0x454: {  	[tilespmem:v61+s7+$0x0] =	vst.idx.msk $0xffff, v22;
	v22 =	vmul.f32 v19, v59;
	v61 =	vor.u32 $0x12, v4;
	v59 =	vld [tilespmem:$0x1FFE0]  }
0x455: {  	v31 =	vld [tilespmem:$0x1FFF0];
	[tilespmem:v39+s7+$0x0] =	vst.idx.msk $0xffff, v20;
	v20 =	vmul.f32 v19, v32;
	v39 =	vor.u32 $0x13, v4  }
0x456: {  	[tilespmem:v45+s7+$0x0] =	vst.idx.msk $0xffff, v22;
	v22 =	vmul.f32 v19, v43;
	v45 =	vor.u32 $0x14, v4  }
0x457: {  	[tilespmem:v54+s7+$0x0] =	vst.idx.msk $0xffff, v20;
	v20 =	vmul.f32 v19, v49;
	v54 =	vor.u32 $0x15, v4  }
0x458: {  	v55 =	vmul.f32 v19, v42;
	[tilespmem:v56+s7+$0x0] =	vst.idx.msk $0xffff, v22;
	v56 =	vor.u32 $0x16, v4  }
0x459: {  	[tilespmem:v61+s7+$0x0] =	vst.idx.msk $0xffff, v20;
	v20 =	vmul.f32 v19, v59;
	v61 =	vor.u32 $0x17, v4  }
0x45a: {  	v32 =	vor.u32 $0x18, v4;
	v22 =	vmul.f32 v19, v31;
	[tilespmem:v39+s7+$0x0] =	vst.idx.msk $0xffff, v55  }
0x45b: {  	v42 =	vor.u32 $0x19, v4;
	v39 =	vmul.f32 v19, v60;
	[tilespmem:v45+s7+$0x0] =	vst.idx.msk $0xffff, v20  }
0x45c: {  	v43 =	vmul.f32 v19, v51;
	v45 =	vor.u32 $0x1A, v4;
	[tilespmem:v54+s7+$0x0] =	vst.idx.msk $0xffff, v22  }
0x45d: {  	v51 =	vor.u32 $0x1B, v4;
	v49 =	vmul.f32 v19, v53;
	[tilespmem:v56+s7+$0x0] =	vst.idx.msk $0xffff, v39  }
0x45e: {  	v53 =	vmul.f32 v19, v58;
	v54 =	vor.u32 $0x1C, v4;
	[tilespmem:v61+s7+$0x0] =	vst.idx.msk $0xffff, v43  }
0x45f: {  	v55 =	vmul.f32 v19, v63;
	v56 =	vor.u32 $0x1D, v4;
	[tilespmem:v32+s7+$0x0] =	vst.idx.msk $0xffff, v49  }
0x460: {  	v58 =	vmul.f32 v19, v62;
	v59 =	vor.u32 $0x1E, v4;
	[tilespmem:v42+s7+$0x0] =	vst.idx.msk $0xffff, v53  }
0x461: {  	v60 =	vmul.f32 v19, v35;
	v61 =	vor.u32 $0x1F, v4;
	[tilespmem:v45+s7+$0x0] =	vst.idx.msk $0xffff, v55  }
0x462: {  	v30 =	vor.u32 $0x20, v4;
	v62 =	vmul.f32 v19, v34;
	[tilespmem:v51+s7+$0x0] =	vst.idx.msk $0xffff, v58  }
0x463: {  	v31 =	vmul.f32 v19, v33;
	v32 =	vor.u32 $0x21, v4;
	[tilespmem:v54+s7+$0x0] =	vst.idx.msk $0xffff, v60  }
0x464: {  	v1 =	vmul.f32 v19, v1;
	v33 =	vor.u32 $0x22, v4;
	[tilespmem:v56+s7+$0x0] =	vst.idx.msk $0xffff, v62  }
0x465: {  	v7 =	vmul.f32 v19, v7;
	v34 =	vor.u32 $0x23, v4;
	[tilespmem:v59+s7+$0x0] =	vst.idx.msk $0xffff, v31  }
0x466: {  	v0 =	vmul.f32 v19, v0;
	v35 =	vor.u32 $0x24, v4;
	[tilespmem:v61+s7+$0x0] =	vst.idx.msk $0xffff, v1  }
0x467: {  	v39 =	vmul.f32 v19, v12;
	v42 =	vor.u32 $0x25, v4;
	[tilespmem:v30+s7+$0x0] =	vst.idx.msk $0xffff, v7  }
0x468: {  	v43 =	vmul.f32 v19, v9;
	v45 =	vor.u32 $0x26, v4;
	[tilespmem:v32+s7+$0x0] =	vst.idx.msk $0xffff, v0  }
0x469: {  	v49 =	vmul.f32 v19, v10;
	v51 =	vor.u32 $0x27, v4;
	[tilespmem:v33+s7+$0x0] =	vst.idx.msk $0xffff, v39  }
0x46a: {  	v53 =	vmul.f32 v19, v11;
	v54 =	vor.u32 $0x28, v4;
	[tilespmem:v34+s7+$0x0] =	vst.idx.msk $0xffff, v43  }
0x46b: {  	v55 =	vmul.f32 v19, v8;
	v56 =	vor.u32 $0x29, v4;
	[tilespmem:v35+s7+$0x0] =	vst.idx.msk $0xffff, v49  }
0x46c: {  	v58 =	vmul.f32 v19, v18;
	v59 =	vor.u32 $0x2A, v4;
	[tilespmem:v42+s7+$0x0] =	vst.idx.msk $0xffff, v53  }
0x46d: {  	v60 =	vmul.f32 v19, v29;
	v61 =	vor.u32 $0x2B, v4;
	[tilespmem:v45+s7+$0x0] =	vst.idx.msk $0xffff, v55  }
0x46e: {  	v12 =	vor.u32 $0x2C, v4;
	v62 =	vmul.f32 v19, v36;
	[tilespmem:v51+s7+$0x0] =	vst.idx.msk $0xffff, v58  }
0x46f: {  	v14 =	vmul.f32 v19, v14;
	v18 =	vor.u32 $0x2D, v4;
	[tilespmem:v54+s7+$0x0] =	vst.idx.msk $0xffff, v60  }
0x470: {  	v20 =	vmul.f32 v19, v15;
	v22 =	vor.u32 $0x2E, v4;
	[tilespmem:v56+s7+$0x0] =	vst.idx.msk $0xffff, v62  }
0x471: {  	v24 =	vor.u32 $0x2F, v4;
	v23 =	vmul.f32 v19, v27;
	[tilespmem:v59+s7+$0x0] =	vst.idx.msk $0xffff, v14  }
0x472: {  	v26 =	vor.u32 $0x30, v4;
	v25 =	vmul.f32 v19, v38;
	[tilespmem:v61+s7+$0x0] =	vst.idx.msk $0xffff, v20  }
0x473: {  	v28 =	vor.u32 $0x31, v4;
	v27 =	vmul.f32 v19, v6;
	[tilespmem:v12+s7+$0x0] =	vst.idx.msk $0xffff, v23  }
0x474: {  	v29 =	vmul.f32 v19, v40;
	v30 =	vor.u32 $0x32, v4;
	[tilespmem:v18+s7+$0x0] =	vst.idx.msk $0xffff, v25  }
0x475: {  	v31 =	vmul.f32 v19, v13;
	v32 =	vor.u32 $0x33, v4;
	[tilespmem:v22+s7+$0x0] =	vst.idx.msk $0xffff, v27  }
0x476: {  	v33 =	vmul.f32 v19, v16;
	v34 =	vor.u32 $0x34, v4;
	[tilespmem:v24+s7+$0x0] =	vst.idx.msk $0xffff, v29  }
0x477: {  	v36 =	vor.u32 $0x35, v4;
	v35 =	vmul.f32 v19, v17;
	[tilespmem:v26+s7+$0x0] =	vst.idx.msk $0xffff, v31  }
0x478: {  	v38 =	vmul.f32 v19, v41;
	v39 =	vor.u32 $0x36, v4;
	[tilespmem:v28+s7+$0x0] =	vst.idx.msk $0xffff, v33  }
0x479: {  	v41 =	vor.u32 $0x37, v4;
	v40 =	vmul.f32 v19, v44;
	[tilespmem:v30+s7+$0x0] =	vst.idx.msk $0xffff, v35  }
0x47a: {  	v43 =	vor.u32 $0x38, v4;
	v42 =	vmul.f32 v19, v46;
	[tilespmem:v32+s7+$0x0] =	vst.idx.msk $0xffff, v38  }
0x47b: {  	v44 =	vmul.f32 v19, v47;
	v45 =	vor.u32 $0x39, v4;
	[tilespmem:v34+s7+$0x0] =	vst.idx.msk $0xffff, v40  }
0x47c: {  	v47 =	vor.u32 $0x3A, v4;
	v46 =	vmul.f32 v19, v48;
	[tilespmem:v36+s7+$0x0] =	vst.idx.msk $0xffff, v42  }
0x47d: {  	v49 =	vor.u32 $0x3B, v4;
	v48 =	vmul.f32 v19, v37;
	[tilespmem:v39+s7+$0x0] =	vst.idx.msk $0xffff, v44  }
0x47e: {  	v53 =	vor.u32 $0x3C, v4;
	v51 =	vmul.f32 v19, v50;
	[tilespmem:v41+s7+$0x0] =	vst.idx.msk $0xffff, v46  }
0x47f: {  	v55 =	vor.u32 $0x3D, v4;
	v54 =	vmul.f32 v19, v52;
	[tilespmem:v43+s7+$0x0] =	vst.idx.msk $0xffff, v48  }
0x480: {  	s9 =	sadd.s32 $0x4, s9;
	v56 =	vmul.f32 v19, v57;
	v57 =	vor.u32 $0x3E, v4;
	[tilespmem:v45+s7+$0x0] =	vst.idx.msk $0xffff, v51  }
0x481: {  	p0 =	slt.u32 s9, $0x1C;
	v58 =	vmul.f32 v19, v2;
	v59 =	vor.u32 $0x3F, v4;
	[tilespmem:v47+s7+$0x0] =	vst.idx.msk $0xffff, v54  }
.Ltmp0:
0x482: {  	v60 =	vmul.f32 v19, v3;
	[tilespmem:v49+s7+$0x0] =	vst.idx.msk $0xffff, v56;
	(pc) =	sbr.rel @p0 .LBB2_2-.Ltmp0, $4  }
0x483: {  	v61 =	vmul.f32 v19, v5;
	[tilespmem:v53+s7+$0x0] =	vst.idx.msk $0xffff, v58  }
0x484: {  	v62 =	vmul.f32 v19, v21;
	[tilespmem:v55+s7+$0x0] =	vst.idx.msk $0xffff, v60  }
0x485: {  	[tilespmem:v57+s7+$0x0] =	vst.idx.msk $0xffff, v61  }
0x486: {  	s10 =	sadd.s32 $0x40, s10;
	v63 =	vlaneseq.u32;
	[tilespmem:v59+s7+$0x0] =	vst.idx.msk $0xffff, v62  }
0x487: {  	s8 =	sadd.s32 $0x1, s8  }
0x488: {  	p0 =	sne.s32 s8, s5  }
.Ltmp1:
0x489: {  	_ = 	snop;
	(pc) =	sbr.rel @p0 .LBB2_1-.Ltmp1, $4  }
0x48a: {  	[hbm4b:s4+s2] =	stream.linear.scatter [tilespmem:s7], [sflag:$0x1], $0x8000, $0x38;
	[tilespmem:$0x11000] =	vst v63  }
0x48b: {  	_ =	swait.ge [sflag:s6], $0x8000  }
0x48c: {  	[sflag:s6] =	ssyncset.done $0x0  }
0x48d: {  	[sflag:s6] =	ssyncadd.s32 $0xFFFF8000  }
0x48e: {  	_ =	sfence.sel $0x180000  }
0x48f: {  	[bflag:$0x0] =	sbarrier.arrive $0xFFFF  }
0x490: {  	p0 =	sne.s32 s0, $0x0;
	_ =	strace $0x90000047  }
0x491: {  	s0 =	sadd.s32 @!p0 $0x100000, s1;
	[bflag:$0x2] =	sbarrier.arrive $0xFFFF  }
0x492: {  	[sflag:s0] =	ssyncadd.tile.s32 @!p0 $0x1;
	_ =	shalt  }
.Lfunc_end2:
_tile_overlayer_lowered:
.L_overlay_start_2:
0x493: {  	(tag) =	ssettag $0x2  }
0x494: {  	s0 =	rddreg [dreg:$0x0];
	s2 =	stileid.u32  }
0x495: {  	s1 =	rddreg [dreg:$0x1];
	p0 =	sne.s32 s2, $0x0  }
0x496: {  	s3 =	rddreg [dreg:$0x2];
	[bflag:$0x3] =	sbarrier.arrive $0xFFFF;
	s2 =	simm.s32 @!p0 $0x1C01  }
0x497: {  	[timem:s3], [sflag:s2] =	dma.local @!p0 [hbm:s0], s1  }
0x498: {  	s0 =	simm.s32 @!p0 $0x1  }
0x499: {  	_ =	swait.ge @!p0 [sflag:s0], s1  }
0x49a: {  	s1 =	ssub.s32 @!p0 $0x0, s1;
	[sflag:s0] =	ssyncset.done @!p0 $0x0  }
0x49b: {  	[sflag:s0] =	ssyncadd.s32 @!p0 s1  }
0x49c: {  	[bflag:$0x3] =	sbarrier.arrive $0xFFFF  }
0x49d: {  	_ =	shalt  }

</sc_bundles>
